<compile_context>
chip_gen: v7x
topology: tpu7x:2x2x1
jax: 0.10.2.dev20260603
libtpu: 0.0.44.dev20260713+nightly
codegen_flags: <defaults>
</compile_context>

<pallas_src>
import functools

import jax
import jax.numpy as jnp
from jax import lax
from jax.experimental import pallas as pl
from jax.experimental.pallas import tpu as pltpu
from jax.experimental.pallas import tpu_sc as plsc

NC = 2
NS = 16
NW = NC * NS
LANES = 16
K = 112
NSLOT = 3

F32 = jnp.float32
I32 = jnp.int32


def _mesh():
    return plsc.VectorSubcoreMesh(core_axis_name="c", subcore_axis_name="s")


def _sc_degrees(P, EPW):

    @functools.partial(
        pl.kernel,
        out_type=jax.ShapeDtypeStruct((NW, P), F32),
        mesh=_mesh(),
        compiler_params=pltpu.CompilerParams(needs_layout_passes=False),
        scratch_types=[
            pltpu.VMEM((2, EPW), I32),
            pltpu.VMEM((P,), F32),
        ],
    )
    def k(ei_hbm, out_hbm, eix_v, acc_v):
        c = lax.axis_index("c")
        s = lax.axis_index("s")
        w = c * NS + s

        def zero(i, _):
            acc_v[pl.ds(i * LANES, LANES)] = jnp.zeros((LANES,), F32)
            return 0

        lax.fori_loop(0, P // LANES, zero, 0)
        pltpu.sync_copy(ei_hbm.at[:, w], eix_v)
        ones16 = jnp.ones((LANES,), F32)

        def body(j, _):
            idx = eix_v[1, pl.ds(j * LANES, LANES)]
            plsc.addupdate_scatter(acc_v, [idx], ones16)
            return 0

        lax.fori_loop(0, EPW // LANES, body, 0)
        pltpu.sync_copy(acc_v, out_hbm.at[w])

    return k


def _sc_rows(P, NCHUNK, EPW):
    STRIPE = P // NS

    @functools.partial(
        pl.kernel,
        out_type=jax.ShapeDtypeStruct((NC, P, 128), F32),
        mesh=_mesh(),
        compiler_params=pltpu.CompilerParams(needs_layout_passes=False),
        scratch_types=(
            [pltpu.VMEM((2, K), I32) for _ in range(2 * NSLOT)]
            + [pltpu.VMEM((K, 128), F32) for _ in range(NSLOT)]
            + [pltpu.VMEM_SHARED((P, 128), F32)]
            + [pltpu.SemaphoreType.DMA] * (3 * NSLOT)
        ),
    )
    def k(g_hbm, ei_hbm, out_hbm, *refs):
        eix = refs[0:2 * NSLOT]
        rows = refs[2 * NSLOT:3 * NSLOT]
        acc_sh = refs[3 * NSLOT]
        sem_i = refs[3 * NSLOT + 1:4 * NSLOT + 1]
        sem_g = refs[4 * NSLOT + 1:5 * NSLOT + 1]
        sem_s = refs[5 * NSLOT + 1:]

        c = lax.axis_index("c")
        s = lax.axis_index("s")
        w = c * NS + s

        zero16 = jnp.zeros((LANES,), F32)

        def zrow(r, _):
            for j in range(128 // LANES):
                rows[0][r, pl.ds(j * LANES, LANES)] = zero16
            return 0

        lax.fori_loop(0, K, zrow, 0)
        done = 0
        while done < STRIPE:
            n = min(K, STRIPE - done)
            pltpu.sync_copy(rows[0].at[pl.ds(0, n)],
                            acc_sh.at[pl.ds(s * STRIPE + done, n)])
            done += n
        plsc.subcore_barrier()

        def idx_load(ci, ring, sem):
            pltpu.async_copy(ei_hbm.at[:, w, ci], eix[ring], sem)

        def idx_wait(ci, ring, sem):
            pltpu.make_async_copy(ei_hbm.at[:, w, ci], eix[ring], sem).wait()

        for j in range(NSLOT):
            idx_load(j, j, sem_i[j])

        def round_(k2, _):
            c0 = 2 * NSLOT * k2
            for half in range(2):
                for j in range(NSLOT):
                    m = half * NSLOT + j
                    ci = c0 + m
                    idx_wait(ci, m, sem_i[j])
                    prev = (m + NSLOT) % (2 * NSLOT)
                    drain = lambda j=j, prev=prev: pltpu.make_async_copy(
                        rows[j], acc_sh.at[eix[prev].at[1]], sem_s[j]).wait()
                    if half == 0:
                        pl.when(k2 > 0)(drain)
                    else:
                        drain()
                    pltpu.async_copy(g_hbm.at[eix[m].at[0]], rows[j],
                                     sem_g[j])

                for j in range(NSLOT):
                    m = half * NSLOT + j
                    ci = c0 + m
                    pltpu.make_async_copy(g_hbm.at[eix[m].at[0]], rows[j],
                                          sem_g[j]).wait()
                    pltpu.async_copy(rows[j], acc_sh.at[eix[m].at[1]],
                                     sem_s[j], add=True)

                    @pl.when(ci + NSLOT < NCHUNK)
                    def _(ci=ci, m=m, j=j):
                        idx_load(ci + NSLOT, (m + NSLOT) % (2 * NSLOT),
                                 sem_i[j])

            return 0

        lax.fori_loop(0, NCHUNK // (2 * NSLOT), round_, 0)
        for j in range(NSLOT):
            pltpu.make_async_copy(
                rows[j], acc_sh.at[eix[NSLOT + j].at[1]], sem_s[j]).wait()

        plsc.subcore_barrier()
        done = 0
        while done < STRIPE:
            n = min(K, STRIPE - done)
            sl = pl.ds(s * STRIPE + done, n)
            pltpu.sync_copy(acc_sh.at[sl], rows[0].at[pl.ds(0, n)])
            pltpu.sync_copy(rows[0].at[pl.ds(0, n)], out_hbm.at[c, sl])
            done += n

    return k


def _sc_scalars(P, EPW):

    @functools.partial(
        pl.kernel,
        out_type=jax.ShapeDtypeStruct((NW, P), F32),
        mesh=_mesh(),
        compiler_params=pltpu.CompilerParams(needs_layout_passes=False),
        scratch_types=[
            pltpu.VMEM((2, EPW), I32),
            pltpu.VMEM((P,), F32),
            pltpu.VMEM((P,), F32),
        ],
    )
    def k(zs_hbm, ei_hbm, out_hbm, eix_v, zs_v, acc_v):
        c = lax.axis_index("c")
        s = lax.axis_index("s")
        w = c * NS + s
        pltpu.sync_copy(zs_hbm, zs_v)
        pltpu.sync_copy(ei_hbm.at[:, w], eix_v)

        def zero(i, _):
            acc_v[pl.ds(i * LANES, LANES)] = jnp.zeros((LANES,), F32)
            return 0

        lax.fori_loop(0, P // LANES, zero, 0)

        def body(j, _):
            sl = pl.ds(j * LANES, LANES)
            vals = plsc.load_gather(zs_v, [eix_v[0, sl]])
            plsc.addupdate_scatter(acc_v, [eix_v[1, sl]], vals)
            return 0

        lax.fori_loop(0, EPW // LANES, body, 0)
        pltpu.sync_copy(acc_v, out_hbm.at[w])

    return k


def _tc_g(degT, x_pad, W1, P, BR):
    def body(deg_ref, x_ref, w1_ref, g_ref):
        deg = jnp.sum(deg_ref[...], axis=1, keepdims=True) + 1.0
        dis = lax.rsqrt(deg)
        h = jnp.dot(x_ref[...], w1_ref[...], preferred_element_type=F32)
        g_ref[...] = dis * h

    return pl.pallas_call(
        body,
        grid=(P // BR,),
        in_specs=[
            pl.BlockSpec((BR, NW), lambda i: (i, 0)),
            pl.BlockSpec((BR, 128), lambda i: (i, 0)),
            pl.BlockSpec((128, 128), lambda i: (0, 0)),
        ],
        out_specs=pl.BlockSpec((BR, 128), lambda i: (i, 0)),
        out_shape=jax.ShapeDtypeStruct((P, 128), F32),
    )(degT, x_pad, W1)


def _tc_zs(acc_part, g, degT, b1r, w2r, P, BR):
    def body(acc_ref, g_ref, deg_ref, b1_ref, w2_ref, zs_ref):
        acc = acc_ref[0] + acc_ref[1]
        deg = jnp.sum(deg_ref[...], axis=1, keepdims=True) + 1.0
        dis = lax.rsqrt(deg)
        h1 = jnp.maximum(dis * (acc + g_ref[...]) + b1_ref[...], 0.0)
        z = jnp.sum(h1 * w2_ref[...], axis=1, keepdims=True)
        zs_ref[...] = dis * z

    return pl.pallas_call(
        body,
        grid=(P // BR,),
        in_specs=[
            pl.BlockSpec((NC, BR, 128), lambda i: (0, i, 0)),
            pl.BlockSpec((BR, 128), lambda i: (i, 0)),
            pl.BlockSpec((BR, NW), lambda i: (i, 0)),
            pl.BlockSpec((1, 128), lambda i: (0, 0)),
            pl.BlockSpec((1, 128), lambda i: (0, 0)),
        ],
        out_specs=pl.BlockSpec((BR, 1), lambda i: (i, 0)),
        out_shape=jax.ShapeDtypeStruct((P, 1), F32),
    )(acc_part, g, degT, b1r, w2r)


def _tc_out(sacc2, zs2, deg2, b2r, P):
    R = P // 128

    def body(sacc_ref, zs_ref, deg_ref, b2_ref, out_ref):
        sacc = jnp.sum(sacc_ref[...], axis=0)
        deg = jnp.sum(deg_ref[...], axis=0) + 1.0
        dis = lax.rsqrt(deg)
        out_ref[...] = dis * (sacc + zs_ref[...]) + b2_ref[0, 0]

    return pl.pallas_call(
        body,
        out_shape=jax.ShapeDtypeStruct((R, 128), F32),
    )(sacc2, zs2, deg2, b2r)


def kernel(x, edge_index, W1, b1, W2, b2):
    N, D = x.shape
    H = W1.shape[1]
    E = edge_index.shape[1]

    P = -(-(N + 1) // 2048) * 2048
    EPW = -(-E // (NW * 2 * NSLOT * K)) * 2 * NSLOT * K
    EPAD = EPW * NW
    NCHUNK = EPW // K
    BR = 512

    x_pad = jnp.zeros((P, D), F32).at[:N].set(x)
    dum = N + jnp.arange(EPAD - E, dtype=I32) % (P - N)
    ei = jnp.concatenate(
        [edge_index.astype(I32), jnp.stack([dum, dum])], axis=1)

    ei2 = ei.reshape(2, NW, EPW)
    ei4 = ei.reshape(2, NW, NCHUNK, K)

    deg_part = _sc_degrees(P, EPW)(ei2)
    degT = deg_part.T

    g = _tc_g(degT, x_pad, W1, P, BR)
    acc_part = _sc_rows(P, NCHUNK, EPW)(g, ei4)

    b1r = b1.reshape(1, H)
    w2r = W2.reshape(1, H)
    zs = _tc_zs(acc_part, g, degT, b1r, w2r, P, BR)

    sacc_part = _sc_scalars(P, EPW)(zs.reshape(P), ei2)

    out2 = _tc_out(
        sacc_part.reshape(NW, P // 128, 128),
        zs.reshape(P // 128, 128),
        deg_part.reshape(NW, P // 128, 128),
        b2.reshape(1, 1),
        P,
    )
    return out2.reshape(-1)[:N]

# --- scband reference (transcript-rebuilt; emitter-appended) ---
"""Pipeline reference for scband-gcn-32753420599689 (READ-ONLY COPY).

The authoritative reference and input builder live on the scoring server;
editing this copy changes nothing except your own understanding.
"""

import jax, jax.numpy as jnp
import numpy as np

N_NODES = 10000
N_EDGES = 320000
D_FEAT = 128
HIDDEN = 128
N_TARGETS = 1


def setup_inputs(seed: int = 0) -> dict:
    key = jax.random.key(seed)
    k1, k2, k3, k4, k5, k6 = jax.random.split(key, 6)
    x = jax.random.normal(k1, (N_NODES, D_FEAT), dtype=jnp.float32)
    edge_index = jax.random.randint(k2, (2, N_EDGES), 0, N_NODES, dtype=jnp.int64)
    # GCNConv parameters (glorot-ish init)
    W1 = jax.random.normal(k3, (D_FEAT, HIDDEN), dtype=jnp.float32) * (1.0 / np.sqrt(D_FEAT))
    b1 = jnp.zeros((HIDDEN,), dtype=jnp.float32)
    W2 = jax.random.normal(k4, (HIDDEN, N_TARGETS), dtype=jnp.float32) * (1.0 / np.sqrt(HIDDEN))
    b2 = jnp.zeros((N_TARGETS,), dtype=jnp.float32)
    return {"x": x, "edge_index": edge_index, "W1": W1, "b1": b1, "W2": W2, "b2": b2}


def _gcn_conv(x, edge_index, W, b, n_nodes):
    # Faithful GCNConv: add self loops, symmetric normalization, linear transform,
    # scatter-add aggregation at dst, then bias.
    src = edge_index[0]
    dst = edge_index[1]
    loop = jnp.arange(n_nodes, dtype=edge_index.dtype)
    src = jnp.concatenate([src, loop])
    dst = jnp.concatenate([dst, loop])
    # degree computed at dst (col) including self loops
    deg = jnp.zeros((n_nodes,), dtype=x.dtype).at[dst].add(1.0)
    deg_inv_sqrt = jnp.where(deg > 0, jax.lax.rsqrt(deg), 0.0)
    norm = deg_inv_sqrt[src] * deg_inv_sqrt[dst]
    h = x @ W
    msg = h[src] * norm[:, None]
    out = jnp.zeros((n_nodes, W.shape[1]), dtype=x.dtype).at[dst].add(msg)
    return out + b


def reference(x, edge_index, W1, b1, W2, b2):
    n_nodes = x.shape[0]
    h = _gcn_conv(x, edge_index, W1, b1, n_nodes)
    h = jax.nn.relu(h)
    h = _gcn_conv(h, edge_index, W2, b2, n_nodes)
    return h.flatten()

if __name__ == "__main__":
    import jax
    _d = setup_inputs()
    print(jax.jit(kernel)(*tuple(_d.values())))

</pallas_src>

<mosaic_0001>
#map = affine_map<(d0, d1) -> (0)>
#map1 = affine_map<(d0, d1) -> (0, 0, 0)>
#map2 = affine_map<(d0, d1) -> (0, 0)>
module attributes {stable_mosaic.version = 14 : i64} {
  func.func @k(%arg0: i32, %arg1: i32, %arg2: memref<10240xf32, #tpu.memory_space<hbm>>, %arg3: memref<2x32x10080xi32, #tpu.memory_space<hbm>>, %arg4: memref<32x10240xf32, #tpu.memory_space<hbm>>, %arg5: memref<2x10080xi32, #tpu.memory_space<vmem>>, %arg6: memref<10240xf32, #tpu.memory_space<vmem>>, %arg7: memref<10240xf32, #tpu.memory_space<vmem>>) attributes {dimension_semantics = [#tpu.dimension_semantics<core_parallel>, #tpu.dimension_semantics<subcore_parallel>], iteration_bounds = array<i64: 2, 16>, scalar_prefetch = 0 : i64, scratch_operands = 3 : i64, tpu.core_type = #tpu.core_type<sc_vector_subcore>, window_params = [{transform_indices = #map}, {transform_indices = #map1}, {transform_indices = #map2}]} {
    %mul3A = arith.constant 16 : i32
    %mul3A_0 = arith.muli %arg0, %mul3A : i32
    %add3A = arith.addi %mul3A_0, %arg1 : i32
    "tpu.region"() ({
      %run_scoped3A = tpu.sem_alloc : memref<!tpu.dma_semaphore, #tpu.memory_space<semaphore_mem>>
      tpu.enqueue_dma source(%arg2 : memref<10240xf32, #tpu.memory_space<hbm>>) target(%arg6 : memref<10240xf32, #tpu.memory_space<vmem>>) target_semaphore(%run_scoped3A : memref<!tpu.dma_semaphore, #tpu.memory_space<semaphore_mem>>)
      tpu.wait_dma2 semaphore(%run_scoped3A : memref<!tpu.dma_semaphore, #tpu.memory_space<semaphore_mem>>) src(%arg2 : memref<10240xf32, #tpu.memory_space<hbm>>) dst(%arg6 : memref<10240xf32, #tpu.memory_space<vmem>>)
      tpu.yield
    }) : () -> ()
    "tpu.region"() ({
      %run_scoped3A = tpu.sem_alloc : memref<!tpu.dma_semaphore, #tpu.memory_space<semaphore_mem>>
      %dma_start3A = arith.constant 0 : i32
      %dma_start3A_14 = arith.constant 0 : i32
      %dma_start3A_15 = tpu.memref_slice %arg3[%dma_start3A, %add3A, %dma_start3A_14] : memref<2x32x10080xi32, #tpu.memory_space<hbm>> -> memref<2x1x10080xi32, #tpu.memory_space<hbm>>
      %dma_start3A_16 = tpu.memref_squeeze %dma_start3A_15 : memref<2x1x10080xi32, #tpu.memory_space<hbm>> -> memref<2x10080xi32, #tpu.memory_space<hbm>>
      %dma_start3A_17 = arith.constant 0 : i32
      %dma_start3A_18 = arith.constant 0 : i32
      %dma_start3A_19 = tpu.memref_slice %arg3[%dma_start3A_17, %add3A, %dma_start3A_18] : memref<2x32x10080xi32, #tpu.memory_space<hbm>> -> memref<2x1x10080xi32, #tpu.memory_space<hbm>>
      %dma_start3A_20 = tpu.memref_squeeze %dma_start3A_19 : memref<2x1x10080xi32, #tpu.memory_space<hbm>> -> memref<2x10080xi32, #tpu.memory_space<hbm>>
      tpu.enqueue_dma source(%dma_start3A_20 : memref<2x10080xi32, #tpu.memory_space<hbm>>) target(%arg5 : memref<2x10080xi32, #tpu.memory_space<vmem>>) target_semaphore(%run_scoped3A : memref<!tpu.dma_semaphore, #tpu.memory_space<semaphore_mem>>)
      %dma_wait3A = arith.constant 0 : i32
      %dma_wait3A_21 = arith.constant 0 : i32
      %dma_wait3A_22 = tpu.memref_slice %arg3[%dma_wait3A, %add3A, %dma_wait3A_21] : memref<2x32x10080xi32, #tpu.memory_space<hbm>> -> memref<2x1x10080xi32, #tpu.memory_space<hbm>>
      %dma_wait3A_23 = tpu.memref_squeeze %dma_wait3A_22 : memref<2x1x10080xi32, #tpu.memory_space<hbm>> -> memref<2x10080xi32, #tpu.memory_space<hbm>>
      %dma_wait3A_24 = arith.constant 0 : i32
      %dma_wait3A_25 = arith.constant 0 : i32
      %dma_wait3A_26 = tpu.memref_slice %arg3[%dma_wait3A_24, %add3A, %dma_wait3A_25] : memref<2x32x10080xi32, #tpu.memory_space<hbm>> -> memref<2x1x10080xi32, #tpu.memory_space<hbm>>
      %dma_wait3A_27 = tpu.memref_squeeze %dma_wait3A_26 : memref<2x1x10080xi32, #tpu.memory_space<hbm>> -> memref<2x10080xi32, #tpu.memory_space<hbm>>
      tpu.wait_dma2 semaphore(%run_scoped3A : memref<!tpu.dma_semaphore, #tpu.memory_space<semaphore_mem>>) src(%dma_wait3A_27 : memref<2x10080xi32, #tpu.memory_space<hbm>>) dst(%arg5 : memref<2x10080xi32, #tpu.memory_space<vmem>>)
      tpu.yield
    }) : () -> ()
    %scan3A = arith.constant 0 : i32
    %scan3A_1 = arith.constant 0 : i32
    %scan3A_2 = arith.constant 640 : i32
    %scan3A_3 = arith.addi %scan3A_1, %scan3A_2 : i32
    %scan3A_4 = arith.constant 1 : i32
    %scan3A_5 = scf.for %scan3A_14 = %scan3A_1 to %scan3A_3 step %scan3A_4 iter_args(%scan3A_15 = %scan3A) -> (i32)  : i32 {
      %broadcast_in_dim3A = arith.constant 0.000000e+00 : f32
      %broadcast_in_dim3A_16 = vector.broadcast %broadcast_in_dim3A : f32 to vector<16xf32>
      %mul3A_17 = arith.constant 16 : i32
      %mul3A_18 = arith.muli %scan3A_14, %mul3A_17 : i32
      %swap3A = arith.index_cast %mul3A_18 : i32 to index
      %swap3A_19 = tpu.vector_load %arg7[%swap3A] {strides = array<i32>} : memref<10240xf32, #tpu.memory_space<vmem>>, vector<16xf32>,
      tpu.vector_store %arg7[%swap3A], %broadcast_in_dim3A_16 {strides = array<i32>} : memref<10240xf32, #tpu.memory_space<vmem>>, vector<16xf32>,
      %scan3A_20 = arith.constant 0 : i32
      scf.yield %scan3A_20 : i32
    }
    %scan3A_6 = arith.constant 640 : i32
    %scan3A_7 = arith.constant 0 : i32
    %scan3A_8 = arith.constant 0 : i32
    %scan3A_9 = arith.constant 630 : i32
    %scan3A_10 = arith.addi %scan3A_8, %scan3A_9 : i32
    %scan3A_11 = arith.constant 1 : i32
    %scan3A_12 = scf.for %scan3A_14 = %scan3A_8 to %scan3A_10 step %scan3A_11 iter_args(%scan3A_15 = %scan3A_7) -> (i32)  : i32 {
      %mul3A_16 = arith.constant 16 : i32
      %mul3A_17 = arith.muli %scan3A_14, %mul3A_16 : i32
      %get3A = arith.constant 0 : i32
      %get3A_18 = arith.index_cast %get3A : i32 to index
      %get3A_19 = arith.index_cast %mul3A_17 : i32 to index
      %get3A_20 = tpu.vector_load %arg5[%get3A_18, %get3A_19] {strides = array<i32>} : memref<2x10080xi32, #tpu.memory_space<vmem>>, vector<16xi32>,
      %gather3A = tpu.vector_load_idx %arg6[%get3A_20] : memref<10240xf32, #tpu.memory_space<vmem>>[vector<16xi32>], vector<16xf32>,
      %get3A_21 = arith.constant 1 : i32
      %get3A_22 = arith.index_cast %get3A_21 : i32 to index
      %get3A_23 = arith.index_cast %mul3A_17 : i32 to index
      %get3A_24 = tpu.vector_load %arg5[%get3A_22, %get3A_23] {strides = array<i32>} : memref<2x10080xi32, #tpu.memory_space<vmem>>, vector<16xi32>,
      tpu.vector_store_idx %arg7[%get3A_24], %gather3A {add = true} : memref<10240xf32, #tpu.memory_space<vmem>>[vector<16xi32>], vector<16xf32>,
      %scan3A_25 = arith.constant 0 : i32
      scf.yield %scan3A_25 : i32
    }
    %scan3A_13 = arith.constant 630 : i32
    "tpu.region"() ({
      %run_scoped3A = tpu.sem_alloc : memref<!tpu.dma_semaphore, #tpu.memory_space<semaphore_mem>>
      %dma_start3A = arith.constant 0 : i32
      %dma_start3A_14 = tpu.memref_slice %arg4[%add3A, %dma_start3A] : memref<32x10240xf32, #tpu.memory_space<hbm>> -> memref<1x10240xf32, #tpu.memory_space<hbm>>
      %dma_start3A_15 = tpu.memref_squeeze %dma_start3A_14 : memref<1x10240xf32, #tpu.memory_space<hbm>> -> memref<10240xf32, #tpu.memory_space<hbm>>
      %dma_start3A_16 = arith.constant 0 : i32
      %dma_start3A_17 = tpu.memref_slice %arg4[%add3A, %dma_start3A_16] : memref<32x10240xf32, #tpu.memory_space<hbm>> -> memref<1x10240xf32, #tpu.memory_space<hbm>>
      %dma_start3A_18 = tpu.memref_squeeze %dma_start3A_17 : memref<1x10240xf32, #tpu.memory_space<hbm>> -> memref<10240xf32, #tpu.memory_space<hbm>>
      tpu.enqueue_dma source(%arg7 : memref<10240xf32, #tpu.memory_space<vmem>>) target(%dma_start3A_18 : memref<10240xf32, #tpu.memory_space<hbm>>) target_semaphore(%run_scoped3A : memref<!tpu.dma_semaphore, #tpu.memory_space<semaphore_mem>>)
      %dma_wait3A = arith.constant 0 : i32
      %dma_wait3A_19 = tpu.memref_slice %arg4[%add3A, %dma_wait3A] : memref<32x10240xf32, #tpu.memory_space<hbm>> -> memref<1x10240xf32, #tpu.memory_space<hbm>>
      %dma_wait3A_20 = tpu.memref_squeeze %dma_wait3A_19 : memref<1x10240xf32, #tpu.memory_space<hbm>> -> memref<10240xf32, #tpu.memory_space<hbm>>
      %dma_wait3A_21 = arith.constant 0 : i32
      %dma_wait3A_22 = tpu.memref_slice %arg4[%add3A, %dma_wait3A_21] : memref<32x10240xf32, #tpu.memory_space<hbm>> -> memref<1x10240xf32, #tpu.memory_space<hbm>>
      %dma_wait3A_23 = tpu.memref_squeeze %dma_wait3A_22 : memref<1x10240xf32, #tpu.memory_space<hbm>> -> memref<10240xf32, #tpu.memory_space<hbm>>
      tpu.wait_dma2 semaphore(%run_scoped3A : memref<!tpu.dma_semaphore, #tpu.memory_space<semaphore_mem>>) src(%arg7 : memref<10240xf32, #tpu.memory_space<vmem>>) dst(%dma_wait3A_23 : memref<10240xf32, #tpu.memory_space<hbm>>)
      tpu.yield
    }) : () -> ()
    return
  }
}

#map = affine_map<(d0, d1) -> (0, 0, 0)>
#map1 = affine_map<(d0, d1) -> (0, 0)>
module attributes {stable_mosaic.version = 14 : i64} {
  func.func @k(%arg0: i32, %arg1: i32, %arg2: memref<2x32x10080xi32, #tpu.memory_space<hbm>>, %arg3: memref<32x10240xf32, #tpu.memory_space<hbm>>, %arg4: memref<2x10080xi32, #tpu.memory_space<vmem>>, %arg5: memref<10240xf32, #tpu.memory_space<vmem>>) attributes {dimension_semantics = [#tpu.dimension_semantics<core_parallel>, #tpu.dimension_semantics<subcore_parallel>], iteration_bounds = array<i64: 2, 16>, scalar_prefetch = 0 : i64, scratch_operands = 2 : i64, tpu.core_type = #tpu.core_type<sc_vector_subcore>, window_params = [{transform_indices = #map}, {transform_indices = #map1}]} {
    %mul3A = arith.constant 16 : i32
    %mul3A_0 = arith.muli %arg0, %mul3A : i32
    %add3A = arith.addi %mul3A_0, %arg1 : i32
    %scan3A = arith.constant 0 : i32
    %scan3A_1 = arith.constant 0 : i32
    %scan3A_2 = arith.constant 640 : i32
    %scan3A_3 = arith.addi %scan3A_1, %scan3A_2 : i32
    %scan3A_4 = arith.constant 1 : i32
    %scan3A_5 = scf.for %scan3A_15 = %scan3A_1 to %scan3A_3 step %scan3A_4 iter_args(%scan3A_16 = %scan3A) -> (i32)  : i32 {
      %broadcast_in_dim3A_17 = arith.constant 0.000000e+00 : f32
      %broadcast_in_dim3A_18 = vector.broadcast %broadcast_in_dim3A_17 : f32 to vector<16xf32>
      %mul3A_19 = arith.constant 16 : i32
      %mul3A_20 = arith.muli %scan3A_15, %mul3A_19 : i32
      %swap3A = arith.index_cast %mul3A_20 : i32 to index
      %swap3A_21 = tpu.vector_load %arg5[%swap3A] {strides = array<i32>} : memref<10240xf32, #tpu.memory_space<vmem>>, vector<16xf32>,
      tpu.vector_store %arg5[%swap3A], %broadcast_in_dim3A_18 {strides = array<i32>} : memref<10240xf32, #tpu.memory_space<vmem>>, vector<16xf32>,
      %scan3A_22 = arith.constant 0 : i32
      scf.yield %scan3A_22 : i32
    }
    %scan3A_6 = arith.constant 640 : i32
    "tpu.region"() ({
      %run_scoped3A = tpu.sem_alloc : memref<!tpu.dma_semaphore, #tpu.memory_space<semaphore_mem>>
      %dma_start3A = arith.constant 0 : i32
      %dma_start3A_15 = arith.constant 0 : i32
      %dma_start3A_16 = tpu.memref_slice %arg2[%dma_start3A, %add3A, %dma_start3A_15] : memref<2x32x10080xi32, #tpu.memory_space<hbm>> -> memref<2x1x10080xi32, #tpu.memory_space<hbm>>
      %dma_start3A_17 = tpu.memref_squeeze %dma_start3A_16 : memref<2x1x10080xi32, #tpu.memory_space<hbm>> -> memref<2x10080xi32, #tpu.memory_space<hbm>>
      %dma_start3A_18 = arith.constant 0 : i32
      %dma_start3A_19 = arith.constant 0 : i32
      %dma_start3A_20 = tpu.memref_slice %arg2[%dma_start3A_18, %add3A, %dma_start3A_19] : memref<2x32x10080xi32, #tpu.memory_space<hbm>> -> memref<2x1x10080xi32, #tpu.memory_space<hbm>>
      %dma_start3A_21 = tpu.memref_squeeze %dma_start3A_20 : memref<2x1x10080xi32, #tpu.memory_space<hbm>> -> memref<2x10080xi32, #tpu.memory_space<hbm>>
      tpu.enqueue_dma source(%dma_start3A_21 : memref<2x10080xi32, #tpu.memory_space<hbm>>) target(%arg4 : memref<2x10080xi32, #tpu.memory_space<vmem>>) target_semaphore(%run_scoped3A : memref<!tpu.dma_semaphore, #tpu.memory_space<semaphore_mem>>)
      %dma_wait3A = arith.constant 0 : i32
      %dma_wait3A_22 = arith.constant 0 : i32
      %dma_wait3A_23 = tpu.memref_slice %arg2[%dma_wait3A, %add3A, %dma_wait3A_22] : memref<2x32x10080xi32, #tpu.memory_space<hbm>> -> memref<2x1x10080xi32, #tpu.memory_space<hbm>>
      %dma_wait3A_24 = tpu.memref_squeeze %dma_wait3A_23 : memref<2x1x10080xi32, #tpu.memory_space<hbm>> -> memref<2x10080xi32, #tpu.memory_space<hbm>>
      %dma_wait3A_25 = arith.constant 0 : i32
      %dma_wait3A_26 = arith.constant 0 : i32
      %dma_wait3A_27 = tpu.memref_slice %arg2[%dma_wait3A_25, %add3A, %dma_wait3A_26] : memref<2x32x10080xi32, #tpu.memory_space<hbm>> -> memref<2x1x10080xi32, #tpu.memory_space<hbm>>
      %dma_wait3A_28 = tpu.memref_squeeze %dma_wait3A_27 : memref<2x1x10080xi32, #tpu.memory_space<hbm>> -> memref<2x10080xi32, #tpu.memory_space<hbm>>
      tpu.wait_dma2 semaphore(%run_scoped3A : memref<!tpu.dma_semaphore, #tpu.memory_space<semaphore_mem>>) src(%dma_wait3A_28 : memref<2x10080xi32, #tpu.memory_space<hbm>>) dst(%arg4 : memref<2x10080xi32, #tpu.memory_space<vmem>>)
      tpu.yield
    }) : () -> ()
    %broadcast_in_dim3A = arith.constant 1.000000e+00 : f32
    %broadcast_in_dim3A_7 = vector.broadcast %broadcast_in_dim3A : f32 to vector<16xf32>
    %scan3A_8 = arith.constant 0 : i32
    %scan3A_9 = arith.constant 0 : i32
    %scan3A_10 = arith.constant 630 : i32
    %scan3A_11 = arith.addi %scan3A_9, %scan3A_10 : i32
    %scan3A_12 = arith.constant 1 : i32
    %scan3A_13 = scf.for %scan3A_15 = %scan3A_9 to %scan3A_11 step %scan3A_12 iter_args(%scan3A_16 = %scan3A_8) -> (i32)  : i32 {
      %mul3A_17 = arith.constant 16 : i32
      %mul3A_18 = arith.muli %scan3A_15, %mul3A_17 : i32
      %get3A = arith.constant 1 : i32
      %get3A_19 = arith.index_cast %get3A : i32 to index
      %get3A_20 = arith.index_cast %mul3A_18 : i32 to index
      %get3A_21 = tpu.vector_load %arg4[%get3A_19, %get3A_20] {strides = array<i32>} : memref<2x10080xi32, #tpu.memory_space<vmem>>, vector<16xi32>,
      tpu.vector_store_idx %arg5[%get3A_21], %broadcast_in_dim3A_7 {add = true} : memref<10240xf32, #tpu.memory_space<vmem>>[vector<16xi32>], vector<16xf32>,
      %scan3A_22 = arith.constant 0 : i32
      scf.yield %scan3A_22 : i32
    }
    %scan3A_14 = arith.constant 630 : i32
    "tpu.region"() ({
      %run_scoped3A = tpu.sem_alloc : memref<!tpu.dma_semaphore, #tpu.memory_space<semaphore_mem>>
      %dma_start3A = arith.constant 0 : i32
      %dma_start3A_15 = tpu.memref_slice %arg3[%add3A, %dma_start3A] : memref<32x10240xf32, #tpu.memory_space<hbm>> -> memref<1x10240xf32, #tpu.memory_space<hbm>>
      %dma_start3A_16 = tpu.memref_squeeze %dma_start3A_15 : memref<1x10240xf32, #tpu.memory_space<hbm>> -> memref<10240xf32, #tpu.memory_space<hbm>>
      %dma_start3A_17 = arith.constant 0 : i32
      %dma_start3A_18 = tpu.memref_slice %arg3[%add3A, %dma_start3A_17] : memref<32x10240xf32, #tpu.memory_space<hbm>> -> memref<1x10240xf32, #tpu.memory_space<hbm>>
      %dma_start3A_19 = tpu.memref_squeeze %dma_start3A_18 : memref<1x10240xf32, #tpu.memory_space<hbm>> -> memref<10240xf32, #tpu.memory_space<hbm>>
      tpu.enqueue_dma source(%arg5 : memref<10240xf32, #tpu.memory_space<vmem>>) target(%dma_start3A_19 : memref<10240xf32, #tpu.memory_space<hbm>>) target_semaphore(%run_scoped3A : memref<!tpu.dma_semaphore, #tpu.memory_space<semaphore_mem>>)
      %dma_wait3A = arith.constant 0 : i32
      %dma_wait3A_20 = tpu.memref_slice %arg3[%add3A, %dma_wait3A] : memref<32x10240xf32, #tpu.memory_space<hbm>> -> memref<1x10240xf32, #tpu.memory_space<hbm>>
      %dma_wait3A_21 = tpu.memref_squeeze %dma_wait3A_20 : memref<1x10240xf32, #tpu.memory_space<hbm>> -> memref<10240xf32, #tpu.memory_space<hbm>>
      %dma_wait3A_22 = arith.constant 0 : i32
      %dma_wait3A_23 = tpu.memref_slice %arg3[%add3A, %dma_wait3A_22] : memref<32x10240xf32, #tpu.memory_space<hbm>> -> memref<1x10240xf32, #tpu.memory_space<hbm>>
      %dma_wait3A_24 = tpu.memref_squeeze %dma_wait3A_23 : memref<1x10240xf32, #tpu.memory_space<hbm>> -> memref<10240xf32, #tpu.memory_space<hbm>>
      tpu.wait_dma2 semaphore(%run_scoped3A : memref<!tpu.dma_semaphore, #tpu.memory_space<semaphore_mem>>) src(%arg5 : memref<10240xf32, #tpu.memory_space<vmem>>) dst(%dma_wait3A_24 : memref<10240xf32, #tpu.memory_space<hbm>>)
      tpu.yield
    }) : () -> ()
    return
  }
}

#map = affine_map<(d0, d1) -> (0, 0)>
#map1 = affine_map<(d0, d1) -> (0, 0, 0, 0)>
#map2 = affine_map<(d0, d1) -> (0, 0, 0)>
module attributes {stable_mosaic.version = 14 : i64} {
  func.func @k(%arg0: i32, %arg1: i32, %arg2: memref<10240x128xf32, #tpu.memory_space<hbm>>, %arg3: memref<2x32x90x112xi32, #tpu.memory_space<hbm>>, %arg4: memref<2x10240x128xf32, #tpu.memory_space<hbm>>, %arg5: memref<2x112xi32, #tpu.memory_space<vmem>>, %arg6: memref<2x112xi32, #tpu.memory_space<vmem>>, %arg7: memref<2x112xi32, #tpu.memory_space<vmem>>, %arg8: memref<2x112xi32, #tpu.memory_space<vmem>>, %arg9: memref<2x112xi32, #tpu.memory_space<vmem>>, %arg10: memref<2x112xi32, #tpu.memory_space<vmem>>, %arg11: memref<112x128xf32, #tpu.memory_space<vmem>>, %arg12: memref<112x128xf32, #tpu.memory_space<vmem>>, %arg13: memref<112x128xf32, #tpu.memory_space<vmem>>, %arg14: memref<10240x128xf32, #tpu.memory_space<vmem_shared>>, %arg15: memref<!tpu.dma_semaphore, #tpu.memory_space<semaphore_mem>>, %arg16: memref<!tpu.dma_semaphore, #tpu.memory_space<semaphore_mem>>, %arg17: memref<!tpu.dma_semaphore, #tpu.memory_space<semaphore_mem>>, %arg18: memref<!tpu.dma_semaphore, #tpu.memory_space<semaphore_mem>>, %arg19: memref<!tpu.dma_semaphore, #tpu.memory_space<semaphore_mem>>, %arg20: memref<!tpu.dma_semaphore, #tpu.memory_space<semaphore_mem>>, %arg21: memref<!tpu.dma_semaphore, #tpu.memory_space<semaphore_mem>>, %arg22: memref<!tpu.dma_semaphore, #tpu.memory_space<semaphore_mem>>, %arg23: memref<!tpu.dma_semaphore, #tpu.memory_space<semaphore_mem>>) attributes {dimension_semantics = [#tpu.dimension_semantics<core_parallel>, #tpu.dimension_semantics<subcore_parallel>], iteration_bounds = array<i64: 2, 16>, scalar_prefetch = 0 : i64, scratch_operands = 19 : i64, tpu.core_type = #tpu.core_type<sc_vector_subcore>, window_params = [{transform_indices = #map}, {transform_indices = #map1}, {transform_indices = #map2}]} {
    %mul3A = arith.constant 16 : i32
    %mul3A_0 = arith.muli %arg0, %mul3A : i32
    %add3A = arith.addi %mul3A_0, %arg1 : i32
    %broadcast_in_dim3A = arith.constant 0.000000e+00 : f32
    %broadcast_in_dim3A_1 = vector.broadcast %broadcast_in_dim3A : f32 to vector<16xf32>
    %scan3A = arith.constant 0 : i32
    %scan3A_2 = arith.constant 0 : i32
    %scan3A_3 = arith.constant 112 : i32
    %scan3A_4 = arith.addi %scan3A_2, %scan3A_3 : i32
    %scan3A_5 = arith.constant 1 : i32
    %scan3A_6 = scf.for %scan3A_110 = %scan3A_2 to %scan3A_4 step %scan3A_5 iter_args(%scan3A_111 = %scan3A) -> (i32)  : i32 {
      %swap3A = arith.index_cast %scan3A_110 : i32 to index
      %swap3A_112 = arith.constant 0 : index
      %swap3A_113 = tpu.vector_load %arg11[%swap3A, %swap3A_112] {strides = array<i32>} : memref<112x128xf32, #tpu.memory_space<vmem>>, vector<16xf32>,
      tpu.vector_store %arg11[%swap3A, %swap3A_112], %broadcast_in_dim3A_1 {strides = array<i32>} : memref<112x128xf32, #tpu.memory_space<vmem>>, vector<16xf32>,
      %swap3A_114 = arith.index_cast %scan3A_110 : i32 to index
      %swap3A_115 = arith.constant 16 : index
      %swap3A_116 = tpu.vector_load %arg11[%swap3A_114, %swap3A_115] {strides = array<i32>} : memref<112x128xf32, #tpu.memory_space<vmem>>, vector<16xf32>,
      tpu.vector_store %arg11[%swap3A_114, %swap3A_115], %broadcast_in_dim3A_1 {strides = array<i32>} : memref<112x128xf32, #tpu.memory_space<vmem>>, vector<16xf32>,
      %swap3A_117 = arith.index_cast %scan3A_110 : i32 to index
      %swap3A_118 = arith.constant 32 : index
      %swap3A_119 = tpu.vector_load %arg11[%swap3A_117, %swap3A_118] {strides = array<i32>} : memref<112x128xf32, #tpu.memory_space<vmem>>, vector<16xf32>,
      tpu.vector_store %arg11[%swap3A_117, %swap3A_118], %broadcast_in_dim3A_1 {strides = array<i32>} : memref<112x128xf32, #tpu.memory_space<vmem>>, vector<16xf32>,
      %swap3A_120 = arith.index_cast %scan3A_110 : i32 to index
      %swap3A_121 = arith.constant 48 : index
      %swap3A_122 = tpu.vector_load %arg11[%swap3A_120, %swap3A_121] {strides = array<i32>} : memref<112x128xf32, #tpu.memory_space<vmem>>, vector<16xf32>,
      tpu.vector_store %arg11[%swap3A_120, %swap3A_121], %broadcast_in_dim3A_1 {strides = array<i32>} : memref<112x128xf32, #tpu.memory_space<vmem>>, vector<16xf32>,
      %swap3A_123 = arith.index_cast %scan3A_110 : i32 to index
      %swap3A_124 = arith.constant 64 : index
      %swap3A_125 = tpu.vector_load %arg11[%swap3A_123, %swap3A_124] {strides = array<i32>} : memref<112x128xf32, #tpu.memory_space<vmem>>, vector<16xf32>,
      tpu.vector_store %arg11[%swap3A_123, %swap3A_124], %broadcast_in_dim3A_1 {strides = array<i32>} : memref<112x128xf32, #tpu.memory_space<vmem>>, vector<16xf32>,
      %swap3A_126 = arith.index_cast %scan3A_110 : i32 to index
      %swap3A_127 = arith.constant 80 : index
      %swap3A_128 = tpu.vector_load %arg11[%swap3A_126, %swap3A_127] {strides = array<i32>} : memref<112x128xf32, #tpu.memory_space<vmem>>, vector<16xf32>,
      tpu.vector_store %arg11[%swap3A_126, %swap3A_127], %broadcast_in_dim3A_1 {strides = array<i32>} : memref<112x128xf32, #tpu.memory_space<vmem>>, vector<16xf32>,
      %swap3A_129 = arith.index_cast %scan3A_110 : i32 to index
      %swap3A_130 = arith.constant 96 : index
      %swap3A_131 = tpu.vector_load %arg11[%swap3A_129, %swap3A_130] {strides = array<i32>} : memref<112x128xf32, #tpu.memory_space<vmem>>, vector<16xf32>,
      tpu.vector_store %arg11[%swap3A_129, %swap3A_130], %broadcast_in_dim3A_1 {strides = array<i32>} : memref<112x128xf32, #tpu.memory_space<vmem>>, vector<16xf32>,
      %swap3A_132 = arith.index_cast %scan3A_110 : i32 to index
      %swap3A_133 = arith.constant 112 : index
      %swap3A_134 = tpu.vector_load %arg11[%swap3A_132, %swap3A_133] {strides = array<i32>} : memref<112x128xf32, #tpu.memory_space<vmem>>, vector<16xf32>,
      tpu.vector_store %arg11[%swap3A_132, %swap3A_133], %broadcast_in_dim3A_1 {strides = array<i32>} : memref<112x128xf32, #tpu.memory_space<vmem>>, vector<16xf32>,
      %scan3A_135 = arith.constant 0 : i32
      scf.yield %scan3A_135 : i32
    }
    %scan3A_7 = arith.constant 112 : i32
    %mul3A_8 = arith.constant 640 : i32
    %mul3A_9 = arith.muli %arg1, %mul3A_8 : i32
    %add3A_10 = arith.constant 0 : i32
    %add3A_11 = arith.addi %mul3A_9, %add3A_10 : i32
    "tpu.region"() ({
      %run_scoped3A = tpu.sem_alloc : memref<!tpu.dma_semaphore, #tpu.memory_space<semaphore_mem>>
      %dma_start3A_110 = arith.constant 0 : i32
      %dma_start3A_111 = arith.constant 0 : i32
      %dma_start3A_112 = tpu.memref_slice %arg11[%dma_start3A_110, %dma_start3A_111] : memref<112x128xf32, #tpu.memory_space<vmem>> -> memref<112x128xf32, #tpu.memory_space<vmem>>
      %dma_start3A_113 = arith.constant 0 : i32
      %dma_start3A_114 = tpu.memref_slice %arg14[%add3A_11, %dma_start3A_113] : memref<10240x128xf32, #tpu.memory_space<vmem_shared>> -> memref<112x128xf32, #tpu.memory_space<vmem_shared>>
      %dma_start3A_115 = arith.constant 0 : i32
      %dma_start3A_116 = tpu.memref_slice %arg14[%add3A_11, %dma_start3A_115] : memref<10240x128xf32, #tpu.memory_space<vmem_shared>> -> memref<112x128xf32, #tpu.memory_space<vmem_shared>>
      %dma_start3A_117 = arith.constant 0 : i32
      %dma_start3A_118 = arith.constant 0 : i32
      %dma_start3A_119 = tpu.memref_slice %arg11[%dma_start3A_117, %dma_start3A_118] : memref<112x128xf32, #tpu.memory_space<vmem>> -> memref<112x128xf32, #tpu.memory_space<vmem>>
      tpu.enqueue_dma source(%dma_start3A_119 : memref<112x128xf32, #tpu.memory_space<vmem>>) target(%dma_start3A_116 : memref<112x128xf32, #tpu.memory_space<vmem_shared>>) target_semaphore(%run_scoped3A : memref<!tpu.dma_semaphore, #tpu.memory_space<semaphore_mem>>)
      %dma_wait3A_120 = arith.constant 0 : i32
      %dma_wait3A_121 = arith.constant 0 : i32
      %dma_wait3A_122 = tpu.memref_slice %arg11[%dma_wait3A_120, %dma_wait3A_121] : memref<112x128xf32, #tpu.memory_space<vmem>> -> memref<112x128xf32, #tpu.memory_space<vmem>>
      %dma_wait3A_123 = arith.constant 0 : i32
      %dma_wait3A_124 = tpu.memref_slice %arg14[%add3A_11, %dma_wait3A_123] : memref<10240x128xf32, #tpu.memory_space<vmem_shared>> -> memref<112x128xf32, #tpu.memory_space<vmem_shared>>
      %dma_wait3A_125 = arith.constant 0 : i32
      %dma_wait3A_126 = tpu.memref_slice %arg14[%add3A_11, %dma_wait3A_125] : memref<10240x128xf32, #tpu.memory_space<vmem_shared>> -> memref<112x128xf32, #tpu.memory_space<vmem_shared>>
      %dma_wait3A_127 = arith.constant 0 : i32
      %dma_wait3A_128 = arith.constant 0 : i32
      %dma_wait3A_129 = tpu.memref_slice %arg11[%dma_wait3A_127, %dma_wait3A_128] : memref<112x128xf32, #tpu.memory_space<vmem>> -> memref<112x128xf32, #tpu.memory_space<vmem>>
      tpu.wait_dma2 semaphore(%run_scoped3A : memref<!tpu.dma_semaphore, #tpu.memory_space<semaphore_mem>>) src(%dma_wait3A_129 : memref<112x128xf32, #tpu.memory_space<vmem>>) dst(%dma_wait3A_126 : memref<112x128xf32, #tpu.memory_space<vmem_shared>>)
      tpu.yield
    }) : () -> ()
    %mul3A_12 = arith.constant 640 : i32
    %mul3A_13 = arith.muli %arg1, %mul3A_12 : i32
    %add3A_14 = arith.constant 112 : i32
    %add3A_15 = arith.addi %mul3A_13, %add3A_14 : i32
    "tpu.region"() ({
      %run_scoped3A = tpu.sem_alloc : memref<!tpu.dma_semaphore, #tpu.memory_space<semaphore_mem>>
      %dma_start3A_110 = arith.constant 0 : i32
      %dma_start3A_111 = arith.constant 0 : i32
      %dma_start3A_112 = tpu.memref_slice %arg11[%dma_start3A_110, %dma_start3A_111] : memref<112x128xf32, #tpu.memory_space<vmem>> -> memref<112x128xf32, #tpu.memory_space<vmem>>
      %dma_start3A_113 = arith.constant 0 : i32
      %dma_start3A_114 = tpu.memref_slice %arg14[%add3A_15, %dma_start3A_113] : memref<10240x128xf32, #tpu.memory_space<vmem_shared>> -> memref<112x128xf32, #tpu.memory_space<vmem_shared>>
      %dma_start3A_115 = arith.constant 0 : i32
      %dma_start3A_116 = tpu.memref_slice %arg14[%add3A_15, %dma_start3A_115] : memref<10240x128xf32, #tpu.memory_space<vmem_shared>> -> memref<112x128xf32, #tpu.memory_space<vmem_shared>>
      %dma_start3A_117 = arith.constant 0 : i32
      %dma_start3A_118 = arith.constant 0 : i32
      %dma_start3A_119 = tpu.memref_slice %arg11[%dma_start3A_117, %dma_start3A_118] : memref<112x128xf32, #tpu.memory_space<vmem>> -> memref<112x128xf32, #tpu.memory_space<vmem>>
      tpu.enqueue_dma source(%dma_start3A_119 : memref<112x128xf32, #tpu.memory_space<vmem>>) target(%dma_start3A_116 : memref<112x128xf32, #tpu.memory_space<vmem_shared>>) target_semaphore(%run_scoped3A : memref<!tpu.dma_semaphore, #tpu.memory_space<semaphore_mem>>)
      %dma_wait3A_120 = arith.constant 0 : i32
      %dma_wait3A_121 = arith.constant 0 : i32
      %dma_wait3A_122 = tpu.memref_slice %arg11[%dma_wait3A_120, %dma_wait3A_121] : memref<112x128xf32, #tpu.memory_space<vmem>> -> memref<112x128xf32, #tpu.memory_space<vmem>>
      %dma_wait3A_123 = arith.constant 0 : i32
      %dma_wait3A_124 = tpu.memref_slice %arg14[%add3A_15, %dma_wait3A_123] : memref<10240x128xf32, #tpu.memory_space<vmem_shared>> -> memref<112x128xf32, #tpu.memory_space<vmem_shared>>
      %dma_wait3A_125 = arith.constant 0 : i32
      %dma_wait3A_126 = tpu.memref_slice %arg14[%add3A_15, %dma_wait3A_125] : memref<10240x128xf32, #tpu.memory_space<vmem_shared>> -> memref<112x128xf32, #tpu.memory_space<vmem_shared>>
      %dma_wait3A_127 = arith.constant 0 : i32
      %dma_wait3A_128 = arith.constant 0 : i32
      %dma_wait3A_129 = tpu.memref_slice %arg11[%dma_wait3A_127, %dma_wait3A_128] : memref<112x128xf32, #tpu.memory_space<vmem>> -> memref<112x128xf32, #tpu.memory_space<vmem>>
      tpu.wait_dma2 semaphore(%run_scoped3A : memref<!tpu.dma_semaphore, #tpu.memory_space<semaphore_mem>>) src(%dma_wait3A_129 : memref<112x128xf32, #tpu.memory_space<vmem>>) dst(%dma_wait3A_126 : memref<112x128xf32, #tpu.memory_space<vmem_shared>>)
      tpu.yield
    }) : () -> ()
    %mul3A_16 = arith.constant 640 : i32
    %mul3A_17 = arith.muli %arg1, %mul3A_16 : i32
    %add3A_18 = arith.constant 224 : i32
    %add3A_19 = arith.addi %mul3A_17, %add3A_18 : i32
    "tpu.region"() ({
      %run_scoped3A = tpu.sem_alloc : memref<!tpu.dma_semaphore, #tpu.memory_space<semaphore_mem>>
      %dma_start3A_110 = arith.constant 0 : i32
      %dma_start3A_111 = arith.constant 0 : i32
      %dma_start3A_112 = tpu.memref_slice %arg11[%dma_start3A_110, %dma_start3A_111] : memref<112x128xf32, #tpu.memory_space<vmem>> -> memref<112x128xf32, #tpu.memory_space<vmem>>
      %dma_start3A_113 = arith.constant 0 : i32
      %dma_start3A_114 = tpu.memref_slice %arg14[%add3A_19, %dma_start3A_113] : memref<10240x128xf32, #tpu.memory_space<vmem_shared>> -> memref<112x128xf32, #tpu.memory_space<vmem_shared>>
      %dma_start3A_115 = arith.constant 0 : i32
      %dma_start3A_116 = tpu.memref_slice %arg14[%add3A_19, %dma_start3A_115] : memref<10240x128xf32, #tpu.memory_space<vmem_shared>> -> memref<112x128xf32, #tpu.memory_space<vmem_shared>>
      %dma_start3A_117 = arith.constant 0 : i32
      %dma_start3A_118 = arith.constant 0 : i32
      %dma_start3A_119 = tpu.memref_slice %arg11[%dma_start3A_117, %dma_start3A_118] : memref<112x128xf32, #tpu.memory_space<vmem>> -> memref<112x128xf32, #tpu.memory_space<vmem>>
      tpu.enqueue_dma source(%dma_start3A_119 : memref<112x128xf32, #tpu.memory_space<vmem>>) target(%dma_start3A_116 : memref<112x128xf32, #tpu.memory_space<vmem_shared>>) target_semaphore(%run_scoped3A : memref<!tpu.dma_semaphore, #tpu.memory_space<semaphore_mem>>)
      %dma_wait3A_120 = arith.constant 0 : i32
      %dma_wait3A_121 = arith.constant 0 : i32
      %dma_wait3A_122 = tpu.memref_slice %arg11[%dma_wait3A_120, %dma_wait3A_121] : memref<112x128xf32, #tpu.memory_space<vmem>> -> memref<112x128xf32, #tpu.memory_space<vmem>>
      %dma_wait3A_123 = arith.constant 0 : i32
      %dma_wait3A_124 = tpu.memref_slice %arg14[%add3A_19, %dma_wait3A_123] : memref<10240x128xf32, #tpu.memory_space<vmem_shared>> -> memref<112x128xf32, #tpu.memory_space<vmem_shared>>
      %dma_wait3A_125 = arith.constant 0 : i32
      %dma_wait3A_126 = tpu.memref_slice %arg14[%add3A_19, %dma_wait3A_125] : memref<10240x128xf32, #tpu.memory_space<vmem_shared>> -> memref<112x128xf32, #tpu.memory_space<vmem_shared>>
      %dma_wait3A_127 = arith.constant 0 : i32
      %dma_wait3A_128 = arith.constant 0 : i32
      %dma_wait3A_129 = tpu.memref_slice %arg11[%dma_wait3A_127, %dma_wait3A_128] : memref<112x128xf32, #tpu.memory_space<vmem>> -> memref<112x128xf32, #tpu.memory_space<vmem>>
      tpu.wait_dma2 semaphore(%run_scoped3A : memref<!tpu.dma_semaphore, #tpu.memory_space<semaphore_mem>>) src(%dma_wait3A_129 : memref<112x128xf32, #tpu.memory_space<vmem>>) dst(%dma_wait3A_126 : memref<112x128xf32, #tpu.memory_space<vmem_shared>>)
      tpu.yield
    }) : () -> ()
    %mul3A_20 = arith.constant 640 : i32
    %mul3A_21 = arith.muli %arg1, %mul3A_20 : i32
    %add3A_22 = arith.constant 336 : i32
    %add3A_23 = arith.addi %mul3A_21, %add3A_22 : i32
    "tpu.region"() ({
      %run_scoped3A = tpu.sem_alloc : memref<!tpu.dma_semaphore, #tpu.memory_space<semaphore_mem>>
      %dma_start3A_110 = arith.constant 0 : i32
      %dma_start3A_111 = arith.constant 0 : i32
      %dma_start3A_112 = tpu.memref_slice %arg11[%dma_start3A_110, %dma_start3A_111] : memref<112x128xf32, #tpu.memory_space<vmem>> -> memref<112x128xf32, #tpu.memory_space<vmem>>
      %dma_start3A_113 = arith.constant 0 : i32
      %dma_start3A_114 = tpu.memref_slice %arg14[%add3A_23, %dma_start3A_113] : memref<10240x128xf32, #tpu.memory_space<vmem_shared>> -> memref<112x128xf32, #tpu.memory_space<vmem_shared>>
      %dma_start3A_115 = arith.constant 0 : i32
      %dma_start3A_116 = tpu.memref_slice %arg14[%add3A_23, %dma_start3A_115] : memref<10240x128xf32, #tpu.memory_space<vmem_shared>> -> memref<112x128xf32, #tpu.memory_space<vmem_shared>>
      %dma_start3A_117 = arith.constant 0 : i32
      %dma_start3A_118 = arith.constant 0 : i32
      %dma_start3A_119 = tpu.memref_slice %arg11[%dma_start3A_117, %dma_start3A_118] : memref<112x128xf32, #tpu.memory_space<vmem>> -> memref<112x128xf32, #tpu.memory_space<vmem>>
      tpu.enqueue_dma source(%dma_start3A_119 : memref<112x128xf32, #tpu.memory_space<vmem>>) target(%dma_start3A_116 : memref<112x128xf32, #tpu.memory_space<vmem_shared>>) target_semaphore(%run_scoped3A : memref<!tpu.dma_semaphore, #tpu.memory_space<semaphore_mem>>)
      %dma_wait3A_120 = arith.constant 0 : i32
      %dma_wait3A_121 = arith.constant 0 : i32
      %dma_wait3A_122 = tpu.memref_slice %arg11[%dma_wait3A_120, %dma_wait3A_121] : memref<112x128xf32, #tpu.memory_space<vmem>> -> memref<112x128xf32, #tpu.memory_space<vmem>>
      %dma_wait3A_123 = arith.constant 0 : i32
      %dma_wait3A_124 = tpu.memref_slice %arg14[%add3A_23, %dma_wait3A_123] : memref<10240x128xf32, #tpu.memory_space<vmem_shared>> -> memref<112x128xf32, #tpu.memory_space<vmem_shared>>
      %dma_wait3A_125 = arith.constant 0 : i32
      %dma_wait3A_126 = tpu.memref_slice %arg14[%add3A_23, %dma_wait3A_125] : memref<10240x128xf32, #tpu.memory_space<vmem_shared>> -> memref<112x128xf32, #tpu.memory_space<vmem_shared>>
      %dma_wait3A_127 = arith.constant 0 : i32
      %dma_wait3A_128 = arith.constant 0 : i32
      %dma_wait3A_129 = tpu.memref_slice %arg11[%dma_wait3A_127, %dma_wait3A_128] : memref<112x128xf32, #tpu.memory_space<vmem>> -> memref<112x128xf32, #tpu.memory_space<vmem>>
      tpu.wait_dma2 semaphore(%run_scoped3A : memref<!tpu.dma_semaphore, #tpu.memory_space<semaphore_mem>>) src(%dma_wait3A_129 : memref<112x128xf32, #tpu.memory_space<vmem>>) dst(%dma_wait3A_126 : memref<112x128xf32, #tpu.memory_space<vmem_shared>>)
      tpu.yield
    }) : () -> ()
    %mul3A_24 = arith.constant 640 : i32
    %mul3A_25 = arith.muli %arg1, %mul3A_24 : i32
    %add3A_26 = arith.constant 448 : i32
    %add3A_27 = arith.addi %mul3A_25, %add3A_26 : i32
    "tpu.region"() ({
      %run_scoped3A = tpu.sem_alloc : memref<!tpu.dma_semaphore, #tpu.memory_space<semaphore_mem>>
      %dma_start3A_110 = arith.constant 0 : i32
      %dma_start3A_111 = arith.constant 0 : i32
      %dma_start3A_112 = tpu.memref_slice %arg11[%dma_start3A_110, %dma_start3A_111] : memref<112x128xf32, #tpu.memory_space<vmem>> -> memref<112x128xf32, #tpu.memory_space<vmem>>
      %dma_start3A_113 = arith.constant 0 : i32
      %dma_start3A_114 = tpu.memref_slice %arg14[%add3A_27, %dma_start3A_113] : memref<10240x128xf32, #tpu.memory_space<vmem_shared>> -> memref<112x128xf32, #tpu.memory_space<vmem_shared>>
      %dma_start3A_115 = arith.constant 0 : i32
      %dma_start3A_116 = tpu.memref_slice %arg14[%add3A_27, %dma_start3A_115] : memref<10240x128xf32, #tpu.memory_space<vmem_shared>> -> memref<112x128xf32, #tpu.memory_space<vmem_shared>>
      %dma_start3A_117 = arith.constant 0 : i32
      %dma_start3A_118 = arith.constant 0 : i32
      %dma_start3A_119 = tpu.memref_slice %arg11[%dma_start3A_117, %dma_start3A_118] : memref<112x128xf32, #tpu.memory_space<vmem>> -> memref<112x128xf32, #tpu.memory_space<vmem>>
      tpu.enqueue_dma source(%dma_start3A_119 : memref<112x128xf32, #tpu.memory_space<vmem>>) target(%dma_start3A_116 : memref<112x128xf32, #tpu.memory_space<vmem_shared>>) target_semaphore(%run_scoped3A : memref<!tpu.dma_semaphore, #tpu.memory_space<semaphore_mem>>)
      %dma_wait3A_120 = arith.constant 0 : i32
      %dma_wait3A_121 = arith.constant 0 : i32
      %dma_wait3A_122 = tpu.memref_slice %arg11[%dma_wait3A_120, %dma_wait3A_121] : memref<112x128xf32, #tpu.memory_space<vmem>> -> memref<112x128xf32, #tpu.memory_space<vmem>>
      %dma_wait3A_123 = arith.constant 0 : i32
      %dma_wait3A_124 = tpu.memref_slice %arg14[%add3A_27, %dma_wait3A_123] : memref<10240x128xf32, #tpu.memory_space<vmem_shared>> -> memref<112x128xf32, #tpu.memory_space<vmem_shared>>
      %dma_wait3A_125 = arith.constant 0 : i32
      %dma_wait3A_126 = tpu.memref_slice %arg14[%add3A_27, %dma_wait3A_125] : memref<10240x128xf32, #tpu.memory_space<vmem_shared>> -> memref<112x128xf32, #tpu.memory_space<vmem_shared>>
      %dma_wait3A_127 = arith.constant 0 : i32
      %dma_wait3A_128 = arith.constant 0 : i32
      %dma_wait3A_129 = tpu.memref_slice %arg11[%dma_wait3A_127, %dma_wait3A_128] : memref<112x128xf32, #tpu.memory_space<vmem>> -> memref<112x128xf32, #tpu.memory_space<vmem>>
      tpu.wait_dma2 semaphore(%run_scoped3A : memref<!tpu.dma_semaphore, #tpu.memory_space<semaphore_mem>>) src(%dma_wait3A_129 : memref<112x128xf32, #tpu.memory_space<vmem>>) dst(%dma_wait3A_126 : memref<112x128xf32, #tpu.memory_space<vmem_shared>>)
      tpu.yield
    }) : () -> ()
    %mul3A_28 = arith.constant 640 : i32
    %mul3A_29 = arith.muli %arg1, %mul3A_28 : i32
    %add3A_30 = arith.constant 560 : i32
    %add3A_31 = arith.addi %mul3A_29, %add3A_30 : i32
    "tpu.region"() ({
      %run_scoped3A = tpu.sem_alloc : memref<!tpu.dma_semaphore, #tpu.memory_space<semaphore_mem>>
      %dma_start3A_110 = arith.constant 0 : i32
      %dma_start3A_111 = arith.constant 0 : i32
      %dma_start3A_112 = tpu.memref_slice %arg11[%dma_start3A_110, %dma_start3A_111] : memref<112x128xf32, #tpu.memory_space<vmem>> -> memref<80x128xf32, #tpu.memory_space<vmem>>
      %dma_start3A_113 = arith.constant 0 : i32
      %dma_start3A_114 = tpu.memref_slice %arg14[%add3A_31, %dma_start3A_113] : memref<10240x128xf32, #tpu.memory_space<vmem_shared>> -> memref<80x128xf32, #tpu.memory_space<vmem_shared>>
      %dma_start3A_115 = arith.constant 0 : i32
      %dma_start3A_116 = tpu.memref_slice %arg14[%add3A_31, %dma_start3A_115] : memref<10240x128xf32, #tpu.memory_space<vmem_shared>> -> memref<80x128xf32, #tpu.memory_space<vmem_shared>>
      %dma_start3A_117 = arith.constant 0 : i32
      %dma_start3A_118 = arith.constant 0 : i32
      %dma_start3A_119 = tpu.memref_slice %arg11[%dma_start3A_117, %dma_start3A_118] : memref<112x128xf32, #tpu.memory_space<vmem>> -> memref<80x128xf32, #tpu.memory_space<vmem>>
      tpu.enqueue_dma source(%dma_start3A_119 : memref<80x128xf32, #tpu.memory_space<vmem>>) target(%dma_start3A_116 : memref<80x128xf32, #tpu.memory_space<vmem_shared>>) target_semaphore(%run_scoped3A : memref<!tpu.dma_semaphore, #tpu.memory_space<semaphore_mem>>)
      %dma_wait3A_120 = arith.constant 0 : i32
      %dma_wait3A_121 = arith.constant 0 : i32
      %dma_wait3A_122 = tpu.memref_slice %arg11[%dma_wait3A_120, %dma_wait3A_121] : memref<112x128xf32, #tpu.memory_space<vmem>> -> memref<80x128xf32, #tpu.memory_space<vmem>>
      %dma_wait3A_123 = arith.constant 0 : i32
      %dma_wait3A_124 = tpu.memref_slice %arg14[%add3A_31, %dma_wait3A_123] : memref<10240x128xf32, #tpu.memory_space<vmem_shared>> -> memref<80x128xf32, #tpu.memory_space<vmem_shared>>
      %dma_wait3A_125 = arith.constant 0 : i32
      %dma_wait3A_126 = tpu.memref_slice %arg14[%add3A_31, %dma_wait3A_125] : memref<10240x128xf32, #tpu.memory_space<vmem_shared>> -> memref<80x128xf32, #tpu.memory_space<vmem_shared>>
      %dma_wait3A_127 = arith.constant 0 : i32
      %dma_wait3A_128 = arith.constant 0 : i32
      %dma_wait3A_129 = tpu.memref_slice %arg11[%dma_wait3A_127, %dma_wait3A_128] : memref<112x128xf32, #tpu.memory_space<vmem>> -> memref<80x128xf32, #tpu.memory_space<vmem>>
      tpu.wait_dma2 semaphore(%run_scoped3A : memref<!tpu.dma_semaphore, #tpu.memory_space<semaphore_mem>>) src(%dma_wait3A_129 : memref<80x128xf32, #tpu.memory_space<vmem>>) dst(%dma_wait3A_126 : memref<80x128xf32, #tpu.memory_space<vmem_shared>>)
      tpu.yield
    }) : () -> ()
    %barrier3A = arith.constant 0 : index
    tpu.barrier barrier_id(%barrier3A)
    %dma_start3A = arith.constant 0 : i32
    %dma_start3A_32 = arith.constant 0 : i32
    %dma_start3A_33 = arith.constant 0 : i32
    %dma_start3A_34 = tpu.memref_slice %arg3[%dma_start3A_32, %add3A, %dma_start3A, %dma_start3A_33] : memref<2x32x90x112xi32, #tpu.memory_space<hbm>> -> memref<2x1x1x112xi32, #tpu.memory_space<hbm>>
    %dma_start3A_35 = tpu.memref_squeeze %dma_start3A_34 : memref<2x1x1x112xi32, #tpu.memory_space<hbm>> -> memref<2x112xi32, #tpu.memory_space<hbm>>
    %dma_start3A_36 = arith.constant 0 : i32
    %dma_start3A_37 = arith.constant 0 : i32
    %dma_start3A_38 = tpu.memref_slice %arg3[%dma_start3A_36, %add3A, %dma_start3A, %dma_start3A_37] : memref<2x32x90x112xi32, #tpu.memory_space<hbm>> -> memref<2x1x1x112xi32, #tpu.memory_space<hbm>>
    %dma_start3A_39 = tpu.memref_squeeze %dma_start3A_38 : memref<2x1x1x112xi32, #tpu.memory_space<hbm>> -> memref<2x112xi32, #tpu.memory_space<hbm>>
    tpu.enqueue_dma source(%dma_start3A_39 : memref<2x112xi32, #tpu.memory_space<hbm>>) target(%arg5 : memref<2x112xi32, #tpu.memory_space<vmem>>) target_semaphore(%arg15 : memref<!tpu.dma_semaphore, #tpu.memory_space<semaphore_mem>>)
    %dma_start3A_40 = arith.constant 1 : i32
    %dma_start3A_41 = arith.constant 0 : i32
    %dma_start3A_42 = arith.constant 0 : i32
    %dma_start3A_43 = tpu.memref_slice %arg3[%dma_start3A_41, %add3A, %dma_start3A_40, %dma_start3A_42] : memref<2x32x90x112xi32, #tpu.memory_space<hbm>> -> memref<2x1x1x112xi32, #tpu.memory_space<hbm>>
    %dma_start3A_44 = tpu.memref_squeeze %dma_start3A_43 : memref<2x1x1x112xi32, #tpu.memory_space<hbm>> -> memref<2x112xi32, #tpu.memory_space<hbm>>
    %dma_start3A_45 = arith.constant 0 : i32
    %dma_start3A_46 = arith.constant 0 : i32
    %dma_start3A_47 = tpu.memref_slice %arg3[%dma_start3A_45, %add3A, %dma_start3A_40, %dma_start3A_46] : memref<2x32x90x112xi32, #tpu.memory_space<hbm>> -> memref<2x1x1x112xi32, #tpu.memory_space<hbm>>
    %dma_start3A_48 = tpu.memref_squeeze %dma_start3A_47 : memref<2x1x1x112xi32, #tpu.memory_space<hbm>> -> memref<2x112xi32, #tpu.memory_space<hbm>>
    tpu.enqueue_dma source(%dma_start3A_48 : memref<2x112xi32, #tpu.memory_space<hbm>>) target(%arg6 : memref<2x112xi32, #tpu.memory_space<vmem>>) target_semaphore(%arg16 : memref<!tpu.dma_semaphore, #tpu.memory_space<semaphore_mem>>)
    %dma_start3A_49 = arith.constant 2 : i32
    %dma_start3A_50 = arith.constant 0 : i32
    %dma_start3A_51 = arith.constant 0 : i32
    %dma_start3A_52 = tpu.memref_slice %arg3[%dma_start3A_50, %add3A, %dma_start3A_49, %dma_start3A_51] : memref<2x32x90x112xi32, #tpu.memory_space<hbm>> -> memref<2x1x1x112xi32, #tpu.memory_space<hbm>>
    %dma_start3A_53 = tpu.memref_squeeze %dma_start3A_52 : memref<2x1x1x112xi32, #tpu.memory_space<hbm>> -> memref<2x112xi32, #tpu.memory_space<hbm>>
    %dma_start3A_54 = arith.constant 0 : i32
    %dma_start3A_55 = arith.constant 0 : i32
    %dma_start3A_56 = tpu.memref_slice %arg3[%dma_start3A_54, %add3A, %dma_start3A_49, %dma_start3A_55] : memref<2x32x90x112xi32, #tpu.memory_space<hbm>> -> memref<2x1x1x112xi32, #tpu.memory_space<hbm>>
    %dma_start3A_57 = tpu.memref_squeeze %dma_start3A_56 : memref<2x1x1x112xi32, #tpu.memory_space<hbm>> -> memref<2x112xi32, #tpu.memory_space<hbm>>
    tpu.enqueue_dma source(%dma_start3A_57 : memref<2x112xi32, #tpu.memory_space<hbm>>) target(%arg7 : memref<2x112xi32, #tpu.memory_space<vmem>>) target_semaphore(%arg17 : memref<!tpu.dma_semaphore, #tpu.memory_space<semaphore_mem>>)
    %scan3A_58 = arith.constant 0 : i32
    %scan3A_59 = arith.constant 0 : i32
    %scan3A_60 = arith.constant 15 : i32
    %scan3A_61 = arith.addi %scan3A_59, %scan3A_60 : i32
    %scan3A_62 = arith.constant 1 : i32
    %scan3A_63 = scf.for %scan3A_110 = %scan3A_59 to %scan3A_61 step %scan3A_62 iter_args(%scan3A_111 = %scan3A_58) -> (i32)  : i32 {
      %mul3A_112 = arith.constant 6 : i32
      %mul3A_113 = arith.muli %mul3A_112, %scan3A_110 : i32
      %add3A_114 = arith.constant 0 : i32
      %add3A_115 = arith.addi %mul3A_113, %add3A_114 : i32
      %dma_wait3A_116 = arith.constant 0 : i32
      %dma_wait3A_117 = arith.constant 0 : i32
      %dma_wait3A_118 = tpu.memref_slice %arg3[%dma_wait3A_116, %add3A, %add3A_115, %dma_wait3A_117] : memref<2x32x90x112xi32, #tpu.memory_space<hbm>> -> memref<2x1x1x112xi32, #tpu.memory_space<hbm>>
      %dma_wait3A_119 = tpu.memref_squeeze %dma_wait3A_118 : memref<2x1x1x112xi32, #tpu.memory_space<hbm>> -> memref<2x112xi32, #tpu.memory_space<hbm>>
      %dma_wait3A_120 = arith.constant 0 : i32
      %dma_wait3A_121 = arith.constant 0 : i32
      %dma_wait3A_122 = tpu.memref_slice %arg3[%dma_wait3A_120, %add3A, %add3A_115, %dma_wait3A_121] : memref<2x32x90x112xi32, #tpu.memory_space<hbm>> -> memref<2x1x1x112xi32, #tpu.memory_space<hbm>>
      %dma_wait3A_123 = tpu.memref_squeeze %dma_wait3A_122 : memref<2x1x1x112xi32, #tpu.memory_space<hbm>> -> memref<2x112xi32, #tpu.memory_space<hbm>>
      tpu.wait_dma2 semaphore(%arg15 : memref<!tpu.dma_semaphore, #tpu.memory_space<semaphore_mem>>) src(%dma_wait3A_123 : memref<2x112xi32, #tpu.memory_space<hbm>>) dst(%arg5 : memref<2x112xi32, #tpu.memory_space<vmem>>)
      %gt3A = arith.constant 0 : i32
      %gt3A_124 = arith.cmpi sgt, %scan3A_110, %gt3A : i32
      %convert_element_type3A = arith.extui %gt3A_124 : i1 to i32
      %cond3A = arith.constant 0 : i32
      %cond3A_125 = arith.cmpi ne, %convert_element_type3A, %cond3A : i32
      scf.if %cond3A_125 {
        %dma_wait3A_387 = arith.constant 1 : i32
        %dma_wait3A_388 = arith.constant 0 : i32
        %dma_wait3A_389 = tpu.memref_slice %arg8[%dma_wait3A_387, %dma_wait3A_388] : memref<2x112xi32, #tpu.memory_space<vmem>> -> memref<1x112xi32, #tpu.memory_space<vmem>>
        %dma_wait3A_390 = tpu.memref_squeeze %dma_wait3A_389 : memref<1x112xi32, #tpu.memory_space<vmem>> -> memref<112xi32, #tpu.memory_space<vmem>>
        %dma_wait3A_391 = arith.constant 0 : i32
        %dma_wait3A_392 = arith.constant 0 : i32
        %dma_wait3A_393 = tpu.memref_slice %arg14[%dma_wait3A_391, %dma_wait3A_392] : memref<10240x128xf32, #tpu.memory_space<vmem_shared>> -> memref<10240x128xf32, #tpu.memory_space<vmem_shared>>
        tpu.wait_indirect_dma semaphore(%arg21 : memref<!tpu.dma_semaphore, #tpu.memory_space<semaphore_mem>>) src(%arg11 : memref<112x128xf32, #tpu.memory_space<vmem>>) dst(%dma_wait3A_393 : memref<10240x128xf32, #tpu.memory_space<vmem_shared>>)
      } else {
      }
      %dma_start3A_126 = arith.constant 0 : i32
      %dma_start3A_127 = arith.constant 0 : i32
      %dma_start3A_128 = tpu.memref_slice %arg5[%dma_start3A_126, %dma_start3A_127] : memref<2x112xi32, #tpu.memory_space<vmem>> -> memref<1x112xi32, #tpu.memory_space<vmem>>
      %dma_start3A_129 = tpu.memref_squeeze %dma_start3A_128 : memref<1x112xi32, #tpu.memory_space<vmem>> -> memref<112xi32, #tpu.memory_space<vmem>>
      %dma_start3A_130 = arith.constant 0 : i32
      %dma_start3A_131 = arith.constant 0 : i32
      %dma_start3A_132 = tpu.memref_slice %arg2[%dma_start3A_130, %dma_start3A_131] : memref<10240x128xf32, #tpu.memory_space<hbm>> -> memref<10240x128xf32, #tpu.memory_space<hbm>>
      tpu.enqueue_indirect_dma source(%dma_start3A_132 : memref<10240x128xf32, #tpu.memory_space<hbm>>) target(%arg11 : memref<112x128xf32, #tpu.memory_space<vmem>>) offsets(%dma_start3A_129 : memref<112xi32, #tpu.memory_space<vmem>>) semaphore(%arg18 : memref<!tpu.dma_semaphore, #tpu.memory_space<semaphore_mem>>)
      %add3A_133 = arith.constant 1 : i32
      %add3A_134 = arith.addi %mul3A_113, %add3A_133 : i32
      %dma_wait3A_135 = arith.constant 0 : i32
      %dma_wait3A_136 = arith.constant 0 : i32
      %dma_wait3A_137 = tpu.memref_slice %arg3[%dma_wait3A_135, %add3A, %add3A_134, %dma_wait3A_136] : memref<2x32x90x112xi32, #tpu.memory_space<hbm>> -> memref<2x1x1x112xi32, #tpu.memory_space<hbm>>
      %dma_wait3A_138 = tpu.memref_squeeze %dma_wait3A_137 : memref<2x1x1x112xi32, #tpu.memory_space<hbm>> -> memref<2x112xi32, #tpu.memory_space<hbm>>
      %dma_wait3A_139 = arith.constant 0 : i32
      %dma_wait3A_140 = arith.constant 0 : i32
      %dma_wait3A_141 = tpu.memref_slice %arg3[%dma_wait3A_139, %add3A, %add3A_134, %dma_wait3A_140] : memref<2x32x90x112xi32, #tpu.memory_space<hbm>> -> memref<2x1x1x112xi32, #tpu.memory_space<hbm>>
      %dma_wait3A_142 = tpu.memref_squeeze %dma_wait3A_141 : memref<2x1x1x112xi32, #tpu.memory_space<hbm>> -> memref<2x112xi32, #tpu.memory_space<hbm>>
      tpu.wait_dma2 semaphore(%arg16 : memref<!tpu.dma_semaphore, #tpu.memory_space<semaphore_mem>>) src(%dma_wait3A_142 : memref<2x112xi32, #tpu.memory_space<hbm>>) dst(%arg6 : memref<2x112xi32, #tpu.memory_space<vmem>>)
      %gt3A_143 = arith.constant 0 : i32
      %gt3A_144 = arith.cmpi sgt, %scan3A_110, %gt3A_143 : i32
      %convert_element_type3A_145 = arith.extui %gt3A_144 : i1 to i32
      %cond3A_146 = arith.constant 0 : i32
      %cond3A_147 = arith.cmpi ne, %convert_element_type3A_145, %cond3A_146 : i32
      scf.if %cond3A_147 {
        %dma_wait3A_387 = arith.constant 1 : i32
        %dma_wait3A_388 = arith.constant 0 : i32
        %dma_wait3A_389 = tpu.memref_slice %arg9[%dma_wait3A_387, %dma_wait3A_388] : memref<2x112xi32, #tpu.memory_space<vmem>> -> memref<1x112xi32, #tpu.memory_space<vmem>>
        %dma_wait3A_390 = tpu.memref_squeeze %dma_wait3A_389 : memref<1x112xi32, #tpu.memory_space<vmem>> -> memref<112xi32, #tpu.memory_space<vmem>>
        %dma_wait3A_391 = arith.constant 0 : i32
        %dma_wait3A_392 = arith.constant 0 : i32
        %dma_wait3A_393 = tpu.memref_slice %arg14[%dma_wait3A_391, %dma_wait3A_392] : memref<10240x128xf32, #tpu.memory_space<vmem_shared>> -> memref<10240x128xf32, #tpu.memory_space<vmem_shared>>
        tpu.wait_indirect_dma semaphore(%arg22 : memref<!tpu.dma_semaphore, #tpu.memory_space<semaphore_mem>>) src(%arg12 : memref<112x128xf32, #tpu.memory_space<vmem>>) dst(%dma_wait3A_393 : memref<10240x128xf32, #tpu.memory_space<vmem_shared>>)
      } else {
      }
      %dma_start3A_148 = arith.constant 0 : i32
      %dma_start3A_149 = arith.constant 0 : i32
      %dma_start3A_150 = tpu.memref_slice %arg6[%dma_start3A_148, %dma_start3A_149] : memref<2x112xi32, #tpu.memory_space<vmem>> -> memref<1x112xi32, #tpu.memory_space<vmem>>
      %dma_start3A_151 = tpu.memref_squeeze %dma_start3A_150 : memref<1x112xi32, #tpu.memory_space<vmem>> -> memref<112xi32, #tpu.memory_space<vmem>>
      %dma_start3A_152 = arith.constant 0 : i32
      %dma_start3A_153 = arith.constant 0 : i32
      %dma_start3A_154 = tpu.memref_slice %arg2[%dma_start3A_152, %dma_start3A_153] : memref<10240x128xf32, #tpu.memory_space<hbm>> -> memref<10240x128xf32, #tpu.memory_space<hbm>>
      tpu.enqueue_indirect_dma source(%dma_start3A_154 : memref<10240x128xf32, #tpu.memory_space<hbm>>) target(%arg12 : memref<112x128xf32, #tpu.memory_space<vmem>>) offsets(%dma_start3A_151 : memref<112xi32, #tpu.memory_space<vmem>>) semaphore(%arg19 : memref<!tpu.dma_semaphore, #tpu.memory_space<semaphore_mem>>)
      %add3A_155 = arith.constant 2 : i32
      %add3A_156 = arith.addi %mul3A_113, %add3A_155 : i32
      %dma_wait3A_157 = arith.constant 0 : i32
      %dma_wait3A_158 = arith.constant 0 : i32
      %dma_wait3A_159 = tpu.memref_slice %arg3[%dma_wait3A_157, %add3A, %add3A_156, %dma_wait3A_158] : memref<2x32x90x112xi32, #tpu.memory_space<hbm>> -> memref<2x1x1x112xi32, #tpu.memory_space<hbm>>
      %dma_wait3A_160 = tpu.memref_squeeze %dma_wait3A_159 : memref<2x1x1x112xi32, #tpu.memory_space<hbm>> -> memref<2x112xi32, #tpu.memory_space<hbm>>
      %dma_wait3A_161 = arith.constant 0 : i32
      %dma_wait3A_162 = arith.constant 0 : i32
      %dma_wait3A_163 = tpu.memref_slice %arg3[%dma_wait3A_161, %add3A, %add3A_156, %dma_wait3A_162] : memref<2x32x90x112xi32, #tpu.memory_space<hbm>> -> memref<2x1x1x112xi32, #tpu.memory_space<hbm>>
      %dma_wait3A_164 = tpu.memref_squeeze %dma_wait3A_163 : memref<2x1x1x112xi32, #tpu.memory_space<hbm>> -> memref<2x112xi32, #tpu.memory_space<hbm>>
      tpu.wait_dma2 semaphore(%arg17 : memref<!tpu.dma_semaphore, #tpu.memory_space<semaphore_mem>>) src(%dma_wait3A_164 : memref<2x112xi32, #tpu.memory_space<hbm>>) dst(%arg7 : memref<2x112xi32, #tpu.memory_space<vmem>>)
      %gt3A_165 = arith.constant 0 : i32
      %gt3A_166 = arith.cmpi sgt, %scan3A_110, %gt3A_165 : i32
      %convert_element_type3A_167 = arith.extui %gt3A_166 : i1 to i32
      %cond3A_168 = arith.constant 0 : i32
      %cond3A_169 = arith.cmpi ne, %convert_element_type3A_167, %cond3A_168 : i32
      scf.if %cond3A_169 {
        %dma_wait3A_387 = arith.constant 1 : i32
        %dma_wait3A_388 = arith.constant 0 : i32
        %dma_wait3A_389 = tpu.memref_slice %arg10[%dma_wait3A_387, %dma_wait3A_388] : memref<2x112xi32, #tpu.memory_space<vmem>> -> memref<1x112xi32, #tpu.memory_space<vmem>>
        %dma_wait3A_390 = tpu.memref_squeeze %dma_wait3A_389 : memref<1x112xi32, #tpu.memory_space<vmem>> -> memref<112xi32, #tpu.memory_space<vmem>>
        %dma_wait3A_391 = arith.constant 0 : i32
        %dma_wait3A_392 = arith.constant 0 : i32
        %dma_wait3A_393 = tpu.memref_slice %arg14[%dma_wait3A_391, %dma_wait3A_392] : memref<10240x128xf32, #tpu.memory_space<vmem_shared>> -> memref<10240x128xf32, #tpu.memory_space<vmem_shared>>
        tpu.wait_indirect_dma semaphore(%arg23 : memref<!tpu.dma_semaphore, #tpu.memory_space<semaphore_mem>>) src(%arg13 : memref<112x128xf32, #tpu.memory_space<vmem>>) dst(%dma_wait3A_393 : memref<10240x128xf32, #tpu.memory_space<vmem_shared>>)
      } else {
      }
      %dma_start3A_170 = arith.constant 0 : i32
      %dma_start3A_171 = arith.constant 0 : i32
      %dma_start3A_172 = tpu.memref_slice %arg7[%dma_start3A_170, %dma_start3A_171] : memref<2x112xi32, #tpu.memory_space<vmem>> -> memref<1x112xi32, #tpu.memory_space<vmem>>
      %dma_start3A_173 = tpu.memref_squeeze %dma_start3A_172 : memref<1x112xi32, #tpu.memory_space<vmem>> -> memref<112xi32, #tpu.memory_space<vmem>>
      %dma_start3A_174 = arith.constant 0 : i32
      %dma_start3A_175 = arith.constant 0 : i32
      %dma_start3A_176 = tpu.memref_slice %arg2[%dma_start3A_174, %dma_start3A_175] : memref<10240x128xf32, #tpu.memory_space<hbm>> -> memref<10240x128xf32, #tpu.memory_space<hbm>>
      tpu.enqueue_indirect_dma source(%dma_start3A_176 : memref<10240x128xf32, #tpu.memory_space<hbm>>) target(%arg13 : memref<112x128xf32, #tpu.memory_space<vmem>>) offsets(%dma_start3A_173 : memref<112xi32, #tpu.memory_space<vmem>>) semaphore(%arg20 : memref<!tpu.dma_semaphore, #tpu.memory_space<semaphore_mem>>)
      %add3A_177 = arith.constant 0 : i32
      %add3A_178 = arith.addi %mul3A_113, %add3A_177 : i32
      %dma_wait3A_179 = arith.constant 0 : i32
      %dma_wait3A_180 = arith.constant 0 : i32
      %dma_wait3A_181 = tpu.memref_slice %arg5[%dma_wait3A_179, %dma_wait3A_180] : memref<2x112xi32, #tpu.memory_space<vmem>> -> memref<1x112xi32, #tpu.memory_space<vmem>>
      %dma_wait3A_182 = tpu.memref_squeeze %dma_wait3A_181 : memref<1x112xi32, #tpu.memory_space<vmem>> -> memref<112xi32, #tpu.memory_space<vmem>>
      %dma_wait3A_183 = arith.constant 0 : i32
      %dma_wait3A_184 = arith.constant 0 : i32
      %dma_wait3A_185 = tpu.memref_slice %arg2[%dma_wait3A_183, %dma_wait3A_184] : memref<10240x128xf32, #tpu.memory_space<hbm>> -> memref<10240x128xf32, #tpu.memory_space<hbm>>
      tpu.wait_indirect_dma semaphore(%arg18 : memref<!tpu.dma_semaphore, #tpu.memory_space<semaphore_mem>>) src(%dma_wait3A_185 : memref<10240x128xf32, #tpu.memory_space<hbm>>) dst(%arg11 : memref<112x128xf32, #tpu.memory_space<vmem>>)
      %dma_start3A_186 = arith.constant 1 : i32
      %dma_start3A_187 = arith.constant 0 : i32
      %dma_start3A_188 = tpu.memref_slice %arg5[%dma_start3A_186, %dma_start3A_187] : memref<2x112xi32, #tpu.memory_space<vmem>> -> memref<1x112xi32, #tpu.memory_space<vmem>>
      %dma_start3A_189 = tpu.memref_squeeze %dma_start3A_188 : memref<1x112xi32, #tpu.memory_space<vmem>> -> memref<112xi32, #tpu.memory_space<vmem>>
      %dma_start3A_190 = arith.constant 0 : i32
      %dma_start3A_191 = arith.constant 0 : i32
      %dma_start3A_192 = tpu.memref_slice %arg14[%dma_start3A_190, %dma_start3A_191] : memref<10240x128xf32, #tpu.memory_space<vmem_shared>> -> memref<10240x128xf32, #tpu.memory_space<vmem_shared>>
      tpu.enqueue_indirect_dma source(%arg11 : memref<112x128xf32, #tpu.memory_space<vmem>>) target(%dma_start3A_192 : memref<10240x128xf32, #tpu.memory_space<vmem_shared>>) offsets(%dma_start3A_189 : memref<112xi32, #tpu.memory_space<vmem>>) semaphore(%arg21 : memref<!tpu.dma_semaphore, #tpu.memory_space<semaphore_mem>>) {add = true}
      %add3A_193 = arith.constant 3 : i32
      %add3A_194 = arith.addi %add3A_178, %add3A_193 : i32
      %lt3A = arith.constant 90 : i32
      %lt3A_195 = arith.cmpi slt, %add3A_194, %lt3A : i32
      %convert_element_type3A_196 = arith.extui %lt3A_195 : i1 to i32
      %cond3A_197 = arith.constant 0 : i32
      %cond3A_198 = arith.cmpi ne, %convert_element_type3A_196, %cond3A_197 : i32
      scf.if %cond3A_198 {
        %add3A_387 = arith.constant 3 : i32
        %add3A_388 = arith.addi %add3A_178, %add3A_387 : i32
        %dma_start3A_389 = arith.constant 0 : i32
        %dma_start3A_390 = arith.constant 0 : i32
        %dma_start3A_391 = tpu.memref_slice %arg3[%dma_start3A_389, %add3A, %add3A_388, %dma_start3A_390] : memref<2x32x90x112xi32, #tpu.memory_space<hbm>> -> memref<2x1x1x112xi32, #tpu.memory_space<hbm>>
        %dma_start3A_392 = tpu.memref_squeeze %dma_start3A_391 : memref<2x1x1x112xi32, #tpu.memory_space<hbm>> -> memref<2x112xi32, #tpu.memory_space<hbm>>
        %dma_start3A_393 = arith.constant 0 : i32
        %dma_start3A_394 = arith.constant 0 : i32
        %dma_start3A_395 = tpu.memref_slice %arg3[%dma_start3A_393, %add3A, %add3A_388, %dma_start3A_394] : memref<2x32x90x112xi32, #tpu.memory_space<hbm>> -> memref<2x1x1x112xi32, #tpu.memory_space<hbm>>
        %dma_start3A_396 = tpu.memref_squeeze %dma_start3A_395 : memref<2x1x1x112xi32, #tpu.memory_space<hbm>> -> memref<2x112xi32, #tpu.memory_space<hbm>>
        tpu.enqueue_dma source(%dma_start3A_396 : memref<2x112xi32, #tpu.memory_space<hbm>>) target(%arg8 : memref<2x112xi32, #tpu.memory_space<vmem>>) target_semaphore(%arg15 : memref<!tpu.dma_semaphore, #tpu.memory_space<semaphore_mem>>)
      } else {
      }
      %add3A_199 = arith.constant 1 : i32
      %add3A_200 = arith.addi %mul3A_113, %add3A_199 : i32
      %dma_wait3A_201 = arith.constant 0 : i32
      %dma_wait3A_202 = arith.constant 0 : i32
      %dma_wait3A_203 = tpu.memref_slice %arg6[%dma_wait3A_201, %dma_wait3A_202] : memref<2x112xi32, #tpu.memory_space<vmem>> -> memref<1x112xi32, #tpu.memory_space<vmem>>
      %dma_wait3A_204 = tpu.memref_squeeze %dma_wait3A_203 : memref<1x112xi32, #tpu.memory_space<vmem>> -> memref<112xi32, #tpu.memory_space<vmem>>
      %dma_wait3A_205 = arith.constant 0 : i32
      %dma_wait3A_206 = arith.constant 0 : i32
      %dma_wait3A_207 = tpu.memref_slice %arg2[%dma_wait3A_205, %dma_wait3A_206] : memref<10240x128xf32, #tpu.memory_space<hbm>> -> memref<10240x128xf32, #tpu.memory_space<hbm>>
      tpu.wait_indirect_dma semaphore(%arg19 : memref<!tpu.dma_semaphore, #tpu.memory_space<semaphore_mem>>) src(%dma_wait3A_207 : memref<10240x128xf32, #tpu.memory_space<hbm>>) dst(%arg12 : memref<112x128xf32, #tpu.memory_space<vmem>>)
      %dma_start3A_208 = arith.constant 1 : i32
      %dma_start3A_209 = arith.constant 0 : i32
      %dma_start3A_210 = tpu.memref_slice %arg6[%dma_start3A_208, %dma_start3A_209] : memref<2x112xi32, #tpu.memory_space<vmem>> -> memref<1x112xi32, #tpu.memory_space<vmem>>
      %dma_start3A_211 = tpu.memref_squeeze %dma_start3A_210 : memref<1x112xi32, #tpu.memory_space<vmem>> -> memref<112xi32, #tpu.memory_space<vmem>>
      %dma_start3A_212 = arith.constant 0 : i32
      %dma_start3A_213 = arith.constant 0 : i32
      %dma_start3A_214 = tpu.memref_slice %arg14[%dma_start3A_212, %dma_start3A_213] : memref<10240x128xf32, #tpu.memory_space<vmem_shared>> -> memref<10240x128xf32, #tpu.memory_space<vmem_shared>>
      tpu.enqueue_indirect_dma source(%arg12 : memref<112x128xf32, #tpu.memory_space<vmem>>) target(%dma_start3A_214 : memref<10240x128xf32, #tpu.memory_space<vmem_shared>>) offsets(%dma_start3A_211 : memref<112xi32, #tpu.memory_space<vmem>>) semaphore(%arg22 : memref<!tpu.dma_semaphore, #tpu.memory_space<semaphore_mem>>) {add = true}
      %add3A_215 = arith.constant 3 : i32
      %add3A_216 = arith.addi %add3A_200, %add3A_215 : i32
      %lt3A_217 = arith.constant 90 : i32
      %lt3A_218 = arith.cmpi slt, %add3A_216, %lt3A_217 : i32
      %convert_element_type3A_219 = arith.extui %lt3A_218 : i1 to i32
      %cond3A_220 = arith.constant 0 : i32
      %cond3A_221 = arith.cmpi ne, %convert_element_type3A_219, %cond3A_220 : i32
      scf.if %cond3A_221 {
        %add3A_387 = arith.constant 3 : i32
        %add3A_388 = arith.addi %add3A_200, %add3A_387 : i32
        %dma_start3A_389 = arith.constant 0 : i32
        %dma_start3A_390 = arith.constant 0 : i32
        %dma_start3A_391 = tpu.memref_slice %arg3[%dma_start3A_389, %add3A, %add3A_388, %dma_start3A_390] : memref<2x32x90x112xi32, #tpu.memory_space<hbm>> -> memref<2x1x1x112xi32, #tpu.memory_space<hbm>>
        %dma_start3A_392 = tpu.memref_squeeze %dma_start3A_391 : memref<2x1x1x112xi32, #tpu.memory_space<hbm>> -> memref<2x112xi32, #tpu.memory_space<hbm>>
        %dma_start3A_393 = arith.constant 0 : i32
        %dma_start3A_394 = arith.constant 0 : i32
        %dma_start3A_395 = tpu.memref_slice %arg3[%dma_start3A_393, %add3A, %add3A_388, %dma_start3A_394] : memref<2x32x90x112xi32, #tpu.memory_space<hbm>> -> memref<2x1x1x112xi32, #tpu.memory_space<hbm>>
        %dma_start3A_396 = tpu.memref_squeeze %dma_start3A_395 : memref<2x1x1x112xi32, #tpu.memory_space<hbm>> -> memref<2x112xi32, #tpu.memory_space<hbm>>
        tpu.enqueue_dma source(%dma_start3A_396 : memref<2x112xi32, #tpu.memory_space<hbm>>) target(%arg9 : memref<2x112xi32, #tpu.memory_space<vmem>>) target_semaphore(%arg16 : memref<!tpu.dma_semaphore, #tpu.memory_space<semaphore_mem>>)
      } else {
      }
      %add3A_222 = arith.constant 2 : i32
      %add3A_223 = arith.addi %mul3A_113, %add3A_222 : i32
      %dma_wait3A_224 = arith.constant 0 : i32
      %dma_wait3A_225 = arith.constant 0 : i32
      %dma_wait3A_226 = tpu.memref_slice %arg7[%dma_wait3A_224, %dma_wait3A_225] : memref<2x112xi32, #tpu.memory_space<vmem>> -> memref<1x112xi32, #tpu.memory_space<vmem>>
      %dma_wait3A_227 = tpu.memref_squeeze %dma_wait3A_226 : memref<1x112xi32, #tpu.memory_space<vmem>> -> memref<112xi32, #tpu.memory_space<vmem>>
      %dma_wait3A_228 = arith.constant 0 : i32
      %dma_wait3A_229 = arith.constant 0 : i32
      %dma_wait3A_230 = tpu.memref_slice %arg2[%dma_wait3A_228, %dma_wait3A_229] : memref<10240x128xf32, #tpu.memory_space<hbm>> -> memref<10240x128xf32, #tpu.memory_space<hbm>>
      tpu.wait_indirect_dma semaphore(%arg20 : memref<!tpu.dma_semaphore, #tpu.memory_space<semaphore_mem>>) src(%dma_wait3A_230 : memref<10240x128xf32, #tpu.memory_space<hbm>>) dst(%arg13 : memref<112x128xf32, #tpu.memory_space<vmem>>)
      %dma_start3A_231 = arith.constant 1 : i32
      %dma_start3A_232 = arith.constant 0 : i32
      %dma_start3A_233 = tpu.memref_slice %arg7[%dma_start3A_231, %dma_start3A_232] : memref<2x112xi32, #tpu.memory_space<vmem>> -> memref<1x112xi32, #tpu.memory_space<vmem>>
      %dma_start3A_234 = tpu.memref_squeeze %dma_start3A_233 : memref<1x112xi32, #tpu.memory_space<vmem>> -> memref<112xi32, #tpu.memory_space<vmem>>
      %dma_start3A_235 = arith.constant 0 : i32
      %dma_start3A_236 = arith.constant 0 : i32
      %dma_start3A_237 = tpu.memref_slice %arg14[%dma_start3A_235, %dma_start3A_236] : memref<10240x128xf32, #tpu.memory_space<vmem_shared>> -> memref<10240x128xf32, #tpu.memory_space<vmem_shared>>
      tpu.enqueue_indirect_dma source(%arg13 : memref<112x128xf32, #tpu.memory_space<vmem>>) target(%dma_start3A_237 : memref<10240x128xf32, #tpu.memory_space<vmem_shared>>) offsets(%dma_start3A_234 : memref<112xi32, #tpu.memory_space<vmem>>) semaphore(%arg23 : memref<!tpu.dma_semaphore, #tpu.memory_space<semaphore_mem>>) {add = true}
      %add3A_238 = arith.constant 3 : i32
      %add3A_239 = arith.addi %add3A_223, %add3A_238 : i32
      %lt3A_240 = arith.constant 90 : i32
      %lt3A_241 = arith.cmpi slt, %add3A_239, %lt3A_240 : i32
      %convert_element_type3A_242 = arith.extui %lt3A_241 : i1 to i32
      %cond3A_243 = arith.constant 0 : i32
      %cond3A_244 = arith.cmpi ne, %convert_element_type3A_242, %cond3A_243 : i32
      scf.if %cond3A_244 {
        %add3A_387 = arith.constant 3 : i32
        %add3A_388 = arith.addi %add3A_223, %add3A_387 : i32
        %dma_start3A_389 = arith.constant 0 : i32
        %dma_start3A_390 = arith.constant 0 : i32
        %dma_start3A_391 = tpu.memref_slice %arg3[%dma_start3A_389, %add3A, %add3A_388, %dma_start3A_390] : memref<2x32x90x112xi32, #tpu.memory_space<hbm>> -> memref<2x1x1x112xi32, #tpu.memory_space<hbm>>
        %dma_start3A_392 = tpu.memref_squeeze %dma_start3A_391 : memref<2x1x1x112xi32, #tpu.memory_space<hbm>> -> memref<2x112xi32, #tpu.memory_space<hbm>>
        %dma_start3A_393 = arith.constant 0 : i32
        %dma_start3A_394 = arith.constant 0 : i32
        %dma_start3A_395 = tpu.memref_slice %arg3[%dma_start3A_393, %add3A, %add3A_388, %dma_start3A_394] : memref<2x32x90x112xi32, #tpu.memory_space<hbm>> -> memref<2x1x1x112xi32, #tpu.memory_space<hbm>>
        %dma_start3A_396 = tpu.memref_squeeze %dma_start3A_395 : memref<2x1x1x112xi32, #tpu.memory_space<hbm>> -> memref<2x112xi32, #tpu.memory_space<hbm>>
        tpu.enqueue_dma source(%dma_start3A_396 : memref<2x112xi32, #tpu.memory_space<hbm>>) target(%arg10 : memref<2x112xi32, #tpu.memory_space<vmem>>) target_semaphore(%arg17 : memref<!tpu.dma_semaphore, #tpu.memory_space<semaphore_mem>>)
      } else {
      }
      %add3A_245 = arith.constant 3 : i32
      %add3A_246 = arith.addi %mul3A_113, %add3A_245 : i32
      %dma_wait3A_247 = arith.constant 0 : i32
      %dma_wait3A_248 = arith.constant 0 : i32
      %dma_wait3A_249 = tpu.memref_slice %arg3[%dma_wait3A_247, %add3A, %add3A_246, %dma_wait3A_248] : memref<2x32x90x112xi32, #tpu.memory_space<hbm>> -> memref<2x1x1x112xi32, #tpu.memory_space<hbm>>
      %dma_wait3A_250 = tpu.memref_squeeze %dma_wait3A_249 : memref<2x1x1x112xi32, #tpu.memory_space<hbm>> -> memref<2x112xi32, #tpu.memory_space<hbm>>
      %dma_wait3A_251 = arith.constant 0 : i32
      %dma_wait3A_252 = arith.constant 0 : i32
      %dma_wait3A_253 = tpu.memref_slice %arg3[%dma_wait3A_251, %add3A, %add3A_246, %dma_wait3A_252] : memref<2x32x90x112xi32, #tpu.memory_space<hbm>> -> memref<2x1x1x112xi32, #tpu.memory_space<hbm>>
      %dma_wait3A_254 = tpu.memref_squeeze %dma_wait3A_253 : memref<2x1x1x112xi32, #tpu.memory_space<hbm>> -> memref<2x112xi32, #tpu.memory_space<hbm>>
      tpu.wait_dma2 semaphore(%arg15 : memref<!tpu.dma_semaphore, #tpu.memory_space<semaphore_mem>>) src(%dma_wait3A_254 : memref<2x112xi32, #tpu.memory_space<hbm>>) dst(%arg8 : memref<2x112xi32, #tpu.memory_space<vmem>>)
      %dma_wait3A_255 = arith.constant 1 : i32
      %dma_wait3A_256 = arith.constant 0 : i32
      %dma_wait3A_257 = tpu.memref_slice %arg5[%dma_wait3A_255, %dma_wait3A_256] : memref<2x112xi32, #tpu.memory_space<vmem>> -> memref<1x112xi32, #tpu.memory_space<vmem>>
      %dma_wait3A_258 = tpu.memref_squeeze %dma_wait3A_257 : memref<1x112xi32, #tpu.memory_space<vmem>> -> memref<112xi32, #tpu.memory_space<vmem>>
      %dma_wait3A_259 = arith.constant 0 : i32
      %dma_wait3A_260 = arith.constant 0 : i32
      %dma_wait3A_261 = tpu.memref_slice %arg14[%dma_wait3A_259, %dma_wait3A_260] : memref<10240x128xf32, #tpu.memory_space<vmem_shared>> -> memref<10240x128xf32, #tpu.memory_space<vmem_shared>>
      tpu.wait_indirect_dma semaphore(%arg21 : memref<!tpu.dma_semaphore, #tpu.memory_space<semaphore_mem>>) src(%arg11 : memref<112x128xf32, #tpu.memory_space<vmem>>) dst(%dma_wait3A_261 : memref<10240x128xf32, #tpu.memory_space<vmem_shared>>)
      %dma_start3A_262 = arith.constant 0 : i32
      %dma_start3A_263 = arith.constant 0 : i32
      %dma_start3A_264 = tpu.memref_slice %arg8[%dma_start3A_262, %dma_start3A_263] : memref<2x112xi32, #tpu.memory_space<vmem>> -> memref<1x112xi32, #tpu.memory_space<vmem>>
      %dma_start3A_265 = tpu.memref_squeeze %dma_start3A_264 : memref<1x112xi32, #tpu.memory_space<vmem>> -> memref<112xi32, #tpu.memory_space<vmem>>
      %dma_start3A_266 = arith.constant 0 : i32
      %dma_start3A_267 = arith.constant 0 : i32
      %dma_start3A_268 = tpu.memref_slice %arg2[%dma_start3A_266, %dma_start3A_267] : memref<10240x128xf32, #tpu.memory_space<hbm>> -> memref<10240x128xf32, #tpu.memory_space<hbm>>
      tpu.enqueue_indirect_dma source(%dma_start3A_268 : memref<10240x128xf32, #tpu.memory_space<hbm>>) target(%arg11 : memref<112x128xf32, #tpu.memory_space<vmem>>) offsets(%dma_start3A_265 : memref<112xi32, #tpu.memory_space<vmem>>) semaphore(%arg18 : memref<!tpu.dma_semaphore, #tpu.memory_space<semaphore_mem>>)
      %add3A_269 = arith.constant 4 : i32
      %add3A_270 = arith.addi %mul3A_113, %add3A_269 : i32
      %dma_wait3A_271 = arith.constant 0 : i32
      %dma_wait3A_272 = arith.constant 0 : i32
      %dma_wait3A_273 = tpu.memref_slice %arg3[%dma_wait3A_271, %add3A, %add3A_270, %dma_wait3A_272] : memref<2x32x90x112xi32, #tpu.memory_space<hbm>> -> memref<2x1x1x112xi32, #tpu.memory_space<hbm>>
      %dma_wait3A_274 = tpu.memref_squeeze %dma_wait3A_273 : memref<2x1x1x112xi32, #tpu.memory_space<hbm>> -> memref<2x112xi32, #tpu.memory_space<hbm>>
      %dma_wait3A_275 = arith.constant 0 : i32
      %dma_wait3A_276 = arith.constant 0 : i32
      %dma_wait3A_277 = tpu.memref_slice %arg3[%dma_wait3A_275, %add3A, %add3A_270, %dma_wait3A_276] : memref<2x32x90x112xi32, #tpu.memory_space<hbm>> -> memref<2x1x1x112xi32, #tpu.memory_space<hbm>>
      %dma_wait3A_278 = tpu.memref_squeeze %dma_wait3A_277 : memref<2x1x1x112xi32, #tpu.memory_space<hbm>> -> memref<2x112xi32, #tpu.memory_space<hbm>>
      tpu.wait_dma2 semaphore(%arg16 : memref<!tpu.dma_semaphore, #tpu.memory_space<semaphore_mem>>) src(%dma_wait3A_278 : memref<2x112xi32, #tpu.memory_space<hbm>>) dst(%arg9 : memref<2x112xi32, #tpu.memory_space<vmem>>)
      %dma_wait3A_279 = arith.constant 1 : i32
      %dma_wait3A_280 = arith.constant 0 : i32
      %dma_wait3A_281 = tpu.memref_slice %arg6[%dma_wait3A_279, %dma_wait3A_280] : memref<2x112xi32, #tpu.memory_space<vmem>> -> memref<1x112xi32, #tpu.memory_space<vmem>>
      %dma_wait3A_282 = tpu.memref_squeeze %dma_wait3A_281 : memref<1x112xi32, #tpu.memory_space<vmem>> -> memref<112xi32, #tpu.memory_space<vmem>>
      %dma_wait3A_283 = arith.constant 0 : i32
      %dma_wait3A_284 = arith.constant 0 : i32
      %dma_wait3A_285 = tpu.memref_slice %arg14[%dma_wait3A_283, %dma_wait3A_284] : memref<10240x128xf32, #tpu.memory_space<vmem_shared>> -> memref<10240x128xf32, #tpu.memory_space<vmem_shared>>
      tpu.wait_indirect_dma semaphore(%arg22 : memref<!tpu.dma_semaphore, #tpu.memory_space<semaphore_mem>>) src(%arg12 : memref<112x128xf32, #tpu.memory_space<vmem>>) dst(%dma_wait3A_285 : memref<10240x128xf32, #tpu.memory_space<vmem_shared>>)
      %dma_start3A_286 = arith.constant 0 : i32
      %dma_start3A_287 = arith.constant 0 : i32
      %dma_start3A_288 = tpu.memref_slice %arg9[%dma_start3A_286, %dma_start3A_287] : memref<2x112xi32, #tpu.memory_space<vmem>> -> memref<1x112xi32, #tpu.memory_space<vmem>>
      %dma_start3A_289 = tpu.memref_squeeze %dma_start3A_288 : memref<1x112xi32, #tpu.memory_space<vmem>> -> memref<112xi32, #tpu.memory_space<vmem>>
      %dma_start3A_290 = arith.constant 0 : i32
      %dma_start3A_291 = arith.constant 0 : i32
      %dma_start3A_292 = tpu.memref_slice %arg2[%dma_start3A_290, %dma_start3A_291] : memref<10240x128xf32, #tpu.memory_space<hbm>> -> memref<10240x128xf32, #tpu.memory_space<hbm>>
      tpu.enqueue_indirect_dma source(%dma_start3A_292 : memref<10240x128xf32, #tpu.memory_space<hbm>>) target(%arg12 : memref<112x128xf32, #tpu.memory_space<vmem>>) offsets(%dma_start3A_289 : memref<112xi32, #tpu.memory_space<vmem>>) semaphore(%arg19 : memref<!tpu.dma_semaphore, #tpu.memory_space<semaphore_mem>>)
      %add3A_293 = arith.constant 5 : i32
      %add3A_294 = arith.addi %mul3A_113, %add3A_293 : i32
      %dma_wait3A_295 = arith.constant 0 : i32
      %dma_wait3A_296 = arith.constant 0 : i32
      %dma_wait3A_297 = tpu.memref_slice %arg3[%dma_wait3A_295, %add3A, %add3A_294, %dma_wait3A_296] : memref<2x32x90x112xi32, #tpu.memory_space<hbm>> -> memref<2x1x1x112xi32, #tpu.memory_space<hbm>>
      %dma_wait3A_298 = tpu.memref_squeeze %dma_wait3A_297 : memref<2x1x1x112xi32, #tpu.memory_space<hbm>> -> memref<2x112xi32, #tpu.memory_space<hbm>>
      %dma_wait3A_299 = arith.constant 0 : i32
      %dma_wait3A_300 = arith.constant 0 : i32
      %dma_wait3A_301 = tpu.memref_slice %arg3[%dma_wait3A_299, %add3A, %add3A_294, %dma_wait3A_300] : memref<2x32x90x112xi32, #tpu.memory_space<hbm>> -> memref<2x1x1x112xi32, #tpu.memory_space<hbm>>
      %dma_wait3A_302 = tpu.memref_squeeze %dma_wait3A_301 : memref<2x1x1x112xi32, #tpu.memory_space<hbm>> -> memref<2x112xi32, #tpu.memory_space<hbm>>
      tpu.wait_dma2 semaphore(%arg17 : memref<!tpu.dma_semaphore, #tpu.memory_space<semaphore_mem>>) src(%dma_wait3A_302 : memref<2x112xi32, #tpu.memory_space<hbm>>) dst(%arg10 : memref<2x112xi32, #tpu.memory_space<vmem>>)
      %dma_wait3A_303 = arith.constant 1 : i32
      %dma_wait3A_304 = arith.constant 0 : i32
      %dma_wait3A_305 = tpu.memref_slice %arg7[%dma_wait3A_303, %dma_wait3A_304] : memref<2x112xi32, #tpu.memory_space<vmem>> -> memref<1x112xi32, #tpu.memory_space<vmem>>
      %dma_wait3A_306 = tpu.memref_squeeze %dma_wait3A_305 : memref<1x112xi32, #tpu.memory_space<vmem>> -> memref<112xi32, #tpu.memory_space<vmem>>
      %dma_wait3A_307 = arith.constant 0 : i32
      %dma_wait3A_308 = arith.constant 0 : i32
      %dma_wait3A_309 = tpu.memref_slice %arg14[%dma_wait3A_307, %dma_wait3A_308] : memref<10240x128xf32, #tpu.memory_space<vmem_shared>> -> memref<10240x128xf32, #tpu.memory_space<vmem_shared>>
      tpu.wait_indirect_dma semaphore(%arg23 : memref<!tpu.dma_semaphore, #tpu.memory_space<semaphore_mem>>) src(%arg13 : memref<112x128xf32, #tpu.memory_space<vmem>>) dst(%dma_wait3A_309 : memref<10240x128xf32, #tpu.memory_space<vmem_shared>>)
      %dma_start3A_310 = arith.constant 0 : i32
      %dma_start3A_311 = arith.constant 0 : i32
      %dma_start3A_312 = tpu.memref_slice %arg10[%dma_start3A_310, %dma_start3A_311] : memref<2x112xi32, #tpu.memory_space<vmem>> -> memref<1x112xi32, #tpu.memory_space<vmem>>
      %dma_start3A_313 = tpu.memref_squeeze %dma_start3A_312 : memref<1x112xi32, #tpu.memory_space<vmem>> -> memref<112xi32, #tpu.memory_space<vmem>>
      %dma_start3A_314 = arith.constant 0 : i32
      %dma_start3A_315 = arith.constant 0 : i32
      %dma_start3A_316 = tpu.memref_slice %arg2[%dma_start3A_314, %dma_start3A_315] : memref<10240x128xf32, #tpu.memory_space<hbm>> -> memref<10240x128xf32, #tpu.memory_space<hbm>>
      tpu.enqueue_indirect_dma source(%dma_start3A_316 : memref<10240x128xf32, #tpu.memory_space<hbm>>) target(%arg13 : memref<112x128xf32, #tpu.memory_space<vmem>>) offsets(%dma_start3A_313 : memref<112xi32, #tpu.memory_space<vmem>>) semaphore(%arg20 : memref<!tpu.dma_semaphore, #tpu.memory_space<semaphore_mem>>)
      %add3A_317 = arith.constant 3 : i32
      %add3A_318 = arith.addi %mul3A_113, %add3A_317 : i32
      %dma_wait3A_319 = arith.constant 0 : i32
      %dma_wait3A_320 = arith.constant 0 : i32
      %dma_wait3A_321 = tpu.memref_slice %arg8[%dma_wait3A_319, %dma_wait3A_320] : memref<2x112xi32, #tpu.memory_space<vmem>> -> memref<1x112xi32, #tpu.memory_space<vmem>>
      %dma_wait3A_322 = tpu.memref_squeeze %dma_wait3A_321 : memref<1x112xi32, #tpu.memory_space<vmem>> -> memref<112xi32, #tpu.memory_space<vmem>>
      %dma_wait3A_323 = arith.constant 0 : i32
      %dma_wait3A_324 = arith.constant 0 : i32
      %dma_wait3A_325 = tpu.memref_slice %arg2[%dma_wait3A_323, %dma_wait3A_324] : memref<10240x128xf32, #tpu.memory_space<hbm>> -> memref<10240x128xf32, #tpu.memory_space<hbm>>
      tpu.wait_indirect_dma semaphore(%arg18 : memref<!tpu.dma_semaphore, #tpu.memory_space<semaphore_mem>>) src(%dma_wait3A_325 : memref<10240x128xf32, #tpu.memory_space<hbm>>) dst(%arg11 : memref<112x128xf32, #tpu.memory_space<vmem>>)
      %dma_start3A_326 = arith.constant 1 : i32
      %dma_start3A_327 = arith.constant 0 : i32
      %dma_start3A_328 = tpu.memref_slice %arg8[%dma_start3A_326, %dma_start3A_327] : memref<2x112xi32, #tpu.memory_space<vmem>> -> memref<1x112xi32, #tpu.memory_space<vmem>>
      %dma_start3A_329 = tpu.memref_squeeze %dma_start3A_328 : memref<1x112xi32, #tpu.memory_space<vmem>> -> memref<112xi32, #tpu.memory_space<vmem>>
      %dma_start3A_330 = arith.constant 0 : i32
      %dma_start3A_331 = arith.constant 0 : i32
      %dma_start3A_332 = tpu.memref_slice %arg14[%dma_start3A_330, %dma_start3A_331] : memref<10240x128xf32, #tpu.memory_space<vmem_shared>> -> memref<10240x128xf32, #tpu.memory_space<vmem_shared>>
      tpu.enqueue_indirect_dma source(%arg11 : memref<112x128xf32, #tpu.memory_space<vmem>>) target(%dma_start3A_332 : memref<10240x128xf32, #tpu.memory_space<vmem_shared>>) offsets(%dma_start3A_329 : memref<112xi32, #tpu.memory_space<vmem>>) semaphore(%arg21 : memref<!tpu.dma_semaphore, #tpu.memory_space<semaphore_mem>>) {add = true}
      %add3A_333 = arith.constant 3 : i32
      %add3A_334 = arith.addi %add3A_318, %add3A_333 : i32
      %lt3A_335 = arith.constant 90 : i32
      %lt3A_336 = arith.cmpi slt, %add3A_334, %lt3A_335 : i32
      %convert_element_type3A_337 = arith.extui %lt3A_336 : i1 to i32
      %cond3A_338 = arith.constant 0 : i32
      %cond3A_339 = arith.cmpi ne, %convert_element_type3A_337, %cond3A_338 : i32
      scf.if %cond3A_339 {
        %add3A_387 = arith.constant 3 : i32
        %add3A_388 = arith.addi %add3A_318, %add3A_387 : i32
        %dma_start3A_389 = arith.constant 0 : i32
        %dma_start3A_390 = arith.constant 0 : i32
        %dma_start3A_391 = tpu.memref_slice %arg3[%dma_start3A_389, %add3A, %add3A_388, %dma_start3A_390] : memref<2x32x90x112xi32, #tpu.memory_space<hbm>> -> memref<2x1x1x112xi32, #tpu.memory_space<hbm>>
        %dma_start3A_392 = tpu.memref_squeeze %dma_start3A_391 : memref<2x1x1x112xi32, #tpu.memory_space<hbm>> -> memref<2x112xi32, #tpu.memory_space<hbm>>
        %dma_start3A_393 = arith.constant 0 : i32
        %dma_start3A_394 = arith.constant 0 : i32
        %dma_start3A_395 = tpu.memref_slice %arg3[%dma_start3A_393, %add3A, %add3A_388, %dma_start3A_394] : memref<2x32x90x112xi32, #tpu.memory_space<hbm>> -> memref<2x1x1x112xi32, #tpu.memory_space<hbm>>
        %dma_start3A_396 = tpu.memref_squeeze %dma_start3A_395 : memref<2x1x1x112xi32, #tpu.memory_space<hbm>> -> memref<2x112xi32, #tpu.memory_space<hbm>>
        tpu.enqueue_dma source(%dma_start3A_396 : memref<2x112xi32, #tpu.memory_space<hbm>>) target(%arg5 : memref<2x112xi32, #tpu.memory_space<vmem>>) target_semaphore(%arg15 : memref<!tpu.dma_semaphore, #tpu.memory_space<semaphore_mem>>)
      } else {
      }
      %add3A_340 = arith.constant 4 : i32
      %add3A_341 = arith.addi %mul3A_113, %add3A_340 : i32
      %dma_wait3A_342 = arith.constant 0 : i32
      %dma_wait3A_343 = arith.constant 0 : i32
      %dma_wait3A_344 = tpu.memref_slice %arg9[%dma_wait3A_342, %dma_wait3A_343] : memref<2x112xi32, #tpu.memory_space<vmem>> -> memref<1x112xi32, #tpu.memory_space<vmem>>
      %dma_wait3A_345 = tpu.memref_squeeze %dma_wait3A_344 : memref<1x112xi32, #tpu.memory_space<vmem>> -> memref<112xi32, #tpu.memory_space<vmem>>
      %dma_wait3A_346 = arith.constant 0 : i32
      %dma_wait3A_347 = arith.constant 0 : i32
      %dma_wait3A_348 = tpu.memref_slice %arg2[%dma_wait3A_346, %dma_wait3A_347] : memref<10240x128xf32, #tpu.memory_space<hbm>> -> memref<10240x128xf32, #tpu.memory_space<hbm>>
      tpu.wait_indirect_dma semaphore(%arg19 : memref<!tpu.dma_semaphore, #tpu.memory_space<semaphore_mem>>) src(%dma_wait3A_348 : memref<10240x128xf32, #tpu.memory_space<hbm>>) dst(%arg12 : memref<112x128xf32, #tpu.memory_space<vmem>>)
      %dma_start3A_349 = arith.constant 1 : i32
      %dma_start3A_350 = arith.constant 0 : i32
      %dma_start3A_351 = tpu.memref_slice %arg9[%dma_start3A_349, %dma_start3A_350] : memref<2x112xi32, #tpu.memory_space<vmem>> -> memref<1x112xi32, #tpu.memory_space<vmem>>
      %dma_start3A_352 = tpu.memref_squeeze %dma_start3A_351 : memref<1x112xi32, #tpu.memory_space<vmem>> -> memref<112xi32, #tpu.memory_space<vmem>>
      %dma_start3A_353 = arith.constant 0 : i32
      %dma_start3A_354 = arith.constant 0 : i32
      %dma_start3A_355 = tpu.memref_slice %arg14[%dma_start3A_353, %dma_start3A_354] : memref<10240x128xf32, #tpu.memory_space<vmem_shared>> -> memref<10240x128xf32, #tpu.memory_space<vmem_shared>>
      tpu.enqueue_indirect_dma source(%arg12 : memref<112x128xf32, #tpu.memory_space<vmem>>) target(%dma_start3A_355 : memref<10240x128xf32, #tpu.memory_space<vmem_shared>>) offsets(%dma_start3A_352 : memref<112xi32, #tpu.memory_space<vmem>>) semaphore(%arg22 : memref<!tpu.dma_semaphore, #tpu.memory_space<semaphore_mem>>) {add = true}
      %add3A_356 = arith.constant 3 : i32
      %add3A_357 = arith.addi %add3A_341, %add3A_356 : i32
      %lt3A_358 = arith.constant 90 : i32
      %lt3A_359 = arith.cmpi slt, %add3A_357, %lt3A_358 : i32
      %convert_element_type3A_360 = arith.extui %lt3A_359 : i1 to i32
      %cond3A_361 = arith.constant 0 : i32
      %cond3A_362 = arith.cmpi ne, %convert_element_type3A_360, %cond3A_361 : i32
      scf.if %cond3A_362 {
        %add3A_387 = arith.constant 3 : i32
        %add3A_388 = arith.addi %add3A_341, %add3A_387 : i32
        %dma_start3A_389 = arith.constant 0 : i32
        %dma_start3A_390 = arith.constant 0 : i32
        %dma_start3A_391 = tpu.memref_slice %arg3[%dma_start3A_389, %add3A, %add3A_388, %dma_start3A_390] : memref<2x32x90x112xi32, #tpu.memory_space<hbm>> -> memref<2x1x1x112xi32, #tpu.memory_space<hbm>>
        %dma_start3A_392 = tpu.memref_squeeze %dma_start3A_391 : memref<2x1x1x112xi32, #tpu.memory_space<hbm>> -> memref<2x112xi32, #tpu.memory_space<hbm>>
        %dma_start3A_393 = arith.constant 0 : i32
        %dma_start3A_394 = arith.constant 0 : i32
        %dma_start3A_395 = tpu.memref_slice %arg3[%dma_start3A_393, %add3A, %add3A_388, %dma_start3A_394] : memref<2x32x90x112xi32, #tpu.memory_space<hbm>> -> memref<2x1x1x112xi32, #tpu.memory_space<hbm>>
        %dma_start3A_396 = tpu.memref_squeeze %dma_start3A_395 : memref<2x1x1x112xi32, #tpu.memory_space<hbm>> -> memref<2x112xi32, #tpu.memory_space<hbm>>
        tpu.enqueue_dma source(%dma_start3A_396 : memref<2x112xi32, #tpu.memory_space<hbm>>) target(%arg6 : memref<2x112xi32, #tpu.memory_space<vmem>>) target_semaphore(%arg16 : memref<!tpu.dma_semaphore, #tpu.memory_space<semaphore_mem>>)
      } else {
      }
      %add3A_363 = arith.constant 5 : i32
      %add3A_364 = arith.addi %mul3A_113, %add3A_363 : i32
      %dma_wait3A_365 = arith.constant 0 : i32
      %dma_wait3A_366 = arith.constant 0 : i32
      %dma_wait3A_367 = tpu.memref_slice %arg10[%dma_wait3A_365, %dma_wait3A_366] : memref<2x112xi32, #tpu.memory_space<vmem>> -> memref<1x112xi32, #tpu.memory_space<vmem>>
      %dma_wait3A_368 = tpu.memref_squeeze %dma_wait3A_367 : memref<1x112xi32, #tpu.memory_space<vmem>> -> memref<112xi32, #tpu.memory_space<vmem>>
      %dma_wait3A_369 = arith.constant 0 : i32
      %dma_wait3A_370 = arith.constant 0 : i32
      %dma_wait3A_371 = tpu.memref_slice %arg2[%dma_wait3A_369, %dma_wait3A_370] : memref<10240x128xf32, #tpu.memory_space<hbm>> -> memref<10240x128xf32, #tpu.memory_space<hbm>>
      tpu.wait_indirect_dma semaphore(%arg20 : memref<!tpu.dma_semaphore, #tpu.memory_space<semaphore_mem>>) src(%dma_wait3A_371 : memref<10240x128xf32, #tpu.memory_space<hbm>>) dst(%arg13 : memref<112x128xf32, #tpu.memory_space<vmem>>)
      %dma_start3A_372 = arith.constant 1 : i32
      %dma_start3A_373 = arith.constant 0 : i32
      %dma_start3A_374 = tpu.memref_slice %arg10[%dma_start3A_372, %dma_start3A_373] : memref<2x112xi32, #tpu.memory_space<vmem>> -> memref<1x112xi32, #tpu.memory_space<vmem>>
      %dma_start3A_375 = tpu.memref_squeeze %dma_start3A_374 : memref<1x112xi32, #tpu.memory_space<vmem>> -> memref<112xi32, #tpu.memory_space<vmem>>
      %dma_start3A_376 = arith.constant 0 : i32
      %dma_start3A_377 = arith.constant 0 : i32
      %dma_start3A_378 = tpu.memref_slice %arg14[%dma_start3A_376, %dma_start3A_377] : memref<10240x128xf32, #tpu.memory_space<vmem_shared>> -> memref<10240x128xf32, #tpu.memory_space<vmem_shared>>
      tpu.enqueue_indirect_dma source(%arg13 : memref<112x128xf32, #tpu.memory_space<vmem>>) target(%dma_start3A_378 : memref<10240x128xf32, #tpu.memory_space<vmem_shared>>) offsets(%dma_start3A_375 : memref<112xi32, #tpu.memory_space<vmem>>) semaphore(%arg23 : memref<!tpu.dma_semaphore, #tpu.memory_space<semaphore_mem>>) {add = true}
      %add3A_379 = arith.constant 3 : i32
      %add3A_380 = arith.addi %add3A_364, %add3A_379 : i32
      %lt3A_381 = arith.constant 90 : i32
      %lt3A_382 = arith.cmpi slt, %add3A_380, %lt3A_381 : i32
      %convert_element_type3A_383 = arith.extui %lt3A_382 : i1 to i32
      %cond3A_384 = arith.constant 0 : i32
      %cond3A_385 = arith.cmpi ne, %convert_element_type3A_383, %cond3A_384 : i32
      scf.if %cond3A_385 {
        %add3A_387 = arith.constant 3 : i32
        %add3A_388 = arith.addi %add3A_364, %add3A_387 : i32
        %dma_start3A_389 = arith.constant 0 : i32
        %dma_start3A_390 = arith.constant 0 : i32
        %dma_start3A_391 = tpu.memref_slice %arg3[%dma_start3A_389, %add3A, %add3A_388, %dma_start3A_390] : memref<2x32x90x112xi32, #tpu.memory_space<hbm>> -> memref<2x1x1x112xi32, #tpu.memory_space<hbm>>
        %dma_start3A_392 = tpu.memref_squeeze %dma_start3A_391 : memref<2x1x1x112xi32, #tpu.memory_space<hbm>> -> memref<2x112xi32, #tpu.memory_space<hbm>>
        %dma_start3A_393 = arith.constant 0 : i32
        %dma_start3A_394 = arith.constant 0 : i32
        %dma_start3A_395 = tpu.memref_slice %arg3[%dma_start3A_393, %add3A, %add3A_388, %dma_start3A_394] : memref<2x32x90x112xi32, #tpu.memory_space<hbm>> -> memref<2x1x1x112xi32, #tpu.memory_space<hbm>>
        %dma_start3A_396 = tpu.memref_squeeze %dma_start3A_395 : memref<2x1x1x112xi32, #tpu.memory_space<hbm>> -> memref<2x112xi32, #tpu.memory_space<hbm>>
        tpu.enqueue_dma source(%dma_start3A_396 : memref<2x112xi32, #tpu.memory_space<hbm>>) target(%arg7 : memref<2x112xi32, #tpu.memory_space<vmem>>) target_semaphore(%arg17 : memref<!tpu.dma_semaphore, #tpu.memory_space<semaphore_mem>>)
      } else {
      }
      %scan3A_386 = arith.constant 0 : i32
      scf.yield %scan3A_386 : i32
    }
    %scan3A_64 = arith.constant 15 : i32
    %dma_wait3A = arith.constant 1 : i32
    %dma_wait3A_65 = arith.constant 0 : i32
    %dma_wait3A_66 = tpu.memref_slice %arg8[%dma_wait3A, %dma_wait3A_65] : memref<2x112xi32, #tpu.memory_space<vmem>> -> memref<1x112xi32, #tpu.memory_space<vmem>>
    %dma_wait3A_67 = tpu.memref_squeeze %dma_wait3A_66 : memref<1x112xi32, #tpu.memory_space<vmem>> -> memref<112xi32, #tpu.memory_space<vmem>>
    %dma_wait3A_68 = arith.constant 0 : i32
    %dma_wait3A_69 = arith.constant 0 : i32
    %dma_wait3A_70 = tpu.memref_slice %arg14[%dma_wait3A_68, %dma_wait3A_69] : memref<10240x128xf32, #tpu.memory_space<vmem_shared>> -> memref<10240x128xf32, #tpu.memory_space<vmem_shared>>
    tpu.wait_indirect_dma semaphore(%arg21 : memref<!tpu.dma_semaphore, #tpu.memory_space<semaphore_mem>>) src(%arg11 : memref<112x128xf32, #tpu.memory_space<vmem>>) dst(%dma_wait3A_70 : memref<10240x128xf32, #tpu.memory_space<vmem_shared>>)
    %dma_wait3A_71 = arith.constant 1 : i32
    %dma_wait3A_72 = arith.constant 0 : i32
    %dma_wait3A_73 = tpu.memref_slice %arg9[%dma_wait3A_71, %dma_wait3A_72] : memref<2x112xi32, #tpu.memory_space<vmem>> -> memref<1x112xi32, #tpu.memory_space<vmem>>
    %dma_wait3A_74 = tpu.memref_squeeze %dma_wait3A_73 : memref<1x112xi32, #tpu.memory_space<vmem>> -> memref<112xi32, #tpu.memory_space<vmem>>
    %dma_wait3A_75 = arith.constant 0 : i32
    %dma_wait3A_76 = arith.constant 0 : i32
    %dma_wait3A_77 = tpu.memref_slice %arg14[%dma_wait3A_75, %dma_wait3A_76] : memref<10240x128xf32, #tpu.memory_space<vmem_shared>> -> memref<10240x128xf32, #tpu.memory_space<vmem_shared>>
    tpu.wait_indirect_dma semaphore(%arg22 : memref<!tpu.dma_semaphore, #tpu.memory_space<semaphore_mem>>) src(%arg12 : memref<112x128xf32, #tpu.memory_space<vmem>>) dst(%dma_wait3A_77 : memref<10240x128xf32, #tpu.memory_space<vmem_shared>>)
    %dma_wait3A_78 = arith.constant 1 : i32
    %dma_wait3A_79 = arith.constant 0 : i32
    %dma_wait3A_80 = tpu.memref_slice %arg10[%dma_wait3A_78, %dma_wait3A_79] : memref<2x112xi32, #tpu.memory_space<vmem>> -> memref<1x112xi32, #tpu.memory_space<vmem>>
    %dma_wait3A_81 = tpu.memref_squeeze %dma_wait3A_80 : memref<1x112xi32, #tpu.memory_space<vmem>> -> memref<112xi32, #tpu.memory_space<vmem>>
    %dma_wait3A_82 = arith.constant 0 : i32
    %dma_wait3A_83 = arith.constant 0 : i32
    %dma_wait3A_84 = tpu.memref_slice %arg14[%dma_wait3A_82, %dma_wait3A_83] : memref<10240x128xf32, #tpu.memory_space<vmem_shared>> -> memref<10240x128xf32, #tpu.memory_space<vmem_shared>>
    tpu.wait_indirect_dma semaphore(%arg23 : memref<!tpu.dma_semaphore, #tpu.memory_space<semaphore_mem>>) src(%arg13 : memref<112x128xf32, #tpu.memory_space<vmem>>) dst(%dma_wait3A_84 : memref<10240x128xf32, #tpu.memory_space<vmem_shared>>)
    %barrier3A_85 = arith.constant 0 : index
    tpu.barrier barrier_id(%barrier3A_85)
    %mul3A_86 = arith.constant 640 : i32
    %mul3A_87 = arith.muli %arg1, %mul3A_86 : i32
    %add3A_88 = arith.constant 0 : i32
    %add3A_89 = arith.addi %mul3A_87, %add3A_88 : i32
    "tpu.region"() ({
      %run_scoped3A = tpu.sem_alloc : memref<!tpu.dma_semaphore, #tpu.memory_space<semaphore_mem>>
      %dma_start3A_110 = arith.constant 0 : i32
      %dma_start3A_111 = arith.constant 0 : i32
      %dma_start3A_112 = tpu.memref_slice %arg11[%dma_start3A_110, %dma_start3A_111] : memref<112x128xf32, #tpu.memory_space<vmem>> -> memref<112x128xf32, #tpu.memory_space<vmem>>
      %dma_start3A_113 = arith.constant 0 : i32
      %dma_start3A_114 = tpu.memref_slice %arg14[%add3A_89, %dma_start3A_113] : memref<10240x128xf32, #tpu.memory_space<vmem_shared>> -> memref<112x128xf32, #tpu.memory_space<vmem_shared>>
      %dma_start3A_115 = arith.constant 0 : i32
      %dma_start3A_116 = arith.constant 0 : i32
      %dma_start3A_117 = tpu.memref_slice %arg11[%dma_start3A_115, %dma_start3A_116] : memref<112x128xf32, #tpu.memory_space<vmem>> -> memref<112x128xf32, #tpu.memory_space<vmem>>
      %dma_start3A_118 = arith.constant 0 : i32
      %dma_start3A_119 = tpu.memref_slice %arg14[%add3A_89, %dma_start3A_118] : memref<10240x128xf32, #tpu.memory_space<vmem_shared>> -> memref<112x128xf32, #tpu.memory_space<vmem_shared>>
      tpu.enqueue_dma source(%dma_start3A_119 : memref<112x128xf32, #tpu.memory_space<vmem_shared>>) target(%dma_start3A_117 : memref<112x128xf32, #tpu.memory_space<vmem>>) target_semaphore(%run_scoped3A : memref<!tpu.dma_semaphore, #tpu.memory_space<semaphore_mem>>)
      %dma_wait3A_120 = arith.constant 0 : i32
      %dma_wait3A_121 = arith.constant 0 : i32
      %dma_wait3A_122 = tpu.memref_slice %arg11[%dma_wait3A_120, %dma_wait3A_121] : memref<112x128xf32, #tpu.memory_space<vmem>> -> memref<112x128xf32, #tpu.memory_space<vmem>>
      %dma_wait3A_123 = arith.constant 0 : i32
      %dma_wait3A_124 = tpu.memref_slice %arg14[%add3A_89, %dma_wait3A_123] : memref<10240x128xf32, #tpu.memory_space<vmem_shared>> -> memref<112x128xf32, #tpu.memory_space<vmem_shared>>
      %dma_wait3A_125 = arith.constant 0 : i32
      %dma_wait3A_126 = arith.constant 0 : i32
      %dma_wait3A_127 = tpu.memref_slice %arg11[%dma_wait3A_125, %dma_wait3A_126] : memref<112x128xf32, #tpu.memory_space<vmem>> -> memref<112x128xf32, #tpu.memory_space<vmem>>
      %dma_wait3A_128 = arith.constant 0 : i32
      %dma_wait3A_129 = tpu.memref_slice %arg14[%add3A_89, %dma_wait3A_128] : memref<10240x128xf32, #tpu.memory_space<vmem_shared>> -> memref<112x128xf32, #tpu.memory_space<vmem_shared>>
      tpu.wait_dma2 semaphore(%run_scoped3A : memref<!tpu.dma_semaphore, #tpu.memory_space<semaphore_mem>>) src(%dma_wait3A_129 : memref<112x128xf32, #tpu.memory_space<vmem_shared>>) dst(%dma_wait3A_127 : memref<112x128xf32, #tpu.memory_space<vmem>>)
      tpu.yield
    }) : () -> ()
    "tpu.region"() ({
      %run_scoped3A = tpu.sem_alloc : memref<!tpu.dma_semaphore, #tpu.memory_space<semaphore_mem>>
      %dma_start3A_110 = arith.constant 0 : i32
      %dma_start3A_111 = arith.constant 0 : i32
      %dma_start3A_112 = tpu.memref_slice %arg11[%dma_start3A_110, %dma_start3A_111] : memref<112x128xf32, #tpu.memory_space<vmem>> -> memref<112x128xf32, #tpu.memory_space<vmem>>
      %dma_start3A_113 = arith.constant 0 : i32
      %dma_start3A_114 = tpu.memref_slice %arg4[%arg0, %add3A_89, %dma_start3A_113] : memref<2x10240x128xf32, #tpu.memory_space<hbm>> -> memref<1x112x128xf32, #tpu.memory_space<hbm>>
      %dma_start3A_115 = tpu.memref_squeeze %dma_start3A_114 : memref<1x112x128xf32, #tpu.memory_space<hbm>> -> memref<112x128xf32, #tpu.memory_space<hbm>>
      %dma_start3A_116 = arith.constant 0 : i32
      %dma_start3A_117 = tpu.memref_slice %arg4[%arg0, %add3A_89, %dma_start3A_116] : memref<2x10240x128xf32, #tpu.memory_space<hbm>> -> memref<1x112x128xf32, #tpu.memory_space<hbm>>
      %dma_start3A_118 = tpu.memref_squeeze %dma_start3A_117 : memref<1x112x128xf32, #tpu.memory_space<hbm>> -> memref<112x128xf32, #tpu.memory_space<hbm>>
      %dma_start3A_119 = arith.constant 0 : i32
      %dma_start3A_120 = arith.constant 0 : i32
      %dma_start3A_121 = tpu.memref_slice %arg11[%dma_start3A_119, %dma_start3A_120] : memref<112x128xf32, #tpu.memory_space<vmem>> -> memref<112x128xf32, #tpu.memory_space<vmem>>
      tpu.enqueue_dma source(%dma_start3A_121 : memref<112x128xf32, #tpu.memory_space<vmem>>) target(%dma_start3A_118 : memref<112x128xf32, #tpu.memory_space<hbm>>) target_semaphore(%run_scoped3A : memref<!tpu.dma_semaphore, #tpu.memory_space<semaphore_mem>>)
      %dma_wait3A_122 = arith.constant 0 : i32
      %dma_wait3A_123 = arith.constant 0 : i32
      %dma_wait3A_124 = tpu.memref_slice %arg11[%dma_wait3A_122, %dma_wait3A_123] : memref<112x128xf32, #tpu.memory_space<vmem>> -> memref<112x128xf32, #tpu.memory_space<vmem>>
      %dma_wait3A_125 = arith.constant 0 : i32
      %dma_wait3A_126 = tpu.memref_slice %arg4[%arg0, %add3A_89, %dma_wait3A_125] : memref<2x10240x128xf32, #tpu.memory_space<hbm>> -> memref<1x112x128xf32, #tpu.memory_space<hbm>>
      %dma_wait3A_127 = tpu.memref_squeeze %dma_wait3A_126 : memref<1x112x128xf32, #tpu.memory_space<hbm>> -> memref<112x128xf32, #tpu.memory_space<hbm>>
      %dma_wait3A_128 = arith.constant 0 : i32
      %dma_wait3A_129 = tpu.memref_slice %arg4[%arg0, %add3A_89, %dma_wait3A_128] : memref<2x10240x128xf32, #tpu.memory_space<hbm>> -> memref<1x112x128xf32, #tpu.memory_space<hbm>>
      %dma_wait3A_130 = tpu.memref_squeeze %dma_wait3A_129 : memref<1x112x128xf32, #tpu.memory_space<hbm>> -> memref<112x128xf32, #tpu.memory_space<hbm>>
      %dma_wait3A_131 = arith.constant 0 : i32
      %dma_wait3A_132 = arith.constant 0 : i32
      %dma_wait3A_133 = tpu.memref_slice %arg11[%dma_wait3A_131, %dma_wait3A_132] : memref<112x128xf32, #tpu.memory_space<vmem>> -> memref<112x128xf32, #tpu.memory_space<vmem>>
      tpu.wait_dma2 semaphore(%run_scoped3A : memref<!tpu.dma_semaphore, #tpu.memory_space<semaphore_mem>>) src(%dma_wait3A_133 : memref<112x128xf32, #tpu.memory_space<vmem>>) dst(%dma_wait3A_130 : memref<112x128xf32, #tpu.memory_space<hbm>>)
      tpu.yield
    }) : () -> ()
    %mul3A_90 = arith.constant 640 : i32
    %mul3A_91 = arith.muli %arg1, %mul3A_90 : i32
    %add3A_92 = arith.constant 112 : i32
    %add3A_93 = arith.addi %mul3A_91, %add3A_92 : i32
    "tpu.region"() ({
      %run_scoped3A = tpu.sem_alloc : memref<!tpu.dma_semaphore, #tpu.memory_space<semaphore_mem>>
      %dma_start3A_110 = arith.constant 0 : i32
      %dma_start3A_111 = arith.constant 0 : i32
      %dma_start3A_112 = tpu.memref_slice %arg11[%dma_start3A_110, %dma_start3A_111] : memref<112x128xf32, #tpu.memory_space<vmem>> -> memref<112x128xf32, #tpu.memory_space<vmem>>
      %dma_start3A_113 = arith.constant 0 : i32
      %dma_start3A_114 = tpu.memref_slice %arg14[%add3A_93, %dma_start3A_113] : memref<10240x128xf32, #tpu.memory_space<vmem_shared>> -> memref<112x128xf32, #tpu.memory_space<vmem_shared>>
      %dma_start3A_115 = arith.constant 0 : i32
      %dma_start3A_116 = arith.constant 0 : i32
      %dma_start3A_117 = tpu.memref_slice %arg11[%dma_start3A_115, %dma_start3A_116] : memref<112x128xf32, #tpu.memory_space<vmem>> -> memref<112x128xf32, #tpu.memory_space<vmem>>
      %dma_start3A_118 = arith.constant 0 : i32
      %dma_start3A_119 = tpu.memref_slice %arg14[%add3A_93, %dma_start3A_118] : memref<10240x128xf32, #tpu.memory_space<vmem_shared>> -> memref<112x128xf32, #tpu.memory_space<vmem_shared>>
      tpu.enqueue_dma source(%dma_start3A_119 : memref<112x128xf32, #tpu.memory_space<vmem_shared>>) target(%dma_start3A_117 : memref<112x128xf32, #tpu.memory_space<vmem>>) target_semaphore(%run_scoped3A : memref<!tpu.dma_semaphore, #tpu.memory_space<semaphore_mem>>)
      %dma_wait3A_120 = arith.constant 0 : i32
      %dma_wait3A_121 = arith.constant 0 : i32
      %dma_wait3A_122 = tpu.memref_slice %arg11[%dma_wait3A_120, %dma_wait3A_121] : memref<112x128xf32, #tpu.memory_space<vmem>> -> memref<112x128xf32, #tpu.memory_space<vmem>>
      %dma_wait3A_123 = arith.constant 0 : i32
      %dma_wait3A_124 = tpu.memref_slice %arg14[%add3A_93, %dma_wait3A_123] : memref<10240x128xf32, #tpu.memory_space<vmem_shared>> -> memref<112x128xf32, #tpu.memory_space<vmem_shared>>
      %dma_wait3A_125 = arith.constant 0 : i32
      %dma_wait3A_126 = arith.constant 0 : i32
      %dma_wait3A_127 = tpu.memref_slice %arg11[%dma_wait3A_125, %dma_wait3A_126] : memref<112x128xf32, #tpu.memory_space<vmem>> -> memref<112x128xf32, #tpu.memory_space<vmem>>
      %dma_wait3A_128 = arith.constant 0 : i32
      %dma_wait3A_129 = tpu.memref_slice %arg14[%add3A_93, %dma_wait3A_128] : memref<10240x128xf32, #tpu.memory_space<vmem_shared>> -> memref<112x128xf32, #tpu.memory_space<vmem_shared>>
      tpu.wait_dma2 semaphore(%run_scoped3A : memref<!tpu.dma_semaphore, #tpu.memory_space<semaphore_mem>>) src(%dma_wait3A_129 : memref<112x128xf32, #tpu.memory_space<vmem_shared>>) dst(%dma_wait3A_127 : memref<112x128xf32, #tpu.memory_space<vmem>>)
      tpu.yield
    }) : () -> ()
    "tpu.region"() ({
      %run_scoped3A = tpu.sem_alloc : memref<!tpu.dma_semaphore, #tpu.memory_space<semaphore_mem>>
      %dma_start3A_110 = arith.constant 0 : i32
      %dma_start3A_111 = arith.constant 0 : i32
      %dma_start3A_112 = tpu.memref_slice %arg11[%dma_start3A_110, %dma_start3A_111] : memref<112x128xf32, #tpu.memory_space<vmem>> -> memref<112x128xf32, #tpu.memory_space<vmem>>
      %dma_start3A_113 = arith.constant 0 : i32
      %dma_start3A_114 = tpu.memref_slice %arg4[%arg0, %add3A_93, %dma_start3A_113] : memref<2x10240x128xf32, #tpu.memory_space<hbm>> -> memref<1x112x128xf32, #tpu.memory_space<hbm>>
      %dma_start3A_115 = tpu.memref_squeeze %dma_start3A_114 : memref<1x112x128xf32, #tpu.memory_space<hbm>> -> memref<112x128xf32, #tpu.memory_space<hbm>>
      %dma_start3A_116 = arith.constant 0 : i32
      %dma_start3A_117 = tpu.memref_slice %arg4[%arg0, %add3A_93, %dma_start3A_116] : memref<2x10240x128xf32, #tpu.memory_space<hbm>> -> memref<1x112x128xf32, #tpu.memory_space<hbm>>
      %dma_start3A_118 = tpu.memref_squeeze %dma_start3A_117 : memref<1x112x128xf32, #tpu.memory_space<hbm>> -> memref<112x128xf32, #tpu.memory_space<hbm>>
      %dma_start3A_119 = arith.constant 0 : i32
      %dma_start3A_120 = arith.constant 0 : i32
      %dma_start3A_121 = tpu.memref_slice %arg11[%dma_start3A_119, %dma_start3A_120] : memref<112x128xf32, #tpu.memory_space<vmem>> -> memref<112x128xf32, #tpu.memory_space<vmem>>
      tpu.enqueue_dma source(%dma_start3A_121 : memref<112x128xf32, #tpu.memory_space<vmem>>) target(%dma_start3A_118 : memref<112x128xf32, #tpu.memory_space<hbm>>) target_semaphore(%run_scoped3A : memref<!tpu.dma_semaphore, #tpu.memory_space<semaphore_mem>>)
      %dma_wait3A_122 = arith.constant 0 : i32
      %dma_wait3A_123 = arith.constant 0 : i32
      %dma_wait3A_124 = tpu.memref_slice %arg11[%dma_wait3A_122, %dma_wait3A_123] : memref<112x128xf32, #tpu.memory_space<vmem>> -> memref<112x128xf32, #tpu.memory_space<vmem>>
      %dma_wait3A_125 = arith.constant 0 : i32
      %dma_wait3A_126 = tpu.memref_slice %arg4[%arg0, %add3A_93, %dma_wait3A_125] : memref<2x10240x128xf32, #tpu.memory_space<hbm>> -> memref<1x112x128xf32, #tpu.memory_space<hbm>>
      %dma_wait3A_127 = tpu.memref_squeeze %dma_wait3A_126 : memref<1x112x128xf32, #tpu.memory_space<hbm>> -> memref<112x128xf32, #tpu.memory_space<hbm>>
      %dma_wait3A_128 = arith.constant 0 : i32
      %dma_wait3A_129 = tpu.memref_slice %arg4[%arg0, %add3A_93, %dma_wait3A_128] : memref<2x10240x128xf32, #tpu.memory_space<hbm>> -> memref<1x112x128xf32, #tpu.memory_space<hbm>>
      %dma_wait3A_130 = tpu.memref_squeeze %dma_wait3A_129 : memref<1x112x128xf32, #tpu.memory_space<hbm>> -> memref<112x128xf32, #tpu.memory_space<hbm>>
      %dma_wait3A_131 = arith.constant 0 : i32
      %dma_wait3A_132 = arith.constant 0 : i32
      %dma_wait3A_133 = tpu.memref_slice %arg11[%dma_wait3A_131, %dma_wait3A_132] : memref<112x128xf32, #tpu.memory_space<vmem>> -> memref<112x128xf32, #tpu.memory_space<vmem>>
      tpu.wait_dma2 semaphore(%run_scoped3A : memref<!tpu.dma_semaphore, #tpu.memory_space<semaphore_mem>>) src(%dma_wait3A_133 : memref<112x128xf32, #tpu.memory_space<vmem>>) dst(%dma_wait3A_130 : memref<112x128xf32, #tpu.memory_space<hbm>>)
      tpu.yield
    }) : () -> ()
    %mul3A_94 = arith.constant 640 : i32
    %mul3A_95 = arith.muli %arg1, %mul3A_94 : i32
    %add3A_96 = arith.constant 224 : i32
    %add3A_97 = arith.addi %mul3A_95, %add3A_96 : i32
    "tpu.region"() ({
      %run_scoped3A = tpu.sem_alloc : memref<!tpu.dma_semaphore, #tpu.memory_space<semaphore_mem>>
      %dma_start3A_110 = arith.constant 0 : i32
      %dma_start3A_111 = arith.constant 0 : i32
      %dma_start3A_112 = tpu.memref_slice %arg11[%dma_start3A_110, %dma_start3A_111] : memref<112x128xf32, #tpu.memory_space<vmem>> -> memref<112x128xf32, #tpu.memory_space<vmem>>
      %dma_start3A_113 = arith.constant 0 : i32
      %dma_start3A_114 = tpu.memref_slice %arg14[%add3A_97, %dma_start3A_113] : memref<10240x128xf32, #tpu.memory_space<vmem_shared>> -> memref<112x128xf32, #tpu.memory_space<vmem_shared>>
      %dma_start3A_115 = arith.constant 0 : i32
      %dma_start3A_116 = arith.constant 0 : i32
      %dma_start3A_117 = tpu.memref_slice %arg11[%dma_start3A_115, %dma_start3A_116] : memref<112x128xf32, #tpu.memory_space<vmem>> -> memref<112x128xf32, #tpu.memory_space<vmem>>
      %dma_start3A_118 = arith.constant 0 : i32
      %dma_start3A_119 = tpu.memref_slice %arg14[%add3A_97, %dma_start3A_118] : memref<10240x128xf32, #tpu.memory_space<vmem_shared>> -> memref<112x128xf32, #tpu.memory_space<vmem_shared>>
      tpu.enqueue_dma source(%dma_start3A_119 : memref<112x128xf32, #tpu.memory_space<vmem_shared>>) target(%dma_start3A_117 : memref<112x128xf32, #tpu.memory_space<vmem>>) target_semaphore(%run_scoped3A : memref<!tpu.dma_semaphore, #tpu.memory_space<semaphore_mem>>)
      %dma_wait3A_120 = arith.constant 0 : i32
      %dma_wait3A_121 = arith.constant 0 : i32
      %dma_wait3A_122 = tpu.memref_slice %arg11[%dma_wait3A_120, %dma_wait3A_121] : memref<112x128xf32, #tpu.memory_space<vmem>> -> memref<112x128xf32, #tpu.memory_space<vmem>>
      %dma_wait3A_123 = arith.constant 0 : i32
      %dma_wait3A_124 = tpu.memref_slice %arg14[%add3A_97, %dma_wait3A_123] : memref<10240x128xf32, #tpu.memory_space<vmem_shared>> -> memref<112x128xf32, #tpu.memory_space<vmem_shared>>
      %dma_wait3A_125 = arith.constant 0 : i32
      %dma_wait3A_126 = arith.constant 0 : i32
      %dma_wait3A_127 = tpu.memref_slice %arg11[%dma_wait3A_125, %dma_wait3A_126] : memref<112x128xf32, #tpu.memory_space<vmem>> -> memref<112x128xf32, #tpu.memory_space<vmem>>
      %dma_wait3A_128 = arith.constant 0 : i32
      %dma_wait3A_129 = tpu.memref_slice %arg14[%add3A_97, %dma_wait3A_128] : memref<10240x128xf32, #tpu.memory_space<vmem_shared>> -> memref<112x128xf32, #tpu.memory_space<vmem_shared>>
      tpu.wait_dma2 semaphore(%run_scoped3A : memref<!tpu.dma_semaphore, #tpu.memory_space<semaphore_mem>>) src(%dma_wait3A_129 : memref<112x128xf32, #tpu.memory_space<vmem_shared>>) dst(%dma_wait3A_127 : memref<112x128xf32, #tpu.memory_space<vmem>>)
      tpu.yield
    }) : () -> ()
    "tpu.region"() ({
      %run_scoped3A = tpu.sem_alloc : memref<!tpu.dma_semaphore, #tpu.memory_space<semaphore_mem>>
      %dma_start3A_110 = arith.constant 0 : i32
      %dma_start3A_111 = arith.constant 0 : i32
      %dma_start3A_112 = tpu.memref_slice %arg11[%dma_start3A_110, %dma_start3A_111] : memref<112x128xf32, #tpu.memory_space<vmem>> -> memref<112x128xf32, #tpu.memory_space<vmem>>
      %dma_start3A_113 = arith.constant 0 : i32
      %dma_start3A_114 = tpu.memref_slice %arg4[%arg0, %add3A_97, %dma_start3A_113] : memref<2x10240x128xf32, #tpu.memory_space<hbm>> -> memref<1x112x128xf32, #tpu.memory_space<hbm>>
      %dma_start3A_115 = tpu.memref_squeeze %dma_start3A_114 : memref<1x112x128xf32, #tpu.memory_space<hbm>> -> memref<112x128xf32, #tpu.memory_space<hbm>>
      %dma_start3A_116 = arith.constant 0 : i32
      %dma_start3A_117 = tpu.memref_slice %arg4[%arg0, %add3A_97, %dma_start3A_116] : memref<2x10240x128xf32, #tpu.memory_space<hbm>> -> memref<1x112x128xf32, #tpu.memory_space<hbm>>
      %dma_start3A_118 = tpu.memref_squeeze %dma_start3A_117 : memref<1x112x128xf32, #tpu.memory_space<hbm>> -> memref<112x128xf32, #tpu.memory_space<hbm>>
      %dma_start3A_119 = arith.constant 0 : i32
      %dma_start3A_120 = arith.constant 0 : i32
      %dma_start3A_121 = tpu.memref_slice %arg11[%dma_start3A_119, %dma_start3A_120] : memref<112x128xf32, #tpu.memory_space<vmem>> -> memref<112x128xf32, #tpu.memory_space<vmem>>
      tpu.enqueue_dma source(%dma_start3A_121 : memref<112x128xf32, #tpu.memory_space<vmem>>) target(%dma_start3A_118 : memref<112x128xf32, #tpu.memory_space<hbm>>) target_semaphore(%run_scoped3A : memref<!tpu.dma_semaphore, #tpu.memory_space<semaphore_mem>>)
      %dma_wait3A_122 = arith.constant 0 : i32
      %dma_wait3A_123 = arith.constant 0 : i32
      %dma_wait3A_124 = tpu.memref_slice %arg11[%dma_wait3A_122, %dma_wait3A_123] : memref<112x128xf32, #tpu.memory_space<vmem>> -> memref<112x128xf32, #tpu.memory_space<vmem>>
      %dma_wait3A_125 = arith.constant 0 : i32
      %dma_wait3A_126 = tpu.memref_slice %arg4[%arg0, %add3A_97, %dma_wait3A_125] : memref<2x10240x128xf32, #tpu.memory_space<hbm>> -> memref<1x112x128xf32, #tpu.memory_space<hbm>>
      %dma_wait3A_127 = tpu.memref_squeeze %dma_wait3A_126 : memref<1x112x128xf32, #tpu.memory_space<hbm>> -> memref<112x128xf32, #tpu.memory_space<hbm>>
      %dma_wait3A_128 = arith.constant 0 : i32
      %dma_wait3A_129 = tpu.memref_slice %arg4[%arg0, %add3A_97, %dma_wait3A_128] : memref<2x10240x128xf32, #tpu.memory_space<hbm>> -> memref<1x112x128xf32, #tpu.memory_space<hbm>>
      %dma_wait3A_130 = tpu.memref_squeeze %dma_wait3A_129 : memref<1x112x128xf32, #tpu.memory_space<hbm>> -> memref<112x128xf32, #tpu.memory_space<hbm>>
      %dma_wait3A_131 = arith.constant 0 : i32
      %dma_wait3A_132 = arith.constant 0 : i32
      %dma_wait3A_133 = tpu.memref_slice %arg11[%dma_wait3A_131, %dma_wait3A_132] : memref<112x128xf32, #tpu.memory_space<vmem>> -> memref<112x128xf32, #tpu.memory_space<vmem>>
      tpu.wait_dma2 semaphore(%run_scoped3A : memref<!tpu.dma_semaphore, #tpu.memory_space<semaphore_mem>>) src(%dma_wait3A_133 : memref<112x128xf32, #tpu.memory_space<vmem>>) dst(%dma_wait3A_130 : memref<112x128xf32, #tpu.memory_space<hbm>>)
      tpu.yield
    }) : () -> ()
    %mul3A_98 = arith.constant 640 : i32
    %mul3A_99 = arith.muli %arg1, %mul3A_98 : i32
    %add3A_100 = arith.constant 336 : i32
    %add3A_101 = arith.addi %mul3A_99, %add3A_100 : i32
    "tpu.region"() ({
      %run_scoped3A = tpu.sem_alloc : memref<!tpu.dma_semaphore, #tpu.memory_space<semaphore_mem>>
      %dma_start3A_110 = arith.constant 0 : i32
      %dma_start3A_111 = arith.constant 0 : i32
      %dma_start3A_112 = tpu.memref_slice %arg11[%dma_start3A_110, %dma_start3A_111] : memref<112x128xf32, #tpu.memory_space<vmem>> -> memref<112x128xf32, #tpu.memory_space<vmem>>
      %dma_start3A_113 = arith.constant 0 : i32
      %dma_start3A_114 = tpu.memref_slice %arg14[%add3A_101, %dma_start3A_113] : memref<10240x128xf32, #tpu.memory_space<vmem_shared>> -> memref<112x128xf32, #tpu.memory_space<vmem_shared>>
      %dma_start3A_115 = arith.constant 0 : i32
      %dma_start3A_116 = arith.constant 0 : i32
      %dma_start3A_117 = tpu.memref_slice %arg11[%dma_start3A_115, %dma_start3A_116] : memref<112x128xf32, #tpu.memory_space<vmem>> -> memref<112x128xf32, #tpu.memory_space<vmem>>
      %dma_start3A_118 = arith.constant 0 : i32
      %dma_start3A_119 = tpu.memref_slice %arg14[%add3A_101, %dma_start3A_118] : memref<10240x128xf32, #tpu.memory_space<vmem_shared>> -> memref<112x128xf32, #tpu.memory_space<vmem_shared>>
      tpu.enqueue_dma source(%dma_start3A_119 : memref<112x128xf32, #tpu.memory_space<vmem_shared>>) target(%dma_start3A_117 : memref<112x128xf32, #tpu.memory_space<vmem>>) target_semaphore(%run_scoped3A : memref<!tpu.dma_semaphore, #tpu.memory_space<semaphore_mem>>)
      %dma_wait3A_120 = arith.constant 0 : i32
      %dma_wait3A_121 = arith.constant 0 : i32
      %dma_wait3A_122 = tpu.memref_slice %arg11[%dma_wait3A_120, %dma_wait3A_121] : memref<112x128xf32, #tpu.memory_space<vmem>> -> memref<112x128xf32, #tpu.memory_space<vmem>>
      %dma_wait3A_123 = arith.constant 0 : i32
      %dma_wait3A_124 = tpu.memref_slice %arg14[%add3A_101, %dma_wait3A_123] : memref<10240x128xf32, #tpu.memory_space<vmem_shared>> -> memref<112x128xf32, #tpu.memory_space<vmem_shared>>
      %dma_wait3A_125 = arith.constant 0 : i32
      %dma_wait3A_126 = arith.constant 0 : i32
      %dma_wait3A_127 = tpu.memref_slice %arg11[%dma_wait3A_125, %dma_wait3A_126] : memref<112x128xf32, #tpu.memory_space<vmem>> -> memref<112x128xf32, #tpu.memory_space<vmem>>
      %dma_wait3A_128 = arith.constant 0 : i32
      %dma_wait3A_129 = tpu.memref_slice %arg14[%add3A_101, %dma_wait3A_128] : memref<10240x128xf32, #tpu.memory_space<vmem_shared>> -> memref<112x128xf32, #tpu.memory_space<vmem_shared>>
      tpu.wait_dma2 semaphore(%run_scoped3A : memref<!tpu.dma_semaphore, #tpu.memory_space<semaphore_mem>>) src(%dma_wait3A_129 : memref<112x128xf32, #tpu.memory_space<vmem_shared>>) dst(%dma_wait3A_127 : memref<112x128xf32, #tpu.memory_space<vmem>>)
      tpu.yield
    }) : () -> ()
    "tpu.region"() ({
      %run_scoped3A = tpu.sem_alloc : memref<!tpu.dma_semaphore, #tpu.memory_space<semaphore_mem>>
      %dma_start3A_110 = arith.constant 0 : i32
      %dma_start3A_111 = arith.constant 0 : i32
      %dma_start3A_112 = tpu.memref_slice %arg11[%dma_start3A_110, %dma_start3A_111] : memref<112x128xf32, #tpu.memory_space<vmem>> -> memref<112x128xf32, #tpu.memory_space<vmem>>
      %dma_start3A_113 = arith.constant 0 : i32
      %dma_start3A_114 = tpu.memref_slice %arg4[%arg0, %add3A_101, %dma_start3A_113] : memref<2x10240x128xf32, #tpu.memory_space<hbm>> -> memref<1x112x128xf32, #tpu.memory_space<hbm>>
      %dma_start3A_115 = tpu.memref_squeeze %dma_start3A_114 : memref<1x112x128xf32, #tpu.memory_space<hbm>> -> memref<112x128xf32, #tpu.memory_space<hbm>>
      %dma_start3A_116 = arith.constant 0 : i32
      %dma_start3A_117 = tpu.memref_slice %arg4[%arg0, %add3A_101, %dma_start3A_116] : memref<2x10240x128xf32, #tpu.memory_space<hbm>> -> memref<1x112x128xf32, #tpu.memory_space<hbm>>
      %dma_start3A_118 = tpu.memref_squeeze %dma_start3A_117 : memref<1x112x128xf32, #tpu.memory_space<hbm>> -> memref<112x128xf32, #tpu.memory_space<hbm>>
      %dma_start3A_119 = arith.constant 0 : i32
      %dma_start3A_120 = arith.constant 0 : i32
      %dma_start3A_121 = tpu.memref_slice %arg11[%dma_start3A_119, %dma_start3A_120] : memref<112x128xf32, #tpu.memory_space<vmem>> -> memref<112x128xf32, #tpu.memory_space<vmem>>
      tpu.enqueue_dma source(%dma_start3A_121 : memref<112x128xf32, #tpu.memory_space<vmem>>) target(%dma_start3A_118 : memref<112x128xf32, #tpu.memory_space<hbm>>) target_semaphore(%run_scoped3A : memref<!tpu.dma_semaphore, #tpu.memory_space<semaphore_mem>>)
      %dma_wait3A_122 = arith.constant 0 : i32
      %dma_wait3A_123 = arith.constant 0 : i32
      %dma_wait3A_124 = tpu.memref_slice %arg11[%dma_wait3A_122, %dma_wait3A_123] : memref<112x128xf32, #tpu.memory_space<vmem>> -> memref<112x128xf32, #tpu.memory_space<vmem>>
      %dma_wait3A_125 = arith.constant 0 : i32
      %dma_wait3A_126 = tpu.memref_slice %arg4[%arg0, %add3A_101, %dma_wait3A_125] : memref<2x10240x128xf32, #tpu.memory_space<hbm>> -> memref<1x112x128xf32, #tpu.memory_space<hbm>>
      %dma_wait3A_127 = tpu.memref_squeeze %dma_wait3A_126 : memref<1x112x128xf32, #tpu.memory_space<hbm>> -> memref<112x128xf32, #tpu.memory_space<hbm>>
      %dma_wait3A_128 = arith.constant 0 : i32
      %dma_wait3A_129 = tpu.memref_slice %arg4[%arg0, %add3A_101, %dma_wait3A_128] : memref<2x10240x128xf32, #tpu.memory_space<hbm>> -> memref<1x112x128xf32, #tpu.memory_space<hbm>>
      %dma_wait3A_130 = tpu.memref_squeeze %dma_wait3A_129 : memref<1x112x128xf32, #tpu.memory_space<hbm>> -> memref<112x128xf32, #tpu.memory_space<hbm>>
      %dma_wait3A_131 = arith.constant 0 : i32
      %dma_wait3A_132 = arith.constant 0 : i32
      %dma_wait3A_133 = tpu.memref_slice %arg11[%dma_wait3A_131, %dma_wait3A_132] : memref<112x128xf32, #tpu.memory_space<vmem>> -> memref<112x128xf32, #tpu.memory_space<vmem>>
      tpu.wait_dma2 semaphore(%run_scoped3A : memref<!tpu.dma_semaphore, #tpu.memory_space<semaphore_mem>>) src(%dma_wait3A_133 : memref<112x128xf32, #tpu.memory_space<vmem>>) dst(%dma_wait3A_130 : memref<112x128xf32, #tpu.memory_space<hbm>>)
      tpu.yield
    }) : () -> ()
    %mul3A_102 = arith.constant 640 : i32
    %mul3A_103 = arith.muli %arg1, %mul3A_102 : i32
    %add3A_104 = arith.constant 448 : i32
    %add3A_105 = arith.addi %mul3A_103, %add3A_104 : i32
    "tpu.region"() ({
      %run_scoped3A = tpu.sem_alloc : memref<!tpu.dma_semaphore, #tpu.memory_space<semaphore_mem>>
      %dma_start3A_110 = arith.constant 0 : i32
      %dma_start3A_111 = arith.constant 0 : i32
      %dma_start3A_112 = tpu.memref_slice %arg11[%dma_start3A_110, %dma_start3A_111] : memref<112x128xf32, #tpu.memory_space<vmem>> -> memref<112x128xf32, #tpu.memory_space<vmem>>
      %dma_start3A_113 = arith.constant 0 : i32
      %dma_start3A_114 = tpu.memref_slice %arg14[%add3A_105, %dma_start3A_113] : memref<10240x128xf32, #tpu.memory_space<vmem_shared>> -> memref<112x128xf32, #tpu.memory_space<vmem_shared>>
      %dma_start3A_115 = arith.constant 0 : i32
      %dma_start3A_116 = arith.constant 0 : i32
      %dma_start3A_117 = tpu.memref_slice %arg11[%dma_start3A_115, %dma_start3A_116] : memref<112x128xf32, #tpu.memory_space<vmem>> -> memref<112x128xf32, #tpu.memory_space<vmem>>
      %dma_start3A_118 = arith.constant 0 : i32
      %dma_start3A_119 = tpu.memref_slice %arg14[%add3A_105, %dma_start3A_118] : memref<10240x128xf32, #tpu.memory_space<vmem_shared>> -> memref<112x128xf32, #tpu.memory_space<vmem_shared>>
      tpu.enqueue_dma source(%dma_start3A_119 : memref<112x128xf32, #tpu.memory_space<vmem_shared>>) target(%dma_start3A_117 : memref<112x128xf32, #tpu.memory_space<vmem>>) target_semaphore(%run_scoped3A : memref<!tpu.dma_semaphore, #tpu.memory_space<semaphore_mem>>)
      %dma_wait3A_120 = arith.constant 0 : i32
      %dma_wait3A_121 = arith.constant 0 : i32
      %dma_wait3A_122 = tpu.memref_slice %arg11[%dma_wait3A_120, %dma_wait3A_121] : memref<112x128xf32, #tpu.memory_space<vmem>> -> memref<112x128xf32, #tpu.memory_space<vmem>>
      %dma_wait3A_123 = arith.constant 0 : i32
      %dma_wait3A_124 = tpu.memref_slice %arg14[%add3A_105, %dma_wait3A_123] : memref<10240x128xf32, #tpu.memory_space<vmem_shared>> -> memref<112x128xf32, #tpu.memory_space<vmem_shared>>
      %dma_wait3A_125 = arith.constant 0 : i32
      %dma_wait3A_126 = arith.constant 0 : i32
      %dma_wait3A_127 = tpu.memref_slice %arg11[%dma_wait3A_125, %dma_wait3A_126] : memref<112x128xf32, #tpu.memory_space<vmem>> -> memref<112x128xf32, #tpu.memory_space<vmem>>
      %dma_wait3A_128 = arith.constant 0 : i32
      %dma_wait3A_129 = tpu.memref_slice %arg14[%add3A_105, %dma_wait3A_128] : memref<10240x128xf32, #tpu.memory_space<vmem_shared>> -> memref<112x128xf32, #tpu.memory_space<vmem_shared>>
      tpu.wait_dma2 semaphore(%run_scoped3A : memref<!tpu.dma_semaphore, #tpu.memory_space<semaphore_mem>>) src(%dma_wait3A_129 : memref<112x128xf32, #tpu.memory_space<vmem_shared>>) dst(%dma_wait3A_127 : memref<112x128xf32, #tpu.memory_space<vmem>>)
      tpu.yield
    }) : () -> ()
    "tpu.region"() ({
      %run_scoped3A = tpu.sem_alloc : memref<!tpu.dma_semaphore, #tpu.memory_space<semaphore_mem>>
      %dma_start3A_110 = arith.constant 0 : i32
      %dma_start3A_111 = arith.constant 0 : i32
      %dma_start3A_112 = tpu.memref_slice %arg11[%dma_start3A_110, %dma_start3A_111] : memref<112x128xf32, #tpu.memory_space<vmem>> -> memref<112x128xf32, #tpu.memory_space<vmem>>
      %dma_start3A_113 = arith.constant 0 : i32
      %dma_start3A_114 = tpu.memref_slice %arg4[%arg0, %add3A_105, %dma_start3A_113] : memref<2x10240x128xf32, #tpu.memory_space<hbm>> -> memref<1x112x128xf32, #tpu.memory_space<hbm>>
      %dma_start3A_115 = tpu.memref_squeeze %dma_start3A_114 : memref<1x112x128xf32, #tpu.memory_space<hbm>> -> memref<112x128xf32, #tpu.memory_space<hbm>>
      %dma_start3A_116 = arith.constant 0 : i32
      %dma_start3A_117 = tpu.memref_slice %arg4[%arg0, %add3A_105, %dma_start3A_116] : memref<2x10240x128xf32, #tpu.memory_space<hbm>> -> memref<1x112x128xf32, #tpu.memory_space<hbm>>
      %dma_start3A_118 = tpu.memref_squeeze %dma_start3A_117 : memref<1x112x128xf32, #tpu.memory_space<hbm>> -> memref<112x128xf32, #tpu.memory_space<hbm>>
      %dma_start3A_119 = arith.constant 0 : i32
      %dma_start3A_120 = arith.constant 0 : i32
      %dma_start3A_121 = tpu.memref_slice %arg11[%dma_start3A_119, %dma_start3A_120] : memref<112x128xf32, #tpu.memory_space<vmem>> -> memref<112x128xf32, #tpu.memory_space<vmem>>
      tpu.enqueue_dma source(%dma_start3A_121 : memref<112x128xf32, #tpu.memory_space<vmem>>) target(%dma_start3A_118 : memref<112x128xf32, #tpu.memory_space<hbm>>) target_semaphore(%run_scoped3A : memref<!tpu.dma_semaphore, #tpu.memory_space<semaphore_mem>>)
      %dma_wait3A_122 = arith.constant 0 : i32
      %dma_wait3A_123 = arith.constant 0 : i32
      %dma_wait3A_124 = tpu.memref_slice %arg11[%dma_wait3A_122, %dma_wait3A_123] : memref<112x128xf32, #tpu.memory_space<vmem>> -> memref<112x128xf32, #tpu.memory_space<vmem>>
      %dma_wait3A_125 = arith.constant 0 : i32
      %dma_wait3A_126 = tpu.memref_slice %arg4[%arg0, %add3A_105, %dma_wait3A_125] : memref<2x10240x128xf32, #tpu.memory_space<hbm>> -> memref<1x112x128xf32, #tpu.memory_space<hbm>>
      %dma_wait3A_127 = tpu.memref_squeeze %dma_wait3A_126 : memref<1x112x128xf32, #tpu.memory_space<hbm>> -> memref<112x128xf32, #tpu.memory_space<hbm>>
      %dma_wait3A_128 = arith.constant 0 : i32
      %dma_wait3A_129 = tpu.memref_slice %arg4[%arg0, %add3A_105, %dma_wait3A_128] : memref<2x10240x128xf32, #tpu.memory_space<hbm>> -> memref<1x112x128xf32, #tpu.memory_space<hbm>>
      %dma_wait3A_130 = tpu.memref_squeeze %dma_wait3A_129 : memref<1x112x128xf32, #tpu.memory_space<hbm>> -> memref<112x128xf32, #tpu.memory_space<hbm>>
      %dma_wait3A_131 = arith.constant 0 : i32
      %dma_wait3A_132 = arith.constant 0 : i32
      %dma_wait3A_133 = tpu.memref_slice %arg11[%dma_wait3A_131, %dma_wait3A_132] : memref<112x128xf32, #tpu.memory_space<vmem>> -> memref<112x128xf32, #tpu.memory_space<vmem>>
      tpu.wait_dma2 semaphore(%run_scoped3A : memref<!tpu.dma_semaphore, #tpu.memory_space<semaphore_mem>>) src(%dma_wait3A_133 : memref<112x128xf32, #tpu.memory_space<vmem>>) dst(%dma_wait3A_130 : memref<112x128xf32, #tpu.memory_space<hbm>>)
      tpu.yield
    }) : () -> ()
    %mul3A_106 = arith.constant 640 : i32
    %mul3A_107 = arith.muli %arg1, %mul3A_106 : i32
    %add3A_108 = arith.constant 560 : i32
    %add3A_109 = arith.addi %mul3A_107, %add3A_108 : i32
    "tpu.region"() ({
      %run_scoped3A = tpu.sem_alloc : memref<!tpu.dma_semaphore, #tpu.memory_space<semaphore_mem>>
      %dma_start3A_110 = arith.constant 0 : i32
      %dma_start3A_111 = arith.constant 0 : i32
      %dma_start3A_112 = tpu.memref_slice %arg11[%dma_start3A_110, %dma_start3A_111] : memref<112x128xf32, #tpu.memory_space<vmem>> -> memref<80x128xf32, #tpu.memory_space<vmem>>
      %dma_start3A_113 = arith.constant 0 : i32
      %dma_start3A_114 = tpu.memref_slice %arg14[%add3A_109, %dma_start3A_113] : memref<10240x128xf32, #tpu.memory_space<vmem_shared>> -> memref<80x128xf32, #tpu.memory_space<vmem_shared>>
      %dma_start3A_115 = arith.constant 0 : i32
      %dma_start3A_116 = arith.constant 0 : i32
      %dma_start3A_117 = tpu.memref_slice %arg11[%dma_start3A_115, %dma_start3A_116] : memref<112x128xf32, #tpu.memory_space<vmem>> -> memref<80x128xf32, #tpu.memory_space<vmem>>
      %dma_start3A_118 = arith.constant 0 : i32
      %dma_start3A_119 = tpu.memref_slice %arg14[%add3A_109, %dma_start3A_118] : memref<10240x128xf32, #tpu.memory_space<vmem_shared>> -> memref<80x128xf32, #tpu.memory_space<vmem_shared>>
      tpu.enqueue_dma source(%dma_start3A_119 : memref<80x128xf32, #tpu.memory_space<vmem_shared>>) target(%dma_start3A_117 : memref<80x128xf32, #tpu.memory_space<vmem>>) target_semaphore(%run_scoped3A : memref<!tpu.dma_semaphore, #tpu.memory_space<semaphore_mem>>)
      %dma_wait3A_120 = arith.constant 0 : i32
      %dma_wait3A_121 = arith.constant 0 : i32
      %dma_wait3A_122 = tpu.memref_slice %arg11[%dma_wait3A_120, %dma_wait3A_121] : memref<112x128xf32, #tpu.memory_space<vmem>> -> memref<80x128xf32, #tpu.memory_space<vmem>>
      %dma_wait3A_123 = arith.constant 0 : i32
      %dma_wait3A_124 = tpu.memref_slice %arg14[%add3A_109, %dma_wait3A_123] : memref<10240x128xf32, #tpu.memory_space<vmem_shared>> -> memref<80x128xf32, #tpu.memory_space<vmem_shared>>
      %dma_wait3A_125 = arith.constant 0 : i32
      %dma_wait3A_126 = arith.constant 0 : i32
      %dma_wait3A_127 = tpu.memref_slice %arg11[%dma_wait3A_125, %dma_wait3A_126] : memref<112x128xf32, #tpu.memory_space<vmem>> -> memref<80x128xf32, #tpu.memory_space<vmem>>
      %dma_wait3A_128 = arith.constant 0 : i32
      %dma_wait3A_129 = tpu.memref_slice %arg14[%add3A_109, %dma_wait3A_128] : memref<10240x128xf32, #tpu.memory_space<vmem_shared>> -> memref<80x128xf32, #tpu.memory_space<vmem_shared>>
      tpu.wait_dma2 semaphore(%run_scoped3A : memref<!tpu.dma_semaphore, #tpu.memory_space<semaphore_mem>>) src(%dma_wait3A_129 : memref<80x128xf32, #tpu.memory_space<vmem_shared>>) dst(%dma_wait3A_127 : memref<80x128xf32, #tpu.memory_space<vmem>>)
      tpu.yield
    }) : () -> ()
    "tpu.region"() ({
      %run_scoped3A = tpu.sem_alloc : memref<!tpu.dma_semaphore, #tpu.memory_space<semaphore_mem>>
      %dma_start3A_110 = arith.constant 0 : i32
      %dma_start3A_111 = arith.constant 0 : i32
      %dma_start3A_112 = tpu.memref_slice %arg11[%dma_start3A_110, %dma_start3A_111] : memref<112x128xf32, #tpu.memory_space<vmem>> -> memref<80x128xf32, #tpu.memory_space<vmem>>
      %dma_start3A_113 = arith.constant 0 : i32
      %dma_start3A_114 = tpu.memref_slice %arg4[%arg0, %add3A_109, %dma_start3A_113] : memref<2x10240x128xf32, #tpu.memory_space<hbm>> -> memref<1x80x128xf32, #tpu.memory_space<hbm>>
      %dma_start3A_115 = tpu.memref_squeeze %dma_start3A_114 : memref<1x80x128xf32, #tpu.memory_space<hbm>> -> memref<80x128xf32, #tpu.memory_space<hbm>>
      %dma_start3A_116 = arith.constant 0 : i32
      %dma_start3A_117 = tpu.memref_slice %arg4[%arg0, %add3A_109, %dma_start3A_116] : memref<2x10240x128xf32, #tpu.memory_space<hbm>> -> memref<1x80x128xf32, #tpu.memory_space<hbm>>
      %dma_start3A_118 = tpu.memref_squeeze %dma_start3A_117 : memref<1x80x128xf32, #tpu.memory_space<hbm>> -> memref<80x128xf32, #tpu.memory_space<hbm>>
      %dma_start3A_119 = arith.constant 0 : i32
      %dma_start3A_120 = arith.constant 0 : i32
      %dma_start3A_121 = tpu.memref_slice %arg11[%dma_start3A_119, %dma_start3A_120] : memref<112x128xf32, #tpu.memory_space<vmem>> -> memref<80x128xf32, #tpu.memory_space<vmem>>
      tpu.enqueue_dma source(%dma_start3A_121 : memref<80x128xf32, #tpu.memory_space<vmem>>) target(%dma_start3A_118 : memref<80x128xf32, #tpu.memory_space<hbm>>) target_semaphore(%run_scoped3A : memref<!tpu.dma_semaphore, #tpu.memory_space<semaphore_mem>>)
      %dma_wait3A_122 = arith.constant 0 : i32
      %dma_wait3A_123 = arith.constant 0 : i32
      %dma_wait3A_124 = tpu.memref_slice %arg11[%dma_wait3A_122, %dma_wait3A_123] : memref<112x128xf32, #tpu.memory_space<vmem>> -> memref<80x128xf32, #tpu.memory_space<vmem>>
      %dma_wait3A_125 = arith.constant 0 : i32
      %dma_wait3A_126 = tpu.memref_slice %arg4[%arg0, %add3A_109, %dma_wait3A_125] : memref<2x10240x128xf32, #tpu.memory_space<hbm>> -> memref<1x80x128xf32, #tpu.memory_space<hbm>>
      %dma_wait3A_127 = tpu.memref_squeeze %dma_wait3A_126 : memref<1x80x128xf32, #tpu.memory_space<hbm>> -> memref<80x128xf32, #tpu.memory_space<hbm>>
      %dma_wait3A_128 = arith.constant 0 : i32
      %dma_wait3A_129 = tpu.memref_slice %arg4[%arg0, %add3A_109, %dma_wait3A_128] : memref<2x10240x128xf32, #tpu.memory_space<hbm>> -> memref<1x80x128xf32, #tpu.memory_space<hbm>>
      %dma_wait3A_130 = tpu.memref_squeeze %dma_wait3A_129 : memref<1x80x128xf32, #tpu.memory_space<hbm>> -> memref<80x128xf32, #tpu.memory_space<hbm>>
      %dma_wait3A_131 = arith.constant 0 : i32
      %dma_wait3A_132 = arith.constant 0 : i32
      %dma_wait3A_133 = tpu.memref_slice %arg11[%dma_wait3A_131, %dma_wait3A_132] : memref<112x128xf32, #tpu.memory_space<vmem>> -> memref<80x128xf32, #tpu.memory_space<vmem>>
      tpu.wait_dma2 semaphore(%run_scoped3A : memref<!tpu.dma_semaphore, #tpu.memory_space<semaphore_mem>>) src(%dma_wait3A_133 : memref<80x128xf32, #tpu.memory_space<vmem>>) dst(%dma_wait3A_130 : memref<80x128xf32, #tpu.memory_space<hbm>>)
      tpu.yield
    }) : () -> ()
    return
  }
}

module attributes {stable_mosaic.version = 14 : i64} {
  func.func @body(%arg0: i32, %arg1: memref<512x32xf32, #tpu.memory_space<vmem>>, %arg2: memref<512x128xf32, #tpu.memory_space<vmem>>, %arg3: memref<128x128xf32, #tpu.memory_space<vmem>>, %arg4: memref<512x128xf32, #tpu.memory_space<vmem>>) attributes {dimension_semantics = [#tpu.dimension_semantics<arbitrary>], iteration_bounds = array<i64: 20>, scalar_prefetch = 0 : i64, scratch_operands = 0 : i64, tpu.core_type = #tpu.core_type<tc>, window_params = [{transform_indices = @transform_0, window_bounds = array<i64: 512, 32>}, {transform_indices = @transform_1, window_bounds = array<i64: 512, 128>}, {pipeline_mode = #tpu.pipeline_mode<synchronous>, transform_indices = @transform_2, window_bounds = array<i64: 128, 128>}, {transform_indices = @transform_3, window_bounds = array<i64: 512, 128>}]} {
    %get3A = arith.constant 0 : index
    %get3A_0 = arith.constant 0 : index
    %get3A_1 = vector.load %arg1[%get3A, %get3A_0] : memref<512x32xf32, #tpu.memory_space<vmem>>, vector<512x32xf32>
    %reduce_sum3A = arith.constant dense<0.000000e+00> : vector<512xf32>
    %reduce_sum3A_2 = vector.multi_reduction <add>, %get3A_1, %reduce_sum3A [1] : vector<512x32xf32> to vector<512xf32>
    %broadcast_in_dim3A = vector.shape_cast %reduce_sum3A_2 : vector<512xf32> to vector<512x1xf32>
    %add3A = arith.constant 1.000000e+00 : f32
    %add3A_3 = vector.broadcast %add3A : f32 to vector<512x1xf32>
    %add3A_4 = arith.addf %broadcast_in_dim3A, %add3A_3 : vector<512x1xf32>
    %rsqrt3A = math.rsqrt %add3A_4 : vector<512x1xf32>
    %get3A_5 = arith.constant 0 : index
    %get3A_6 = arith.constant 0 : index
    %get3A_7 = vector.load %arg2[%get3A_5, %get3A_6] : memref<512x128xf32, #tpu.memory_space<vmem>>, vector<512x128xf32>
    %get3A_8 = arith.constant 0 : index
    %get3A_9 = arith.constant 0 : index
    %get3A_10 = vector.load %arg3[%get3A_8, %get3A_9] : memref<128x128xf32, #tpu.memory_space<vmem>>, vector<128x128xf32>
    %dot_general3A = arith.constant dense<0.000000e+00> : vector<512x128xf32>
    %dot_general3A_11 = tpu.matmul %get3A_7, %get3A_10, %dot_general3A {dimension_numbers = #tpu.dot_dimension_numbers<[1], [0], [0], [1], [0, 0, 1, 1], [], []>, transpose_lhs_hint = false} : vector<512x128xf32>, vector<128x128xf32>, vector<512x128xf32> -> vector<512x128xf32>
    %mul3A = vector.broadcast %rsqrt3A : vector<512x1xf32> to vector<512x128xf32>
    %mul3A_12 = arith.mulf %mul3A, %dot_general3A_11 : vector<512x128xf32>
    %swap3A = arith.constant 0 : index
    %swap3A_13 = arith.constant 0 : index
    %swap3A_14 = vector.load %arg4[%swap3A, %swap3A_13] : memref<512x128xf32, #tpu.memory_space<vmem>>, vector<512x128xf32>
    tpu.vector_store %arg4[%swap3A, %swap3A_13], %mul3A_12 {strides = array<i32>} : memref<512x128xf32, #tpu.memory_space<vmem>>, vector<512x128xf32>,
    return
  }
  func.func @transform_0(%arg0: i32) -> (i32, i32) {
    %c0_i32 = arith.constant 0 : i32
    %c0_i32_0 = arith.constant 0 : i32
    return %arg0, %c0_i32 : i32, i32
  }
  func.func @transform_1(%arg0: i32) -> (i32, i32) {
    %c0_i32 = arith.constant 0 : i32
    %c0_i32_0 = arith.constant 0 : i32
    return %arg0, %c0_i32 : i32, i32
  }
  func.func @transform_2(%arg0: i32) -> (i32, i32) {
    %c0_i32 = arith.constant 0 : i32
    %c0_i32_0 = arith.constant 0 : i32
    %c0_i32_1 = arith.constant 0 : i32
    return %c0_i32, %c0_i32_0 : i32, i32
  }
  func.func @transform_3(%arg0: i32) -> (i32, i32) {
    %c0_i32 = arith.constant 0 : i32
    %c0_i32_0 = arith.constant 0 : i32
    return %arg0, %c0_i32 : i32, i32
  }
}

module attributes {stable_mosaic.version = 14 : i64} {
  func.func @body(%arg0: i32, %arg1: memref<2x512x128xf32, #tpu.memory_space<vmem>>, %arg2: memref<512x128xf32, #tpu.memory_space<vmem>>, %arg3: memref<512x32xf32, #tpu.memory_space<vmem>>, %arg4: memref<1x128xf32, #tpu.memory_space<vmem>>, %arg5: memref<1x128xf32, #tpu.memory_space<vmem>>, %arg6: memref<512x1xf32, #tpu.memory_space<vmem>>) attributes {dimension_semantics = [#tpu.dimension_semantics<arbitrary>], iteration_bounds = array<i64: 20>, scalar_prefetch = 0 : i64, scratch_operands = 0 : i64, tpu.core_type = #tpu.core_type<tc>, window_params = [{transform_indices = @transform_0, window_bounds = array<i64: 2, 512, 128>}, {transform_indices = @transform_1, window_bounds = array<i64: 512, 128>}, {transform_indices = @transform_2, window_bounds = array<i64: 512, 32>}, {pipeline_mode = #tpu.pipeline_mode<synchronous>, transform_indices = @transform_3, window_bounds = array<i64: 1, 128>}, {pipeline_mode = #tpu.pipeline_mode<synchronous>, transform_indices = @transform_4, window_bounds = array<i64: 1, 128>}, {transform_indices = @transform_5, window_bounds = array<i64: 512, 1>}]} {
    %get3A = arith.constant 0 : index
    %get3A_0 = arith.constant 0 : index
    %get3A_1 = arith.constant 0 : index
    %get3A_2 = vector.load %arg1[%get3A, %get3A_0, %get3A_1] : memref<2x512x128xf32, #tpu.memory_space<vmem>>, vector<1x512x128xf32>
    %get3A_3 = vector.shape_cast %get3A_2 : vector<1x512x128xf32> to vector<512x128xf32>
    %get3A_4 = arith.constant 1 : index
    %get3A_5 = arith.constant 0 : index
    %get3A_6 = arith.constant 0 : index
    %get3A_7 = vector.load %arg1[%get3A_4, %get3A_5, %get3A_6] : memref<2x512x128xf32, #tpu.memory_space<vmem>>, vector<1x512x128xf32>
    %get3A_8 = vector.shape_cast %get3A_7 : vector<1x512x128xf32> to vector<512x128xf32>
    %add3A = arith.addf %get3A_3, %get3A_8 : vector<512x128xf32>
    %get3A_9 = arith.constant 0 : index
    %get3A_10 = arith.constant 0 : index
    %get3A_11 = vector.load %arg3[%get3A_9, %get3A_10] : memref<512x32xf32, #tpu.memory_space<vmem>>, vector<512x32xf32>
    %reduce_sum3A = arith.constant dense<0.000000e+00> : vector<512xf32>
    %reduce_sum3A_12 = vector.multi_reduction <add>, %get3A_11, %reduce_sum3A [1] : vector<512x32xf32> to vector<512xf32>
    %broadcast_in_dim3A = vector.shape_cast %reduce_sum3A_12 : vector<512xf32> to vector<512x1xf32>
    %add3A_13 = arith.constant 1.000000e+00 : f32
    %add3A_14 = vector.broadcast %add3A_13 : f32 to vector<512x1xf32>
    %add3A_15 = arith.addf %broadcast_in_dim3A, %add3A_14 : vector<512x1xf32>
    %rsqrt3A = math.rsqrt %add3A_15 : vector<512x1xf32>
    %get3A_16 = arith.constant 0 : index
    %get3A_17 = arith.constant 0 : index
    %get3A_18 = vector.load %arg2[%get3A_16, %get3A_17] : memref<512x128xf32, #tpu.memory_space<vmem>>, vector<512x128xf32>
    %add3A_19 = arith.addf %add3A, %get3A_18 : vector<512x128xf32>
    %mul3A = vector.broadcast %rsqrt3A : vector<512x1xf32> to vector<512x128xf32>
    %mul3A_20 = arith.mulf %mul3A, %add3A_19 : vector<512x128xf32>
    %get3A_21 = arith.constant 0 : index
    %get3A_22 = arith.constant 0 : index
    %get3A_23 = vector.load %arg4[%get3A_21, %get3A_22] : memref<1x128xf32, #tpu.memory_space<vmem>>, vector<1x128xf32>
    %add3A_24 = vector.broadcast %get3A_23 : vector<1x128xf32> to vector<512x128xf32>
    %add3A_25 = arith.addf %mul3A_20, %add3A_24 : vector<512x128xf32>
    %max3A = arith.constant 0.000000e+00 : f32
    %max3A_26 = vector.broadcast %max3A : f32 to vector<512x128xf32>
    %max3A_27 = arith.maximumf %add3A_25, %max3A_26 : vector<512x128xf32>
    %get3A_28 = arith.constant 0 : index
    %get3A_29 = arith.constant 0 : index
    %get3A_30 = vector.load %arg5[%get3A_28, %get3A_29] : memref<1x128xf32, #tpu.memory_space<vmem>>, vector<1x128xf32>
    %mul3A_31 = vector.broadcast %get3A_30 : vector<1x128xf32> to vector<512x128xf32>
    %mul3A_32 = arith.mulf %max3A_27, %mul3A_31 : vector<512x128xf32>
    %reduce_sum3A_33 = arith.constant dense<0.000000e+00> : vector<512xf32>
    %reduce_sum3A_34 = vector.multi_reduction <add>, %mul3A_32, %reduce_sum3A_33 [1] : vector<512x128xf32> to vector<512xf32>
    %broadcast_in_dim3A_35 = vector.shape_cast %reduce_sum3A_34 : vector<512xf32> to vector<512x1xf32>
    %mul3A_36 = arith.mulf %rsqrt3A, %broadcast_in_dim3A_35 : vector<512x1xf32>
    %swap3A = arith.constant 0 : index
    %swap3A_37 = arith.constant 0 : index
    %swap3A_38 = vector.load %arg6[%swap3A, %swap3A_37] : memref<512x1xf32, #tpu.memory_space<vmem>>, vector<512x1xf32>
    tpu.vector_store %arg6[%swap3A, %swap3A_37], %mul3A_36 {strides = array<i32>} : memref<512x1xf32, #tpu.memory_space<vmem>>, vector<512x1xf32>,
    return
  }
  func.func @transform_0(%arg0: i32) -> (i32, i32, i32) {
    %c0_i32 = arith.constant 0 : i32
    %c0_i32_0 = arith.constant 0 : i32
    %c0_i32_1 = arith.constant 0 : i32
    return %c0_i32, %arg0, %c0_i32_0 : i32, i32, i32
  }
  func.func @transform_1(%arg0: i32) -> (i32, i32) {
    %c0_i32 = arith.constant 0 : i32
    %c0_i32_0 = arith.constant 0 : i32
    return %arg0, %c0_i32 : i32, i32
  }
  func.func @transform_2(%arg0: i32) -> (i32, i32) {
    %c0_i32 = arith.constant 0 : i32
    %c0_i32_0 = arith.constant 0 : i32
    return %arg0, %c0_i32 : i32, i32
  }
  func.func @transform_3(%arg0: i32) -> (i32, i32) {
    %c0_i32 = arith.constant 0 : i32
    %c0_i32_0 = arith.constant 0 : i32
    %c0_i32_1 = arith.constant 0 : i32
    return %c0_i32, %c0_i32_0 : i32, i32
  }
  func.func @transform_4(%arg0: i32) -> (i32, i32) {
    %c0_i32 = arith.constant 0 : i32
    %c0_i32_0 = arith.constant 0 : i32
    %c0_i32_1 = arith.constant 0 : i32
    return %c0_i32, %c0_i32_0 : i32, i32
  }
  func.func @transform_5(%arg0: i32) -> (i32, i32) {
    %c0_i32 = arith.constant 0 : i32
    %c0_i32_0 = arith.constant 0 : i32
    return %arg0, %c0_i32 : i32, i32
  }
}

module attributes {stable_mosaic.version = 14 : i64} {
  func.func @body(%arg0: memref<32x80x128xf32, #tpu.memory_space<vmem>>, %arg1: memref<80x128xf32, #tpu.memory_space<vmem>>, %arg2: memref<32x80x128xf32, #tpu.memory_space<vmem>>, %arg3: memref<1x1xf32, #tpu.memory_space<vmem>>, %arg4: memref<80x128xf32, #tpu.memory_space<vmem>>) attributes {dimension_semantics = [], scalar_prefetch = 0 : i64, scratch_operands = 0 : i64, tpu.core_type = #tpu.core_type<tc>} {
    %get3A = arith.constant 0 : index
    %get3A_0 = arith.constant 0 : index
    %get3A_1 = arith.constant 0 : index
    %get3A_2 = vector.load %arg0[%get3A, %get3A_0, %get3A_1] : memref<32x80x128xf32, #tpu.memory_space<vmem>>, vector<32x80x128xf32>
    %reduce_sum3A = arith.constant dense<0.000000e+00> : vector<80x128xf32>
    %reduce_sum3A_3 = vector.multi_reduction <add>, %get3A_2, %reduce_sum3A [0] : vector<32x80x128xf32> to vector<80x128xf32>
    %get3A_4 = arith.constant 0 : index
    %get3A_5 = arith.constant 0 : index
    %get3A_6 = arith.constant 0 : index
    %get3A_7 = vector.load %arg2[%get3A_4, %get3A_5, %get3A_6] : memref<32x80x128xf32, #tpu.memory_space<vmem>>, vector<32x80x128xf32>
    %reduce_sum3A_8 = arith.constant dense<0.000000e+00> : vector<80x128xf32>
    %reduce_sum3A_9 = vector.multi_reduction <add>, %get3A_7, %reduce_sum3A_8 [0] : vector<32x80x128xf32> to vector<80x128xf32>
    %add3A = arith.constant 1.000000e+00 : f32
    %add3A_10 = vector.broadcast %add3A : f32 to vector<80x128xf32>
    %add3A_11 = arith.addf %reduce_sum3A_9, %add3A_10 : vector<80x128xf32>
    %rsqrt3A = math.rsqrt %add3A_11 : vector<80x128xf32>
    %get3A_12 = arith.constant 0 : index
    %get3A_13 = arith.constant 0 : index
    %get3A_14 = vector.load %arg1[%get3A_12, %get3A_13] : memref<80x128xf32, #tpu.memory_space<vmem>>, vector<80x128xf32>
    %add3A_15 = arith.addf %reduce_sum3A_3, %get3A_14 : vector<80x128xf32>
    %mul3A = arith.mulf %rsqrt3A, %add3A_15 : vector<80x128xf32>
    %get3A_16 = arith.constant 0 : index
    %get3A_17 = arith.constant 0 : index
    %get3A_18 = vector.load %arg3[%get3A_16, %get3A_17] : memref<1x1xf32, #tpu.memory_space<vmem>>, vector<1x1xf32>
    %get3A_19 = vector.extract %get3A_18[0, 0] : f32 from vector<1x1xf32>
    %add3A_20 = vector.broadcast %get3A_19 : f32 to vector<80x128xf32>
    %add3A_21 = arith.addf %mul3A, %add3A_20 : vector<80x128xf32>
    %swap3A = arith.constant 0 : index
    %swap3A_22 = arith.constant 0 : index
    %swap3A_23 = vector.load %arg4[%swap3A, %swap3A_22] : memref<80x128xf32, #tpu.memory_space<vmem>>, vector<80x128xf32>
    tpu.vector_store %arg4[%swap3A, %swap3A_22], %add3A_21 {strides = array<i32>} : memref<80x128xf32, #tpu.memory_space<vmem>>, vector<80x128xf32>,
    return
  }
}

</mosaic_0001>

<sc_bundles>
// kernel: kernel.11.cloned.1.call-start
scs
__scs_entry_jumppad:
0x0: {  	(pc) =	sbr.rel $0x88, $3  }
0x1: {  	(tag) =	ssettag $0x0;
	lr =	simm.s32 $0x1  }
0x2: {  	[smem:$0x3F9B] =	sst lr;
	_ =	strace $0xD0000000  }
0x3: {  	_ = 	snop  }
0x4: {  	_ = 	snop  }
0x5: {  	_ = 	snop  }
0x6: {  	_ = 	snop  }
0x7: {  	_ = 	snop  }
__scs_overlays_trampoline_lowered:
0x8: {  	[smem:$0x3FAA] =	sst s0  }
0x9: {  	[smem:$0x3FAB] =	sst s1  }
0xa: {  	[smem:$0x3FAC] =	sst s2  }
0xb: {  	[smem:$0x3FAD] =	sst s3  }
0xc: {  	[smem:$0x3FAE] =	sst s4  }
0xd: {  	[smem:$0x3FAF] =	sst s5  }
0xe: {  	[smem:$0x3FB0] =	sst s6  }
0xf: {  	[smem:$0x3FB1] =	sst s7  }
0x10: {  	[smem:$0x3FB2] =	sst s8  }
0x11: {  	[smem:$0x3FB3] =	sst s9;
	s0 =	simm.s32 @!p0 $0x0  }
0x12: {  	s1 =	sld [smem:$0x3F99];
	s0 =	simm.s32 @p0 $0x1  }
0x13: {  	[smem:$0x3FB4] =	sst s0;
	s0 =	simm.s32 @!p1 $0x0  }
0x14: {  	s2 =	sld [smem:$0x3F98];
	s0 =	simm.s32 @p1 $0x1  }
0x15: {  	[smem:$0x3FB5] =	sst s0;
	s0 =	simm.s32 @!p2 $0x0  }
0x16: {  	s3 =	sld [smem:$0x3FDB];
	s0 =	simm.s32 @p2 $0x1  }
0x17: {  	s4 =	simm.s32 $0x1BF5;
	[smem:$0x3FB7] =	sst s0  }
0x18: {  	s0 =	sld [smem:$0x3F9A];
	_ =	swait.ge [sflag:s4], $0x0  }
0x19: {  	s7 =	sld [smem:$0x3F9B]  }
0x1a: {  	s8 =	sadd.s32 $0xFFFFE003, lr  }
0x1b: {  	s9 =	sadd.s32 $0xFFFFFEF7, lr;
	s5 =	simm.s32 $0xFFFFFFFF;
	p2 =	slt.u32 s8, $0xFFFFF086  }
0x1c: {  	p1 =	slt.u32 s9, $0xF7A;
	s5 =	simm.s32 @!p2 $0x0  }
0x1d: {  	s5 =	simm.s32 @p1 $0x1;
	p0 =	seq.s32 s7, s2  }
0x1e: {  	s7 =	smul.u32 @!p0 $0xF7A, s2;
	p2 =	seq.s32 @!p0 s5, $0x0  }
0x1f: {  	s9 =	smul.u32 $0xF7A, s1;
	s8 =	simm.s32 @!p0 $0x1BF5;
	p2 =	por !p2, p0  }
0x20: {  	[sflag:s8] =	ssyncset.s32 @!p0 $0xFFFFF086;
	s6 =	sadd.s32 @!p0 s3, s7;
	s7 =	simm.s32 @!p0 $0x108  }
0x21: {  	s3 =	sadd.s32 s3, s9;
	s6 =	sadd.s32 @!p0 $0x88, s6;
	s7 =	simm.s32 @p2 $0x1082  }
0x22: {  	[simem:s7], [sflag:s8] =	dma.local @!p0 [hbm:s6], $0xF7A  }
0x23: {  	s9 =	sor.u32 $0xD0000000, s2;
	s6 =	simm.s32 $0x108;
	_ =	swait.ge @!p0 [sflag:s8], $0x0  }
0x24: {  	s3 =	sadd.s32 $0x88, s3;
	s6 =	simm.s32 @!p1 $0x1082;
	[sflag:s4] =	ssyncset.s32 $0xFFFFF086  }
0x25: {  	[simem:s6], [sflag:s4] =	dma.local [hbm:s3], $0xF7A  }
0x26: {  	[smem:$0x3F9B] =	sst s1;
	(tag) =	ssettag s2;
	_ =	strace s9  }
0x27: {  	s1 =	sld [smem:$0x3FAB]  }
0x28: {  	s2 =	sld [smem:$0x3FAC]  }
0x29: {  	s4 =	sld [smem:$0x3FAE]  }
0x2a: {  	p0 =	seq.s32 s5, $0x0;
	s5 =	sld [smem:$0x3FAF]  }
0x2b: {  	s6 =	sld [smem:$0x3FB0]  }
0x2c: {  	s7 =	sld [smem:$0x3FB1]  }
0x2d: {  	s3 =	simm.s32 $0x108;
	s8 =	sld [smem:$0x3FB2]  }
0x2e: {  	s3 =	simm.s32 @!p0 $0x1082;
	s9 =	sld [smem:$0x3FB3]  }
0x2f: {  	lr =	sadd.s32 s0, s3;
	s0 =	sld [smem:$0x3FAA]  }
0x30: {  	s3 =	sld [smem:$0x3FAD]  }
0x31: {  	[smem:$0x3FB6] =	sst s10  }
0x32: {  	s10 =	sld [smem:$0x3FB4];
	_ =	sdelay $0x3  }
0x33: {  	p0 =	seq.s32 s10, $0x1;
	s10 =	sld [smem:$0x3FB6];
	_ =	sdelay $0x3  }
0x34: {  	[smem:$0x3FB6] =	sst s10  }
0x35: {  	s10 =	sld [smem:$0x3FB5];
	_ =	sdelay $0x3  }
0x36: {  	p1 =	seq.s32 s10, $0x1;
	s10 =	sld [smem:$0x3FB6];
	_ =	sdelay $0x3  }
0x37: {  	[smem:$0x3FB6] =	sst s10  }
0x38: {  	s10 =	sld [smem:$0x3FB7]  }
0x39: {  	_ = 	snop;
	(pc) =	sbr.ind lr, $3  }
0x3a: {  	_ = 	snop  }
0x3b: {  	_ = 	snop  }
0x3c: {  	p2 =	seq.s32 s10, $0x1;
	s10 =	sld [smem:$0x3FB6]  }
0x3d: {  	_ =	shalt  }
0x3e: {  	_ =	shalt  }
0x3f: {  	_ =	shalt  }
0x40: {  	_ =	shalt  }
0x41: {  	_ =	shalt  }
0x42: {  	_ =	shalt  }
0x43: {  	_ =	shalt  }
0x44: {  	_ =	shalt  }
0x45: {  	_ =	shalt  }
0x46: {  	_ =	shalt  }
0x47: {  	_ =	shalt  }
0x48: {  	_ =	shalt  }
0x49: {  	_ =	shalt  }
0x4a: {  	_ =	shalt  }
0x4b: {  	_ =	shalt  }
0x4c: {  	_ =	shalt  }
0x4d: {  	_ =	shalt  }
0x4e: {  	_ =	shalt  }
0x4f: {  	_ =	shalt  }
0x50: {  	_ =	shalt  }
0x51: {  	_ =	shalt  }
0x52: {  	_ =	shalt  }
0x53: {  	_ =	shalt  }
0x54: {  	_ =	shalt  }
0x55: {  	_ =	shalt  }
0x56: {  	_ =	shalt  }
0x57: {  	_ =	shalt  }
0x58: {  	_ =	shalt  }
0x59: {  	_ =	shalt  }
0x5a: {  	_ =	shalt  }
0x5b: {  	_ =	shalt  }
0x5c: {  	_ =	shalt  }
0x5d: {  	_ =	shalt  }
0x5e: {  	_ =	shalt  }
0x5f: {  	_ =	shalt  }
0x60: {  	_ =	shalt  }
0x61: {  	_ =	shalt  }
0x62: {  	_ =	shalt  }
0x63: {  	_ =	shalt  }
0x64: {  	_ =	shalt  }
0x65: {  	_ =	shalt  }
0x66: {  	_ =	shalt  }
0x67: {  	_ =	shalt  }
0x68: {  	_ =	shalt  }
0x69: {  	_ =	shalt  }
0x6a: {  	_ =	shalt  }
0x6b: {  	_ =	shalt  }
0x6c: {  	_ =	shalt  }
0x6d: {  	_ =	shalt  }
0x6e: {  	_ =	shalt  }
0x6f: {  	_ =	shalt  }
0x70: {  	_ =	shalt  }
0x71: {  	_ =	shalt  }
0x72: {  	_ =	shalt  }
0x73: {  	_ =	shalt  }
0x74: {  	_ =	shalt  }
0x75: {  	_ =	shalt  }
0x76: {  	_ =	shalt  }
0x77: {  	_ =	shalt  }
0x78: {  	_ =	shalt  }
0x79: {  	_ =	shalt  }
0x7a: {  	_ =	shalt  }
0x7b: {  	_ =	shalt  }
0x7c: {  	_ =	shalt  }
0x7d: {  	_ =	shalt  }
0x7e: {  	_ =	shalt  }
0x7f: {  	_ =	shalt  }
0x80: {  	_ =	shalt  }
0x81: {  	_ =	shalt  }
0x82: {  	_ =	shalt  }
0x83: {  	_ =	shalt  }
0x84: {  	_ =	shalt  }
0x85: {  	_ =	shalt  }
0x86: {  	_ =	shalt  }
0x87: {  	_ =	shalt  }
.Lfunc_end0:
.L_simem_size_0:
called_computation.1_lowered:
.L_overlay_start_0:
0x88: {  	s2 =	sld [smem:$0x3FD9]  }
0x89: {  	s3 =	sld [smem:$0x3FFE];
	_ =	sdelay $0x1  }
0x8a: {  	s1 =	srdreg.scid  }
0x8b: {  	s0 =	sand.u32 $0x1, s1  }
0x8c: {  	s16 =	sshll.u32 s0, $0xA;
	s2 =	sadd.s32 s3, s2  }
0x8d: {  	s2 =	sadd.s32 s2, s16  }
0x8e: {  	[smem:$0x3FC2] =	sst s2  }
0x8f: {  	_ = 	snop  }
0x90: {  	(tm) =	ssettm $0x1  }
0x91: {  	s17 =	sld [smem:$0x3FFB];
	_ =	sdelay $0x3  }
0x92: {  	_ =	strace s17  }
0x93: {  	s2 =	sld [smem:$0x3FFC];
	_ =	sdelay $0x3  }
0x94: {  	_ =	strace s2  }
0x95: {  	s2 =	sld [smem:$0x3FFD];
	_ =	sdelay $0x3  }
0x96: {  	_ =	strace s2  }
0x97: {  	_ =	strace $0x8FFFFFFF  }
0x98: {  	s18 =	sld [smem:$0x3FDB];
	_ =	sdelay $0x1  }
0x99: {  	s19 =	simm.s32 $_scs_section_size  }
0x9a: {  	s4 =	simm.s32 $_size__tile_overlayer_lowered;
	s5 =	simm.s32 $_tile_overlayer_lowered  }
0x9b: {  	s22 =	simm.s32 $0x1BFF;
	s21 =	sshll.u32 s5, $0x1;
	s2 =	sadd.s32 s19, s18  }
0x9c: {  	s6 =	simm.s32 $0x0;
	s20 =	sshll.u32 s4, $0x1;
	s4 =	sadd.s32 s21, s2  }
0x9d: {  	[timem:s6], [sflag:s22] =	dma.local [hbm:s4], s20  }
0x9e: {  	_ =	swait.ge [sflag:s22], s20  }
0x9f: {  	s3 =	ssub.s32 $0x0, s20;
	[sflag:s22] =	ssyncset.done $0x0  }
0xa0: {  	[sflag:s22] =	ssyncadd.s32 s3;
	_ =	sdelay $0x1  }
0xa1: {  	s23 =	simm.s32 $0x1B8B  }
0xa2: {  	_ =	swait.ge [sflag:s23], $0x1  }
0xa3: {  	[sflag:s23] =	ssyncset.done $0x0  }
0xa4: {  	s25 =	simm.s32 $0x1B8E;
	s24 =	sld [smem:$0x3FFE];
	[sflag:s23] =	ssyncadd.s32 $0xFFFFFFFF  }
0xa5: {  	s26 =	simm.s32 $execute0_lowered;
	[smem:$0x3FD2] =	sst s25  }
0xa6: {  	s4 =	sshll.u32 s26, $0x1;
	_ =	strace $0x80000049;
	[dreg:$0x1] =	wrdreg $0xFFFFFFFF  }
0xa7: {  	s28 =	simm.s32 $_size_execute0_lowered;
	s2 =	sadd.s32 s2, s4;
	[dreg:$0x0] =	wrdreg $0x0  }
0xa8: {  	s4 =	sshll.u32 s28, $0x1;
	[dreg:$0x2] =	wrdreg s2  }
0xa9: {  	[dreg:$0x3] =	wrdreg s4  }
0xaa: {  	[dreg:$0x4] =	wrdreg $0xC0  }
0xab: {  	_ =	task [dreg:s6], $0x5FFFF  }
0xac: {  	[dreg:$0x1] =	wrdreg $0xFFFFFFFF  }
0xad: {  	[dreg:$0x0] =	wrdreg $0x60  }
0xae: {  	[dreg:$0x2] =	wrdreg s24  }
0xaf: {  	[dreg:$0x3] =	wrdreg $0xAE000  }
0xb0: {  	[dreg:$0x4] =	wrdreg $0x9  }
0xb1: {  	_ =	task.clear_ibuf [dreg:s6], $0x5FFFF;
	_ =	strace $0x90000049  }
0xb2: {  	s29 =	simm.s32 $0x9;
	_ =	strace $0x8000004B  }
0xb3: {  	_ =	swait.ge [sflag:s29], $0x1  }
0xb4: {  	[sflag:s29] =	ssyncadd.s32 $0xFFFFFFFF  }
0xb5: {  	_ =	strace $0x9000004B  }
0xb6: {  	_ =	sfence  }
0xb7: {  	s30 =	sld [smem:$0x0];
	_ =	sdelay $0x2  }
0xb8: {  	s31 =	sshll.u32 s1, $0xD;
	s1 =	sshrl.u32 s1, $0x2  }
0xb9: {  	s3 =	sand.u32 $0x4000, s31;
	s1 =	sadd.s32 s1, s30  }
0xba: {  	s0 =	sor.u32 s3, s0;
	s1 =	sshll.u32 s1, $0x11  }
0xbb: {  	s0 =	sor.u32 s1, s0  }
0xbc: {  	s0 =	sadd.s32 $0x8F2B, s0  }
0xbd: {  	[sflag:s0] =	ssyncadd.remote.s32 $0x1  }
0xbe: {  	_ =	sfence.sel $0xFFFF  }
0xbf: {  	[dreg:$0x0] =	wrdreg $0xFFFFFFFF;
	(pc) =	sbr.abs _section_cstart, $3  }
0xc0: {  	[dreg:$0x1] =	wrdreg $0xFFFFFFFF  }
0xc1: {  	_ =	task.clear_ibuf [dreg:s6], $0x2FFFF;
	_ =	strace $0x9FFFFFFF  }
0xc2: {  	(tm) =	ssettm $0x7FFFFFFF  }
0xc3: {  	_ =	shalt  }
tec
execute0_lowered:
.L_overlay_start_1:
0x0: {  	(tag) =	ssettag $0x1  }
0x1: {  	s0 =	rddreg [dreg:$0x0]  }
0x2: {  	s1 =	rddreg [dreg:$0x1];
	s18 =	simm.s32 $0x0;
	s2 =	srdreg.scid  }
0x3: {  	s8 =	stileid.u32;
	s29 =	simm.s32 $0x200;
	s30 =	simm.s32 $0x1  }
0x4: {  	s31 =	simm.s32 $0x70;
	[smem:$0x7FF] =	sst s18;
	s4 =	sadd.s32 $0x37A00, s0  }
0x5: {  	s2 =	sand.u32 $0x1, s2;
	s5 =	sadd.s32 $0x1FA00, s0;
	s6 =	smul.u32 $0x50000, s8  }
0x6: {  	s0 =	sadd.s32 $0x5FA00, s0;
	s9 =	smul.u32 $0x14000, s8;
	_ =	strace $0x8000004A  }
0x7: {  	s3 =	ssub.s32 $0x2, s2;
	s25 =	sshll.u32 s2, $0x4;
	s2 =	smul.u32 $0x140000, s2  }
0x8: {  	s7 =	sshrl.u32 s3, $0x1;
	s6 =	sshrl.u32 s6, $0x2;
	s26 =	sor.u32 $0x3800, s9  }
0x9: {  	s10 =	sadd.s32 $0x7000, s9;
	s16 =	sadd.s32 $0xA800, s9;
	s11 =	sadd.s32 $0xE000, s9  }
0xa: {  	s13 =	sadd.s32 $0x11800, s9;
	s3 =	ssub.s32 s3, s7;
	s7 =	sor.u32 s8, s25  }
0xb: {  	s20 =	sadd.s32 s6, s1;
	s28 =	sadd.s32 s26, s1;
	s15 =	sadd.s32 s10, s1  }
0xc: {  	s12 =	sadd.s32 s16, s1;
	s17 =	sadd.s32 s11, s1;
	s14 =	sadd.s32 s13, s1  }
0xd: {  	s9 =	sadd.s32 s9, s2;
	s6 =	sadd.s32 s2, s26;
	s10 =	sadd.s32 s2, s10  }
0xe: {  	s23 =	sadd.s32 s2, s16;
	s24 =	sadd.s32 s2, s11;
	[dreg:$0x5] =	wrdreg s15  }
0xf: {  	s2 =	sadd.s32 s2, s13;
	s16 =	simm.s32 $0x300;
	[dreg:$0x6] =	wrdreg s12  }
0x10: {  	s11 =	simm.s32 $0x580;
	s8 =	smul.u32 $0x3000, s7;
	[dreg:$0x7] =	wrdreg s17  }
0x11: {  	[dreg:$0x9] =	wrdreg s14;
	s9 =	sshrl.u32 s9, $0x3;
	s6 =	sshrl.u32 s6, $0x3  }
0x12: {  	s10 =	sshrl.u32 s10, $0x3;
	s7 =	sshrl.u32 s24, $0x3;
	s2 =	sshrl.u32 s2, $0x3  }
0x13: {  	s26 =	smax.u32 s3, $0x1;
	s24 =	simm.s32 $0xA;
	s3 =	simm.s32 $0x3  }
0x14: {  	s14 =	simm.s32 $0x7600;
	s15 =	simm.s32 $0x4;
	[dreg:$0x3] =	wrdreg s20  }
0x15: {  	s17 =	simm.s32 $0x5;
	[dreg:$0x4] =	wrdreg s28;
	s9 =	sadd.s32 s0, s9  }
0x16: {  	s6 =	sadd.s32 s0, s6;
	s22 =	sadd.s32 s0, s10;
	[dreg:$0x12] =	wrdreg s26  }
0x17: {  	s25 =	sadd.s32 s0, s7;
	s26 =	simm.s32 $0x60000;
	[dreg:$0xc] =	wrdreg s9  }
0x18: {  	s7 =	simm.s32 $0x8;
	s10 =	simm.s32 $0x0;
	[dreg:$0xd] =	wrdreg s6  }
0x19: {  	s19 =	sshrl.u32 s8, $0x3;
	[dreg:$0xe] =	wrdreg s22;
	s6 =	sshrl.u32 s23, $0x3  }
0x1a: {  	[dreg:$0x10] =	wrdreg s25;
	s23 =	simm.s32 $0x600;
	s25 =	simm.s32 $0x80  }
0x1b: {  	s22 =	simm.s32 $0x7;
	s9 =	simm.s32 $0x9;
	s12 =	sadd.s32 s5, s19  }
.Ltmp0:
0x1c: {  	s6 =	sadd.s32 s0, s6;
	[dreg:$0x8] =	wrdreg s12;
	(pc) =	sbr.rel .LBB2_1-.Ltmp0, $4  }
0x1d: {  	s0 =	sadd.s32 s0, s2;
	s19 =	simm.s32 $0x400;
	[dreg:$0xf] =	wrdreg s6  }
0x1e: {  	s21 =	sadd.s32 $0x10, s12;
	s12 =	sadd.s32 $0x20, s12;
	[dreg:$0x11] =	wrdreg s0  }
0x1f: {  	s0 =	simm.s32 $0x3E00;
	s6 =	simm.s32 $0x2;
	[dreg:$0xa] =	wrdreg s21  }
0x20: {  	v0 =	vimm.f32 $0.0e+00;
	[dreg:$0xb] =	wrdreg s12;
	s12 =	simm.s32 $0x6;
	s21 =	simm.s32 $0x500  }
.LBB2_6:
0x21: {  	_ =	swait.ge [sflag:s22], $0x3800  }
0x22: {  	[sflag:s22] =	ssyncset.done $0x0  }
0x23: {  	[sflag:s22] =	ssyncadd.s32 $0xFFFFC800  }
0x24: {  	_ =	swait.ge [sflag:s7], $0x3800  }
0x25: {  	[sflag:s7] =	ssyncset.done $0x0  }
0x26: {  	[sflag:s7] =	ssyncadd.s32 $0xFFFFC800  }
0x27: {  	_ =	swait.ge [sflag:s9], $0x3800  }
0x28: {  	[sflag:s9] =	ssyncset.done $0x0  }
0x29: {  	[sflag:s9] =	ssyncadd.s32 $0xFFFFC800  }
0x2a: {  	[bflag:$0x0] =	sbarrier.arrive $0xFFFF  }
0x2b: {  	s20 =	rddreg [dreg:$0x3]  }
0x2c: {  	[tilespmem:s23], [sflag:$0xA] =	stream.linear.gather [spmem:s20], $0x3800, $0x38;
	[tilespmem:$0x1EE00] =	vst v63  }
0x2d: {  	_ =	swait.ge [sflag:s24], $0x3800  }
0x2e: {  	[sflag:s24] =	ssyncset.done $0x0  }
0x2f: {  	s18 =	simm.s32 $0x0;
	s2 =	rddreg [dreg:$0xc];
	[sflag:s24] =	ssyncadd.s32 $0xFFFFC800  }
0x30: {  	[hbm4b:s2+s18] =	stream.linear.scatter [tilespmem:s23], [sflag:$0xA], $0x3800, $0x38;
	[tilespmem:$0x1EE00] =	vst v63  }
0x31: {  	_ =	swait.ge [sflag:s24], $0x3800  }
0x32: {  	[sflag:s24] =	ssyncset.done $0x0  }
0x33: {  	s28 =	rddreg [dreg:$0x4];
	[sflag:s24] =	ssyncadd.s32 $0xFFFFC800  }
0x34: {  	[tilespmem:s23], [sflag:$0xA] =	stream.linear.gather [spmem:s28], $0x3800, $0x38;
	[tilespmem:$0x1EE00] =	vst v63  }
0x35: {  	_ =	swait.ge [sflag:s24], $0x3800  }
0x36: {  	[sflag:s24] =	ssyncset.done $0x0  }
0x37: {  	s10 =	rddreg [dreg:$0xd];
	[sflag:s24] =	ssyncadd.s32 $0xFFFFC800  }
0x38: {  	[hbm4b:s10+s18] =	stream.linear.scatter [tilespmem:s23], [sflag:$0xA], $0x3800, $0x38;
	[tilespmem:$0x1EE00] =	vst v63  }
0x39: {  	_ =	swait.ge [sflag:s24], $0x3800  }
0x3a: {  	[sflag:s24] =	ssyncset.done $0x0  }
0x3b: {  	s13 =	rddreg [dreg:$0x5];
	[sflag:s24] =	ssyncadd.s32 $0xFFFFC800  }
0x3c: {  	[tilespmem:s23], [sflag:$0xA] =	stream.linear.gather [spmem:s13], $0x3800, $0x38;
	[tilespmem:$0x1EE00] =	vst v63  }
0x3d: {  	_ =	swait.ge [sflag:s24], $0x3800  }
0x3e: {  	[sflag:s24] =	ssyncset.done $0x0  }
0x3f: {  	s10 =	rddreg [dreg:$0xe];
	[sflag:s24] =	ssyncadd.s32 $0xFFFFC800  }
0x40: {  	[hbm4b:s10+s18] =	stream.linear.scatter [tilespmem:s23], [sflag:$0xA], $0x3800, $0x38;
	[tilespmem:$0x1EE00] =	vst v63  }
0x41: {  	_ =	swait.ge [sflag:s24], $0x3800  }
0x42: {  	[sflag:s24] =	ssyncset.done $0x0  }
0x43: {  	s13 =	rddreg [dreg:$0x6];
	[sflag:s24] =	ssyncadd.s32 $0xFFFFC800  }
0x44: {  	[tilespmem:s23], [sflag:$0xA] =	stream.linear.gather [spmem:s13], $0x3800, $0x38;
	[tilespmem:$0x1EE00] =	vst v63  }
0x45: {  	_ =	swait.ge [sflag:s24], $0x3800  }
0x46: {  	[sflag:s24] =	ssyncset.done $0x0  }
0x47: {  	s10 =	rddreg [dreg:$0xf];
	[sflag:s24] =	ssyncadd.s32 $0xFFFFC800  }
0x48: {  	[hbm4b:s10+s18] =	stream.linear.scatter [tilespmem:s23], [sflag:$0xA], $0x3800, $0x38;
	[tilespmem:$0x1EE00] =	vst v63  }
0x49: {  	_ =	swait.ge [sflag:s24], $0x3800  }
0x4a: {  	[sflag:s24] =	ssyncset.done $0x0  }
0x4b: {  	s13 =	rddreg [dreg:$0x7];
	[sflag:s24] =	ssyncadd.s32 $0xFFFFC800  }
0x4c: {  	[tilespmem:s23], [sflag:$0xA] =	stream.linear.gather [spmem:s13], $0x3800, $0x38;
	[tilespmem:$0x1EE00] =	vst v63  }
0x4d: {  	_ =	swait.ge [sflag:s24], $0x3800  }
0x4e: {  	[sflag:s24] =	ssyncset.done $0x0  }
0x4f: {  	s10 =	rddreg [dreg:$0x10];
	[sflag:s24] =	ssyncadd.s32 $0xFFFFC800  }
0x50: {  	[hbm4b:s10+s18] =	stream.linear.scatter [tilespmem:s23], [sflag:$0xA], $0x3800, $0x38;
	[tilespmem:$0x1EE00] =	vst v63  }
0x51: {  	_ =	swait.ge [sflag:s24], $0x3800  }
0x52: {  	[sflag:s24] =	ssyncset.done $0x0  }
0x53: {  	s13 =	rddreg [dreg:$0x9];
	[sflag:s24] =	ssyncadd.s32 $0xFFFFC800  }
0x54: {  	[tilespmem:s23], [sflag:$0xA] =	stream.linear.gather [spmem:s13], $0x2800, $0x38;
	[tilespmem:$0x1EE00] =	vst v63  }
0x55: {  	_ =	swait.ge [sflag:s24], $0x2800  }
0x56: {  	[sflag:s24] =	ssyncset.done $0x0  }
0x57: {  	s10 =	rddreg [dreg:$0x11];
	[sflag:s24] =	ssyncadd.s32 $0xFFFFD800  }
0x58: {  	[hbm4b:s10+s18] =	stream.linear.scatter [tilespmem:s23], [sflag:$0xA], $0x2800, $0x38;
	[tilespmem:$0x1EE00] =	vst v63  }
0x59: {  	_ =	swait.ge [sflag:s24], $0x2800  }
0x5a: {  	s10 =	rddreg [dreg:$0x13]  }
0x5b: {  	s13 =	rddreg [dreg:$0x12];
	s10 =	sadd.s32 $0x1, s10  }
0x5c: {  	p0 =	sne.s32 s10, s13  }
.Ltmp1:
0x5d: {  	_ = 	snop;
	(pc) =	sbr.rel @!p0 .LBB2_7-.Ltmp1, $3  }
0x5e: {  	_ =	sdelay $0x1  }
0x5f: {  	[sflag:s24] =	ssyncset.done $0x0  }
0x60: {  	[sflag:s24] =	ssyncadd.s32 $0xFFFFD800  }
.LBB2_1:
0x61: {  	[dreg:$0x13] =	wrdreg s10;
	s2 =	simm.s32 $0x0;
	s13 =	simm.s32 $0x200  }
.LBB2_2:
0x62: {  	p0 =	sne.s32 s13, $0xDE00;
	[tilespmem:s2+$0x670] =	vst v0  }
0x63: {  	[tilespmem:s2+$0x600] =	vst v0  }
0x64: {  	[tilespmem:s2+$0x610] =	vst v0  }
.Ltmp2:
0x65: {  	[tilespmem:s2+$0x620] =	vst v0;
	(pc) =	sbr.rel @p0 .LBB2_2-.Ltmp2, $4  }
0x66: {  	[tilespmem:s2+$0x630] =	vst v0  }
0x67: {  	[tilespmem:s2+$0x640] =	vst v0  }
0x68: {  	[tilespmem:s2+$0x650] =	vst v0  }
0x69: {  	[tilespmem:s2+$0x660] =	vst v0;
	s2 =	sshra.s32 s13, $0x2;
	s13 =	sadd.s32 $0x200, s13  }
0x6a: {  	[tilespmem:s2+$0x670] =	vst v0  }
0x6b: {  	[tilespmem:s2+$0x600] =	vst v0  }
0x6c: {  	[tilespmem:s2+$0x610] =	vst v0  }
0x6d: {  	[tilespmem:s2+$0x620] =	vst v0  }
0x6e: {  	[tilespmem:s2+$0x630] =	vst v0  }
0x6f: {  	[tilespmem:s2+$0x640] =	vst v0  }
0x70: {  	[tilespmem:s2+$0x650] =	vst v0  }
0x71: {  	[tilespmem:s2+$0x660] =	vst v0  }
0x72: {  	[spmem:s20] =	stream.linear.scatter [tilespmem:s23], [sflag:$0xA], $0x3800, $0x38;
	[tilespmem:$0x1EE00] =	vst v63  }
0x73: {  	_ =	swait.ge [sflag:s24], $0x3800  }
0x74: {  	[sflag:s24] =	ssyncset.done $0x0  }
0x75: {  	[sflag:s24] =	ssyncadd.s32 $0xFFFFC800  }
0x76: {  	[spmem:s28] =	stream.linear.scatter [tilespmem:s23], [sflag:$0xA], $0x3800, $0x38;
	[tilespmem:$0x1EE00] =	vst v63  }
0x77: {  	_ =	swait.ge [sflag:s24], $0x3800  }
0x78: {  	[sflag:s24] =	ssyncset.done $0x0  }
0x79: {  	s13 =	rddreg [dreg:$0x5];
	[sflag:s24] =	ssyncadd.s32 $0xFFFFC800  }
0x7a: {  	[spmem:s13] =	stream.linear.scatter [tilespmem:s23], [sflag:$0xA], $0x3800, $0x38;
	[tilespmem:$0x1EE00] =	vst v63  }
0x7b: {  	_ =	swait.ge [sflag:s24], $0x3800  }
0x7c: {  	[sflag:s24] =	ssyncset.done $0x0  }
0x7d: {  	s20 =	rddreg [dreg:$0x6];
	[sflag:s24] =	ssyncadd.s32 $0xFFFFC800  }
0x7e: {  	[spmem:s20] =	stream.linear.scatter [tilespmem:s23], [sflag:$0xA], $0x3800, $0x38;
	[tilespmem:$0x1EE00] =	vst v63  }
0x7f: {  	_ =	swait.ge [sflag:s24], $0x3800  }
0x80: {  	[sflag:s24] =	ssyncset.done $0x0  }
0x81: {  	s28 =	rddreg [dreg:$0x7];
	[sflag:s24] =	ssyncadd.s32 $0xFFFFC800  }
0x82: {  	[spmem:s28] =	stream.linear.scatter [tilespmem:s23], [sflag:$0xA], $0x3800, $0x38;
	[tilespmem:$0x1EE00] =	vst v63  }
0x83: {  	_ =	swait.ge [sflag:s24], $0x3800  }
0x84: {  	[sflag:s24] =	ssyncset.done $0x0  }
0x85: {  	s10 =	rddreg [dreg:$0x9];
	[sflag:s24] =	ssyncadd.s32 $0xFFFFC800  }
0x86: {  	[spmem:s10] =	stream.linear.scatter [tilespmem:s23], [sflag:$0xA], $0x2800, $0x38;
	[tilespmem:$0x1EE00] =	vst v63  }
0x87: {  	_ =	swait.ge [sflag:s24], $0x2800  }
0x88: {  	[sflag:s24] =	ssyncset.done $0x0  }
0x89: {  	[sflag:s24] =	ssyncadd.s32 $0xFFFFD800  }
0x8a: {  	[bflag:$0x0] =	sbarrier.arrive $0xFFFF  }
0x8b: {  	s13 =	rddreg [dreg:$0x8]  }
0x8c: {  	[tilespmem:s18], [sflag:$0x1] =	stream.strided.gather [hbm4b:s13+s25], $0x100, s26, s25, $0x38;
	[tilespmem:$0x1EE00] =	vst v63  }
0x8d: {  	s10 =	simm.s32 $0x100;
	s20 =	rddreg [dreg:$0xa]  }
0x8e: {  	[tilespmem:s10], [sflag:$0x2] =	stream.strided.gather [hbm4b:s20+s25], $0x100, s26, s25, $0x38;
	[tilespmem:$0x1EE00] =	vst v63  }
0x8f: {  	s2 =	simm.s32 $0x400;
	s28 =	rddreg [dreg:$0xb]  }
0x90: {  	[tilespmem:s29], [sflag:$0x3] =	stream.strided.gather [hbm4b:s28+s25], $0x100, s26, s25, $0x38;
	[tilespmem:$0x1EE00] =	vst v63  }
.LBB2_4:
0x91: {  	_ =	swait.ge [sflag:s30], $0x100;
	p0 =	seq.s32 s2, $0x400  }
0x92: {  	[sflag:s30] =	ssyncset.done $0x0;
	s13 =	simm.s32 @p0 $0x70  }
0x93: {  	s28 =	simm.s32 @p0 $0x0;
	s18 =	simm.s32 @p0 $0x600;
	[sflag:s30] =	ssyncadd.s32 $0xFFFFFF00  }
0x94: {  	[tilespmem:s18], [sflag:$0x4] =	stream.indirect.gather @p0 [hbm4b:s4+s13], $0x80, s28, s13, $0xb8;
	[tilespmem:$0x1EE00] =	vst v63  }
0x95: {  	s13 =	simm.s32 @p0 $0x2  }
0x96: {  	_ =	swait.ge @p0 [sflag:s13], $0x100  }
0x97: {  	[sflag:s13] =	ssyncset.done @p0 $0x0  }
0x98: {  	[sflag:s13] =	ssyncadd.s32 @p0 $0xFFFFFF00;
	s13 =	simm.s32 @!p0 $0x7  }
0x99: {  	_ =	swait.ge @!p0 [sflag:s13], $0x3800  }
0x9a: {  	s18 =	simm.s32 @!p0 $0x0;
	[sflag:s13] =	ssyncset.done @!p0 $0x0  }
0x9b: {  	s28 =	simm.s32 @!p0 $0x600;
	[sflag:s13] =	ssyncadd.s32 @!p0 $0xFFFFC800;
	s13 =	simm.s32 @!p0 $0x70  }
0x9c: {  	[tilespmem:s28], [sflag:$0x4] =	stream.indirect.gather @!p0 [hbm4b:s4+s13], $0x80, s18, s13, $0xb8;
	[tilespmem:$0x1EE00] =	vst v63  }
0x9d: {  	s13 =	simm.s32 @!p0 $0x2  }
0x9e: {  	_ =	swait.ge @!p0 [sflag:s13], $0x100  }
0x9f: {  	[sflag:s13] =	ssyncset.done @!p0 $0x0  }
0xa0: {  	[sflag:s13] =	ssyncadd.s32 @!p0 $0xFFFFFF00;
	s13 =	simm.s32 @!p0 $0x8  }
0xa1: {  	_ =	swait.ge @!p0 [sflag:s13], $0x3800  }
0xa2: {  	[sflag:s13] =	ssyncset.done @!p0 $0x0  }
0xa3: {  	s10 =	simm.s32 $0x100;
	[sflag:s13] =	ssyncadd.s32 @!p0 $0xFFFFC800  }
0xa4: {  	[tilespmem:s0], [sflag:$0x5] =	stream.indirect.gather [hbm4b:s4+s31], $0x80, s10, s31, $0xb8;
	[tilespmem:$0x1EE00] =	vst v63  }
0xa5: {  	_ =	swait.ge [sflag:s3], $0x100  }
0xa6: {  	[sflag:s3] =	ssyncset.done $0x0  }
0xa7: {  	s13 =	simm.s32 @!p0 $0x9;
	[sflag:s3] =	ssyncadd.s32 $0xFFFFFF00  }
0xa8: {  	_ =	swait.ge @!p0 [sflag:s13], $0x3800  }
0xa9: {  	s10 =	sadd.s32 $0xFFFFFD80, s2;
	[sflag:s13] =	ssyncset.done @!p0 $0x0  }
0xaa: {  	s20 =	sand.u32 $0x7C00, s10;
	[sflag:s13] =	ssyncadd.s32 @!p0 $0xFFFFC800  }
0xab: {  	[tilespmem:s14], [sflag:$0x6] =	stream.indirect.gather [hbm4b:s4+s31], $0x80, s29, s31, $0xb8;
	[tilespmem:$0x1EE00] =	vst v63  }
0xac: {  	s18 =	sadd.s32 s8, s20;
	s13 =	sand.u32 $0x380, s10;
	_ =	swait.ge [sflag:s15], $0x3800  }
0xad: {  	s13 =	sor.u32 s13, s18;
	[sflag:s15] =	ssyncset.done $0x0  }
0xae: {  	s10 =	sadd.s32 $0xFFFFFE00, s2;
	s13 =	sshrl.u32 s13, $0x3;
	[sflag:s15] =	ssyncadd.s32 $0xFFFFC800  }
0xaf: {  	[spmem:s1] =	stream.indirect.scatter.add.f32 [tilespmem:s23], [sflag:$0x7], $0x80, s25, s31, $0xb8;
	[tilespmem:$0x1EE00] =	vst v63  }
0xb0: {  	s20 =	sand.u32 $0x7C00, s10;
	s13 =	sadd.s32 s5, s13  }
0xb1: {  	[tilespmem:s16], [sflag:$0x1] =	stream.strided.gather [hbm4b:s13+s25], $0x100, s26, s25, $0x38;
	[tilespmem:$0x1EE00] =	vst v63  }
0xb2: {  	s18 =	sadd.s32 s8, s20;
	s13 =	sand.u32 $0x300, s10;
	_ =	swait.ge [sflag:s17], $0x3800  }
0xb3: {  	s28 =	simm.s32 $0x180;
	s13 =	sor.u32 s13, s18;
	[sflag:s17] =	ssyncset.done $0x0  }
0xb4: {  	s10 =	sadd.s32 $0xFFFFFE80, s2;
	s13 =	sshrl.u32 s13, $0x3;
	[sflag:s17] =	ssyncadd.s32 $0xFFFFC800  }
0xb5: {  	[spmem:s1] =	stream.indirect.scatter.add.f32 [tilespmem:s0], [sflag:$0x8], $0x80, s28, s31, $0xb8;
	[tilespmem:$0x1EE00] =	vst v63  }
0xb6: {  	s20 =	sand.u32 $0x7C00, s10;
	s13 =	sadd.s32 s5, s13  }
0xb7: {  	[tilespmem:s19], [sflag:$0x2] =	stream.strided.gather [hbm4b:s13+s25], $0x100, s26, s25, $0x38;
	[tilespmem:$0x1EE00] =	vst v63  }
0xb8: {  	s18 =	sadd.s32 s8, s20;
	s13 =	sand.u32 $0x380, s10;
	_ =	swait.ge [sflag:s12], $0x3800  }
0xb9: {  	s13 =	sor.u32 s13, s18;
	[sflag:s12] =	ssyncset.done $0x0  }
0xba: {  	s28 =	simm.s32 $0x280;
	s13 =	sshrl.u32 s13, $0x3;
	[sflag:s12] =	ssyncadd.s32 $0xFFFFC800  }
0xbb: {  	[spmem:s1] =	stream.indirect.scatter.add.f32 [tilespmem:s14], [sflag:$0x9], $0x80, s28, s31, $0xb8;
	[tilespmem:$0x1EE00] =	vst v63  }
0xbc: {  	s13 =	sadd.s32 s5, s13  }
0xbd: {  	[tilespmem:s21], [sflag:$0x3] =	stream.strided.gather [hbm4b:s13+s25], $0x100, s26, s25, $0x38;
	[tilespmem:$0x1EE00] =	vst v63  }
0xbe: {  	_ =	swait.ge [sflag:s30], $0x100  }
0xbf: {  	[sflag:s30] =	ssyncset.done $0x0  }
0xc0: {  	[sflag:s30] =	ssyncadd.s32 $0xFFFFFF00  }
0xc1: {  	_ =	swait.ge [sflag:s22], $0x3800  }
0xc2: {  	[sflag:s22] =	ssyncset.done $0x0  }
0xc3: {  	[sflag:s22] =	ssyncadd.s32 $0xFFFFC800  }
0xc4: {  	[tilespmem:s23], [sflag:$0x4] =	stream.indirect.gather [hbm4b:s4+s31], $0x80, s16, s31, $0xb8;
	[tilespmem:$0x1EE00] =	vst v63  }
0xc5: {  	_ =	swait.ge [sflag:s6], $0x100  }
0xc6: {  	[sflag:s6] =	ssyncset.done $0x0  }
0xc7: {  	[sflag:s6] =	ssyncadd.s32 $0xFFFFFF00  }
0xc8: {  	_ =	swait.ge [sflag:s7], $0x3800  }
0xc9: {  	[sflag:s7] =	ssyncset.done $0x0  }
0xca: {  	[sflag:s7] =	ssyncadd.s32 $0xFFFFC800  }
0xcb: {  	[tilespmem:s0], [sflag:$0x5] =	stream.indirect.gather [hbm4b:s4+s31], $0x80, s19, s31, $0xb8;
	[tilespmem:$0x1EE00] =	vst v63  }
0xcc: {  	_ =	swait.ge [sflag:s3], $0x100  }
0xcd: {  	[sflag:s3] =	ssyncset.done $0x0  }
0xce: {  	[sflag:s3] =	ssyncadd.s32 $0xFFFFFF00  }
0xcf: {  	_ =	swait.ge [sflag:s9], $0x3800  }
0xd0: {  	[sflag:s9] =	ssyncset.done $0x0  }
0xd1: {  	[sflag:s9] =	ssyncadd.s32 $0xFFFFC800  }
0xd2: {  	[tilespmem:s14], [sflag:$0x6] =	stream.indirect.gather [hbm4b:s4+s31], $0x80, s21, s31, $0xb8;
	[tilespmem:$0x1EE00] =	vst v63  }
0xd3: {  	_ =	swait.ge [sflag:s15], $0x3800  }
0xd4: {  	p0 =	seq.s32 s2, $0x2E00;
	[sflag:s15] =	ssyncset.done $0x0  }
0xd5: {  	s28 =	simm.s32 $0x380;
	s13 =	simm.s32 @p0 $0x5;
	[sflag:s15] =	ssyncadd.s32 $0xFFFFC800  }
0xd6: {  	[spmem:s1] =	stream.indirect.scatter.add.f32 [tilespmem:s23], [sflag:$0x7], $0x80, s28, s31, $0xb8;
	[tilespmem:$0x1EE00] =	vst v63  }
0xd7: {  	_ =	swait.ge @p0 [sflag:s13], $0x3800  }
0xd8: {  	s18 =	simm.s32 @p0 $0x480;
	[sflag:s13] =	ssyncset.done @p0 $0x0  }
0xd9: {  	s28 =	simm.s32 @p0 $0x3E00;
	[sflag:s13] =	ssyncadd.s32 @p0 $0xFFFFC800;
	s13 =	simm.s32 @p0 $0x70  }
0xda: {  	[spmem:s1] =	stream.indirect.scatter.add.f32 @p0 [tilespmem:s28], [sflag:$0x8], $0x80, s18, s13, $0xb8;
	[tilespmem:$0x1EE00] =	vst v63  }
0xdb: {  	s13 =	sadd.s32 @!p0 $0xFFFFFF00, s2  }
0xdc: {  	s18 =	sand.u32 @!p0 $0x7C00, s13  }
0xdd: {  	s13 =	sand.u32 @!p0 $0x300, s13;
	s18 =	sadd.s32 @!p0 s8, s18  }
0xde: {  	s13 =	sor.u32 @!p0 s13, s18  }
0xdf: {  	s20 =	simm.s32 @!p0 $0x0;
	s13 =	sshrl.u32 @!p0 s13, $0x3  }
0xe0: {  	s28 =	simm.s32 @!p0 $0x60000;
	s18 =	simm.s32 @!p0 $0x80;
	s13 =	sadd.s32 @!p0 s5, s13  }
0xe1: {  	[tilespmem:s20], [sflag:$0x1] =	stream.strided.gather @!p0 [hbm4b:s13+s18], $0x100, s28, s18, $0x38;
	[tilespmem:$0x1EE00] =	vst v63  }
0xe2: {  	s13 =	simm.s32 @!p0 $0x5  }
0xe3: {  	_ =	swait.ge @!p0 [sflag:s13], $0x3800  }
0xe4: {  	s10 =	simm.s32 @!p0 $0x3E00;
	[sflag:s13] =	ssyncset.done @!p0 $0x0  }
0xe5: {  	s20 =	simm.s32 @!p0 $0x480;
	[sflag:s13] =	ssyncadd.s32 @!p0 $0xFFFFC800;
	s13 =	simm.s32 @!p0 $0x70  }
0xe6: {  	[spmem:s1] =	stream.indirect.scatter.add.f32 @!p0 [tilespmem:s10], [sflag:$0x8], $0x80, s20, s13, $0xb8;
	[tilespmem:$0x1EE00] =	vst v63  }
0xe7: {  	s10 =	sadd.s32 @!p0 $0xFFFFFF80, s2  }
0xe8: {  	s13 =	sand.u32 @!p0 $0x7C00, s10  }
0xe9: {  	s10 =	sand.u32 @!p0 $0x380, s10;
	s13 =	sadd.s32 @!p0 s8, s13  }
0xea: {  	s10 =	sor.u32 @!p0 s10, s13  }
0xeb: {  	s10 =	sshrl.u32 @!p0 s10, $0x3  }
0xec: {  	s13 =	simm.s32 @!p0 $0x100;
	s10 =	sadd.s32 @!p0 s5, s10  }
0xed: {  	[tilespmem:s13], [sflag:$0x2] =	stream.strided.gather @!p0 [hbm4b:s10+s18], $0x100, s28, s18, $0x38;
	[tilespmem:$0x1EE00] =	vst v63  }
.Ltmp3:
0xee: {  	_ = 	snop;
	(pc) =	sbr.rel @p0 .LBB2_6-.Ltmp3, $4  }
0xef: {  	_ =	swait.ge [sflag:s12], $0x3800  }
0xf0: {  	[sflag:s12] =	ssyncset.done $0x0  }
0xf1: {  	[sflag:s12] =	ssyncadd.s32 $0xFFFFC800  }
0xf2: {  	[spmem:s1] =	stream.indirect.scatter.add.f32 [tilespmem:s14], [sflag:$0x9], $0x80, s11, s31, $0xb8;
	[tilespmem:$0x1EE00] =	vst v63  }
0xf3: {  	s10 =	sadd.s32 $0xFFFFFC00, s2;
	s13 =	sand.u32 $0x7C00, s2  }
.Ltmp4:
0xf4: {  	s13 =	sadd.s32 s8, s13;
	s10 =	sand.u32 $0x300, s10;
	(pc) =	sbr.rel .LBB2_4-.Ltmp4, $4  }
0xf5: {  	s10 =	sor.u32 s10, s13  }
0xf6: {  	s10 =	sshrl.u32 s10, $0x3  }
0xf7: {  	s2 =	sadd.s32 $0x300, s2;
	s10 =	sadd.s32 s5, s10  }
0xf8: {  	[tilespmem:s29], [sflag:$0x3] =	stream.strided.gather [hbm4b:s10+s25], $0x100, s26, s25, $0x38;
	[tilespmem:$0x1EE00] =	vst v63  }
.LBB2_7:
0xf9: {  	_ =	sfence.sel $0x180000  }
0xfa: {  	[bflag:$0x0] =	sbarrier.arrive $0xFFFF  }
0xfb: {  	_ =	strace $0x9000004A  }
0xfc: {  	s0 =	stileid.u32;
	[bflag:$0x2] =	sbarrier.arrive $0xFFFF  }
0xfd: {  	p0 =	sne.s32 s0, $0x0;
	s0 =	rddreg [dreg:$0x2]  }
0xfe: {  	s0 =	sadd.s32 @!p0 $0x100000, s0  }
0xff: {  	[sflag:s0] =	ssyncadd.tile.s32 @!p0 $0x1;
	_ =	shalt  }
.Lfunc_end2:
_tile_overlayer_lowered:
.L_overlay_start_2:
0x100: {  	(tag) =	ssettag $0x2  }
0x101: {  	s0 =	rddreg [dreg:$0x0];
	s2 =	stileid.u32  }
0x102: {  	s1 =	rddreg [dreg:$0x1];
	p0 =	sne.s32 s2, $0x0  }
0x103: {  	s3 =	rddreg [dreg:$0x2];
	[bflag:$0x3] =	sbarrier.arrive $0xFFFF;
	s2 =	simm.s32 @!p0 $0x1C0A  }
0x104: {  	[timem:s3], [sflag:s2] =	dma.local @!p0 [hbm:s0], s1  }
0x105: {  	s0 =	simm.s32 @!p0 $0xA  }
0x106: {  	_ =	swait.ge @!p0 [sflag:s0], s1  }
0x107: {  	s1 =	ssub.s32 @!p0 $0x0, s1;
	[sflag:s0] =	ssyncset.done @!p0 $0x0  }
0x108: {  	[sflag:s0] =	ssyncadd.s32 @!p0 s1  }
0x109: {  	[bflag:$0x3] =	sbarrier.arrive $0xFFFF  }
0x10a: {  	_ =	shalt  }

// kernel: kernel.14.cloned.1.call-start
scs
__scs_entry_jumppad:
0x0: {  	(pc) =	sbr.rel $0x88, $3  }
0x1: {  	(tag) =	ssettag $0x0;
	lr =	simm.s32 $0x1  }
0x2: {  	[smem:$0x3F9B] =	sst lr;
	_ =	strace $0xD0000000  }
0x3: {  	_ = 	snop  }
0x4: {  	_ = 	snop  }
0x5: {  	_ = 	snop  }
0x6: {  	_ = 	snop  }
0x7: {  	_ = 	snop  }
__scs_overlays_trampoline_lowered:
0x8: {  	[smem:$0x3FAA] =	sst s0  }
0x9: {  	[smem:$0x3FAB] =	sst s1  }
0xa: {  	[smem:$0x3FAC] =	sst s2  }
0xb: {  	[smem:$0x3FAD] =	sst s3  }
0xc: {  	[smem:$0x3FAE] =	sst s4  }
0xd: {  	[smem:$0x3FAF] =	sst s5  }
0xe: {  	[smem:$0x3FB0] =	sst s6  }
0xf: {  	[smem:$0x3FB1] =	sst s7  }
0x10: {  	[smem:$0x3FB2] =	sst s8  }
0x11: {  	[smem:$0x3FB3] =	sst s9;
	s0 =	simm.s32 @!p0 $0x0  }
0x12: {  	s1 =	sld [smem:$0x3F99];
	s0 =	simm.s32 @p0 $0x1  }
0x13: {  	[smem:$0x3FB4] =	sst s0;
	s0 =	simm.s32 @!p1 $0x0  }
0x14: {  	s2 =	sld [smem:$0x3F98];
	s0 =	simm.s32 @p1 $0x1  }
0x15: {  	[smem:$0x3FB5] =	sst s0;
	s0 =	simm.s32 @!p2 $0x0  }
0x16: {  	s3 =	sld [smem:$0x3FDB];
	s0 =	simm.s32 @p2 $0x1  }
0x17: {  	s4 =	simm.s32 $0x1BF5;
	[smem:$0x3FB7] =	sst s0  }
0x18: {  	s0 =	sld [smem:$0x3F9A];
	_ =	swait.ge [sflag:s4], $0x0  }
0x19: {  	s7 =	sld [smem:$0x3F9B]  }
0x1a: {  	s8 =	sadd.s32 $0xFFFFE003, lr  }
0x1b: {  	s9 =	sadd.s32 $0xFFFFFEF7, lr;
	s5 =	simm.s32 $0xFFFFFFFF;
	p2 =	slt.u32 s8, $0xFFFFF086  }
0x1c: {  	p1 =	slt.u32 s9, $0xF7A;
	s5 =	simm.s32 @!p2 $0x0  }
0x1d: {  	s5 =	simm.s32 @p1 $0x1;
	p0 =	seq.s32 s7, s2  }
0x1e: {  	s7 =	smul.u32 @!p0 $0xF7A, s2;
	p2 =	seq.s32 @!p0 s5, $0x0  }
0x1f: {  	s9 =	smul.u32 $0xF7A, s1;
	s8 =	simm.s32 @!p0 $0x1BF5;
	p2 =	por !p2, p0  }
0x20: {  	[sflag:s8] =	ssyncset.s32 @!p0 $0xFFFFF086;
	s6 =	sadd.s32 @!p0 s3, s7;
	s7 =	simm.s32 @!p0 $0x108  }
0x21: {  	s3 =	sadd.s32 s3, s9;
	s6 =	sadd.s32 @!p0 $0x88, s6;
	s7 =	simm.s32 @p2 $0x1082  }
0x22: {  	[simem:s7], [sflag:s8] =	dma.local @!p0 [hbm:s6], $0xF7A  }
0x23: {  	s9 =	sor.u32 $0xD0000000, s2;
	s6 =	simm.s32 $0x108;
	_ =	swait.ge @!p0 [sflag:s8], $0x0  }
0x24: {  	s3 =	sadd.s32 $0x88, s3;
	s6 =	simm.s32 @!p1 $0x1082;
	[sflag:s4] =	ssyncset.s32 $0xFFFFF086  }
0x25: {  	[simem:s6], [sflag:s4] =	dma.local [hbm:s3], $0xF7A  }
0x26: {  	[smem:$0x3F9B] =	sst s1;
	(tag) =	ssettag s2;
	_ =	strace s9  }
0x27: {  	s1 =	sld [smem:$0x3FAB]  }
0x28: {  	s2 =	sld [smem:$0x3FAC]  }
0x29: {  	s4 =	sld [smem:$0x3FAE]  }
0x2a: {  	p0 =	seq.s32 s5, $0x0;
	s5 =	sld [smem:$0x3FAF]  }
0x2b: {  	s6 =	sld [smem:$0x3FB0]  }
0x2c: {  	s7 =	sld [smem:$0x3FB1]  }
0x2d: {  	s3 =	simm.s32 $0x108;
	s8 =	sld [smem:$0x3FB2]  }
0x2e: {  	s3 =	simm.s32 @!p0 $0x1082;
	s9 =	sld [smem:$0x3FB3]  }
0x2f: {  	lr =	sadd.s32 s0, s3;
	s0 =	sld [smem:$0x3FAA]  }
0x30: {  	s3 =	sld [smem:$0x3FAD]  }
0x31: {  	[smem:$0x3FB6] =	sst s10  }
0x32: {  	s10 =	sld [smem:$0x3FB4];
	_ =	sdelay $0x3  }
0x33: {  	p0 =	seq.s32 s10, $0x1;
	s10 =	sld [smem:$0x3FB6];
	_ =	sdelay $0x3  }
0x34: {  	[smem:$0x3FB6] =	sst s10  }
0x35: {  	s10 =	sld [smem:$0x3FB5];
	_ =	sdelay $0x3  }
0x36: {  	p1 =	seq.s32 s10, $0x1;
	s10 =	sld [smem:$0x3FB6];
	_ =	sdelay $0x3  }
0x37: {  	[smem:$0x3FB6] =	sst s10  }
0x38: {  	s10 =	sld [smem:$0x3FB7]  }
0x39: {  	_ = 	snop;
	(pc) =	sbr.ind lr, $3  }
0x3a: {  	_ = 	snop  }
0x3b: {  	_ = 	snop  }
0x3c: {  	p2 =	seq.s32 s10, $0x1;
	s10 =	sld [smem:$0x3FB6]  }
0x3d: {  	_ =	shalt  }
0x3e: {  	_ =	shalt  }
0x3f: {  	_ =	shalt  }
0x40: {  	_ =	shalt  }
0x41: {  	_ =	shalt  }
0x42: {  	_ =	shalt  }
0x43: {  	_ =	shalt  }
0x44: {  	_ =	shalt  }
0x45: {  	_ =	shalt  }
0x46: {  	_ =	shalt  }
0x47: {  	_ =	shalt  }
0x48: {  	_ =	shalt  }
0x49: {  	_ =	shalt  }
0x4a: {  	_ =	shalt  }
0x4b: {  	_ =	shalt  }
0x4c: {  	_ =	shalt  }
0x4d: {  	_ =	shalt  }
0x4e: {  	_ =	shalt  }
0x4f: {  	_ =	shalt  }
0x50: {  	_ =	shalt  }
0x51: {  	_ =	shalt  }
0x52: {  	_ =	shalt  }
0x53: {  	_ =	shalt  }
0x54: {  	_ =	shalt  }
0x55: {  	_ =	shalt  }
0x56: {  	_ =	shalt  }
0x57: {  	_ =	shalt  }
0x58: {  	_ =	shalt  }
0x59: {  	_ =	shalt  }
0x5a: {  	_ =	shalt  }
0x5b: {  	_ =	shalt  }
0x5c: {  	_ =	shalt  }
0x5d: {  	_ =	shalt  }
0x5e: {  	_ =	shalt  }
0x5f: {  	_ =	shalt  }
0x60: {  	_ =	shalt  }
0x61: {  	_ =	shalt  }
0x62: {  	_ =	shalt  }
0x63: {  	_ =	shalt  }
0x64: {  	_ =	shalt  }
0x65: {  	_ =	shalt  }
0x66: {  	_ =	shalt  }
0x67: {  	_ =	shalt  }
0x68: {  	_ =	shalt  }
0x69: {  	_ =	shalt  }
0x6a: {  	_ =	shalt  }
0x6b: {  	_ =	shalt  }
0x6c: {  	_ =	shalt  }
0x6d: {  	_ =	shalt  }
0x6e: {  	_ =	shalt  }
0x6f: {  	_ =	shalt  }
0x70: {  	_ =	shalt  }
0x71: {  	_ =	shalt  }
0x72: {  	_ =	shalt  }
0x73: {  	_ =	shalt  }
0x74: {  	_ =	shalt  }
0x75: {  	_ =	shalt  }
0x76: {  	_ =	shalt  }
0x77: {  	_ =	shalt  }
0x78: {  	_ =	shalt  }
0x79: {  	_ =	shalt  }
0x7a: {  	_ =	shalt  }
0x7b: {  	_ =	shalt  }
0x7c: {  	_ =	shalt  }
0x7d: {  	_ =	shalt  }
0x7e: {  	_ =	shalt  }
0x7f: {  	_ =	shalt  }
0x80: {  	_ =	shalt  }
0x81: {  	_ =	shalt  }
0x82: {  	_ =	shalt  }
0x83: {  	_ =	shalt  }
0x84: {  	_ =	shalt  }
0x85: {  	_ =	shalt  }
0x86: {  	_ =	shalt  }
0x87: {  	_ =	shalt  }
.Lfunc_end0:
.L_simem_size_0:
called_computation.2_lowered:
.L_overlay_start_0:
0x88: {  	s2 =	sld [smem:$0x3FD9]  }
0x89: {  	s3 =	sld [smem:$0x3FFE];
	_ =	sdelay $0x1  }
0x8a: {  	s1 =	srdreg.scid  }
0x8b: {  	s0 =	sand.u32 $0x1, s1  }
0x8c: {  	s17 =	sshll.u32 s0, $0xA;
	s2 =	sadd.s32 s3, s2  }
0x8d: {  	s2 =	sadd.s32 s2, s17  }
0x8e: {  	[smem:$0x3FC2] =	sst s2  }
0x8f: {  	_ = 	snop  }
0x90: {  	s2 =	sld [smem:$0x3FD0];
	(tm) =	ssettm $0x1  }
0x91: {  	s18 =	sld [smem:$0x3FFB];
	_ =	sdelay $0x3  }
0x92: {  	_ =	strace s18  }
0x93: {  	s3 =	sld [smem:$0x3FFC];
	_ =	sdelay $0x3  }
0x94: {  	_ =	strace s3  }
0x95: {  	s3 =	sld [smem:$0x3FFD];
	_ =	sdelay $0x3  }
0x96: {  	_ =	strace s3  }
0x97: {  	_ =	strace $0x8FFFFFFF  }
0x98: {  	s19 =	sld [smem:$0x3FDB];
	_ =	sdelay $0x1  }
0x99: {  	s4 =	simm.s32 $_scs_section_size  }
0x9a: {  	s5 =	simm.s32 $_size__tile_overlayer_lowered;
	s6 =	simm.s32 $_tile_overlayer_lowered  }
0x9b: {  	s22 =	simm.s32 $0x1BFF;
	s21 =	sshll.u32 s6, $0x1;
	s3 =	sadd.s32 s4, s19  }
0x9c: {  	s7 =	simm.s32 $0x0;
	s20 =	sshll.u32 s5, $0x1;
	s5 =	sadd.s32 s21, s3  }
0x9d: {  	[timem:s7], [sflag:s22] =	dma.local [hbm:s5], s20  }
0x9e: {  	_ =	swait.ge [sflag:s22], s20  }
0x9f: {  	s4 =	ssub.s32 $0x0, s20;
	[sflag:s22] =	ssyncset.done $0x0  }
0xa0: {  	[sflag:s22] =	ssyncadd.s32 s4;
	_ =	sdelay $0x1  }
0xa1: {  	s23 =	simm.s32 $0x1B8B  }
0xa2: {  	_ =	swait.ge [sflag:s23], $0x1  }
0xa3: {  	[sflag:s23] =	ssyncset.done $0x0  }
0xa4: {  	s25 =	simm.s32 $0x1B8E;
	s24 =	sld [smem:$0x3FFE];
	[sflag:s23] =	ssyncadd.s32 $0xFFFFFFFF  }
0xa5: {  	s26 =	simm.s32 $execute0_lowered;
	[smem:$0x3FD2] =	sst s25  }
0xa6: {  	s5 =	sshll.u32 s26, $0x1;
	_ =	strace $0x8000004C;
	[dreg:$0x1] =	wrdreg $0xFFFFFFFF  }
0xa7: {  	s28 =	simm.s32 $_size_execute0_lowered;
	s3 =	sadd.s32 s3, s5;
	[dreg:$0x0] =	wrdreg $0x0  }
0xa8: {  	s5 =	sshll.u32 s28, $0x1;
	[dreg:$0x2] =	wrdreg s3  }
0xa9: {  	[dreg:$0x3] =	wrdreg s5  }
0xaa: {  	[dreg:$0x4] =	wrdreg $0xC0  }
0xab: {  	_ =	task [dreg:s7], $0x5FFFF  }
0xac: {  	[dreg:$0x1] =	wrdreg $0xFFFFFFFF  }
0xad: {  	[dreg:$0x0] =	wrdreg $0x60  }
0xae: {  	[dreg:$0x2] =	wrdreg s2  }
0xaf: {  	[dreg:$0x3] =	wrdreg s24  }
0xb0: {  	[dreg:$0x4] =	wrdreg $0x9  }
0xb1: {  	_ =	task.clear_ibuf [dreg:s7], $0x5FFFF;
	_ =	strace $0x9000004C  }
0xb2: {  	s29 =	simm.s32 $0x9;
	_ =	strace $0x8000004E  }
0xb3: {  	_ =	swait.ge [sflag:s29], $0x1  }
0xb4: {  	[sflag:s29] =	ssyncadd.s32 $0xFFFFFFFF  }
0xb5: {  	_ =	strace $0x9000004E  }
0xb6: {  	_ =	sfence  }
0xb7: {  	s30 =	sld [smem:$0x0];
	_ =	sdelay $0x2  }
0xb8: {  	s31 =	sshll.u32 s1, $0xD;
	s1 =	sshrl.u32 s1, $0x2  }
0xb9: {  	s3 =	sand.u32 $0x4000, s31;
	s1 =	sadd.s32 s1, s30  }
0xba: {  	s0 =	sor.u32 s3, s0;
	s1 =	sshll.u32 s1, $0x11  }
0xbb: {  	s0 =	sor.u32 s1, s0  }
0xbc: {  	s0 =	sadd.s32 $0x8F2B, s0  }
0xbd: {  	[sflag:s0] =	ssyncadd.remote.s32 $0x1  }
0xbe: {  	_ =	sfence.sel $0xFFFF  }
0xbf: {  	[dreg:$0x0] =	wrdreg $0xFFFFFFFF;
	(pc) =	sbr.abs _section_cstart, $3  }
0xc0: {  	[dreg:$0x1] =	wrdreg $0xFFFFFFFF  }
0xc1: {  	_ =	task.clear_ibuf [dreg:s7], $0x2FFFF;
	_ =	strace $0x9FFFFFFF  }
0xc2: {  	(tm) =	ssettm $0x7FFFFFFF  }
0xc3: {  	_ =	shalt  }
tec
execute0_lowered:
.L_overlay_start_1:
0x0: {  	(tag) =	ssettag $0x1  }
0x1: {  	s0 =	srdreg.scid;
	s2 =	rddreg [dreg:$0x0]  }
0x2: {  	s5 =	rddreg [dreg:$0x1];
	s9 =	simm.s32 $0x80;
	s4 =	sand.u32 $0x1, s0  }
0x3: {  	s10 =	simm.s32 $0x4F000;
	s0 =	stileid.u32;
	s1 =	sshll.u32 s4, $0x4  }
0x4: {  	s11 =	simm.s32 $0x7700;
	s12 =	simm.s32 $0x400;
	s3 =	sor.u32 s0, s1  }
0x5: {  	s13 =	simm.s32 $0x0;
	s7 =	sshll.u32 s0, $0x7;
	s6 =	sshrl.u32 s3, $0x3  }
0x6: {  	s4 =	ssub.s32 $0x2, s4;
	s1 =	rddreg [dreg:$0x2];
	s8 =	smul.u32 $0x13C00, s6  }
0x7: {  	s30 =	sshrl.u32 s4, $0x1;
	s3 =	simm.s32 $0x0;
	s6 =	smul.u32 $0x14000, s6  }
0x8: {  	s7 =	sand.u32 $0x380, s7;
	s31 =	ssub.s32 s4, s30;
	[smem:$0x7FF] =	sst s3  }
0x9: {  	_ =	strace $0x8000004D;
	s8 =	sor.u32 s7, s8;
	s6 =	sor.u32 s7, s6  }
0xa: {  	s7 =	simm.s32 $0x4F00;
	s8 =	sshrl.u32 s8, $0x3;
	s6 =	sshrl.u32 s6, $0x3  }
0xb: {  	s29 =	sadd.s32 s8, s5;
	s5 =	sadd.s32 s6, s5;
	s6 =	smax.u32 s31, $0x1  }
0xc: {  	v0 =	vimm.f32 $0.0e+00;
	s8 =	simm.s32 $0x1;
	s4 =	sadd.s32 $0x1E00, s29;
	s5 =	sadd.s32 $0x1FA00, s5  }
.LBB2_1:
0xd: {  	[tilespmem:s7], [sflag:$0x1] =	stream.linear.gather [hbm4b:s2+s3], $0x2800, $0x38;
	[tilespmem:$0x9F00] =	vst v63  }
0xe: {  	_ =	swait.ge [sflag:s8], $0x2800  }
0xf: {  	s14 =	simm.s32 $0x80;
	s17 =	sadd.s32 $0x0, s4;
	[sflag:s8] =	ssyncset.done $0x0  }
0x10: {  	s15 =	simm.s32 $0x100;
	s16 =	simm.s32 $0x0;
	[sflag:s8] =	ssyncadd.s32 $0xFFFFD800  }
.LBB2_2:
0x11: {  	[tilespmem:s16], [sflag:$0x1] =	stream.strided.gather [hbm4b:s17+s9], $0x100, s10, s9, $0x38;
	[tilespmem:$0x9F00] =	vst v63  }
0x12: {  	s17 =	smov.u32 s14;
	s16 =	smov.u32 s15;
	p0 =	sne.s32 s14, $0x2700  }
.Ltmp0:
0x13: {  	s14 =	sadd.s32 $0x80, s14;
	(pc) =	sbr.rel @p0 .LBB2_2-.Ltmp0, $2  }
0x14: {  	_ =	sdelay $0x2  }
0x15: {  	s15 =	sadd.s32 $0x100, s15;
	s17 =	sadd.s32 s17, s4  }
0x16: {  	[tilespmem:s16], [sflag:$0x1] =	stream.strided.gather [hbm4b:s17+s9], $0x100, s10, s9, $0x38;
	[tilespmem:$0x9F00] =	vst v63  }
0x17: {  	_ =	swait.ge [sflag:s8], $0x4F00  }
0x18: {  	s14 =	simm.s32 $0x0;
	[sflag:s8] =	ssyncset.done $0x0  }
0x19: {  	s15 =	simm.s32 $0x40;
	s16 =	simm.s32 $0x0;
	[sflag:s8] =	ssyncadd.s32 $0xFFFFB100  }
.LBB2_4:
0x1a: {  	p0 =	sne.s32 s15, $0x9FC0;
	[tilespmem:s16+$0x7700] =	vst v0;
	s16 =	smov.u32 s15;
	s15 =	sadd.s32 $0x40, s15  }
.Ltmp1:
0x1b: {  	(pc) =	sbr.rel @p0 .LBB2_4-.Ltmp1, $2  }
0x1c: {  	_ =	sdelay $0x2  }
0x1d: {  	s16 =	sshra.s32 s16, $0x2  }
0x1e: {  	s15 =	sand.u32 $0x70, s14;
	s30 =	sand.u32 $0x7F00, s14  }
0x1f: {  	[tilespmem:s16+$0x7700] =	vst v0;
	s14 =	sor.u32 s15, s30  }
0x20: {  	v2 =	vld [tilespmem:s14+$0x0];
	_ =	sdelay $0x4  }
0x21: {  	v1 =	vld [tilespmem:s14+$0x80];
	_ =	sdelay $0x2  }
0x22: {  	v2 =	vld.idx.msk [tilespmem:v2+s7+$0x0], $0xffff;
	_ =	sdelay $0x2  }
0x23: {  	s31 =	simm.s32 $0x10;
	s14 =	simm.s32 $0x20  }
0x24: {  	s16 =	sand.u32 $0x70, s31;
	s15 =	simm.s32 $0x20;
	s17 =	sand.u32 $0x7F00, s14  }
.LBB2_6:
0x25: {  	p0 =	sne.s32 s15, $0x2750;
	s16 =	sor.u32 s16, s17;
	[tilespmem:v1+s11+$0x0] =	vst.idx.add.f32.msk $0xffff, v2  }
0x26: {  	v2 =	vld [tilespmem:s16+$0x0];
	_ =	sdelay $0x5  }
0x27: {  	v1 =	vld [tilespmem:s16+$0x80];
	_ =	sdelay $0x1  }
0x28: {  	v2 =	vld.idx.msk [tilespmem:v2+s7+$0x0], $0xffff  }
.Ltmp2:
0x29: {  	(pc) =	sbr.rel @p0 .LBB2_6-.Ltmp2, $3  }
0x2a: {  	_ =	sdelay $0x1  }
0x2b: {  	s14 =	sadd.s32 $0x20, s14  }
0x2c: {  	s17 =	sand.u32 $0x7F00, s14;
	s16 =	sand.u32 $0x70, s15;
	s15 =	sadd.s32 $0x10, s15  }
0x2d: {  	_ =	sdelay $0x3  }
0x2e: {  	s14 =	sor.u32 s16, s17;
	[tilespmem:v1+s11+$0x0] =	vst.idx.add.f32.msk $0xffff, v2  }
0x2f: {  	v1 =	vld [tilespmem:s14+$0x0];
	_ =	sdelay $0x4  }
0x30: {  	v2 =	vld [tilespmem:s14+$0x80];
	_ =	sdelay $0x2  }
0x31: {  	v1 =	vld.idx.msk [tilespmem:v1+s7+$0x0], $0xffff;
	_ =	sdelay $0x2  }
0x32: {  	s13 =	sadd.s32 $0x1, s13  }
0x33: {  	p0 =	sne.s32 s13, s6  }
.Ltmp3:
0x34: {  	[tilespmem:v2+s11+$0x0] =	vst.idx.add.f32.msk $0xffff, v1;
	(pc) =	sbr.rel @p0 .LBB2_1-.Ltmp3, $4  }
0x35: {  	[hbm4b:s5+s9] =	stream.strided.scatter [tilespmem:s11], [sflag:$0x1], $0x2800, s12, s9, $0x38;
	[tilespmem:$0x9F00] =	vst v63  }
0x36: {  	_ =	swait.ge [sflag:s8], $0x2800  }
0x37: {  	[sflag:s8] =	ssyncset.done $0x0  }
0x38: {  	[sflag:s8] =	ssyncadd.s32 $0xFFFFD800  }
0x39: {  	_ =	sfence.sel $0x180000  }
0x3a: {  	[bflag:$0x0] =	sbarrier.arrive $0xFFFF  }
0x3b: {  	p0 =	sne.s32 s0, $0x0;
	_ =	strace $0x9000004D  }
0x3c: {  	s0 =	sadd.s32 @!p0 $0x100000, s1;
	[bflag:$0x2] =	sbarrier.arrive $0xFFFF  }
0x3d: {  	[sflag:s0] =	ssyncadd.tile.s32 @!p0 $0x1;
	_ =	shalt  }
.Lfunc_end2:
_tile_overlayer_lowered:
.L_overlay_start_2:
0x3e: {  	(tag) =	ssettag $0x2  }
0x3f: {  	s0 =	rddreg [dreg:$0x0];
	s2 =	stileid.u32  }
0x40: {  	s1 =	rddreg [dreg:$0x1];
	p0 =	sne.s32 s2, $0x0  }
0x41: {  	s3 =	rddreg [dreg:$0x2];
	[bflag:$0x3] =	sbarrier.arrive $0xFFFF;
	s2 =	simm.s32 @!p0 $0x1C01  }
0x42: {  	[timem:s3], [sflag:s2] =	dma.local @!p0 [hbm:s0], s1  }
0x43: {  	s0 =	simm.s32 @!p0 $0x1  }
0x44: {  	_ =	swait.ge @!p0 [sflag:s0], s1  }
0x45: {  	s1 =	ssub.s32 @!p0 $0x0, s1;
	[sflag:s0] =	ssyncset.done @!p0 $0x0  }
0x46: {  	[sflag:s0] =	ssyncadd.s32 @!p0 s1  }
0x47: {  	[bflag:$0x3] =	sbarrier.arrive $0xFFFF  }
0x48: {  	_ =	shalt  }

// kernel: kernel.8.cloned.1.call-start
scs
__scs_entry_jumppad:
0x0: {  	(pc) =	sbr.rel $0x88, $3  }
0x1: {  	(tag) =	ssettag $0x0;
	lr =	simm.s32 $0x1  }
0x2: {  	[smem:$0x3F9B] =	sst lr;
	_ =	strace $0xD0000000  }
0x3: {  	_ = 	snop  }
0x4: {  	_ = 	snop  }
0x5: {  	_ = 	snop  }
0x6: {  	_ = 	snop  }
0x7: {  	_ = 	snop  }
__scs_overlays_trampoline_lowered:
0x8: {  	[smem:$0x3FAA] =	sst s0  }
0x9: {  	[smem:$0x3FAB] =	sst s1  }
0xa: {  	[smem:$0x3FAC] =	sst s2  }
0xb: {  	[smem:$0x3FAD] =	sst s3  }
0xc: {  	[smem:$0x3FAE] =	sst s4  }
0xd: {  	[smem:$0x3FAF] =	sst s5  }
0xe: {  	[smem:$0x3FB0] =	sst s6  }
0xf: {  	[smem:$0x3FB1] =	sst s7  }
0x10: {  	[smem:$0x3FB2] =	sst s8  }
0x11: {  	[smem:$0x3FB3] =	sst s9;
	s0 =	simm.s32 @!p0 $0x0  }
0x12: {  	s1 =	sld [smem:$0x3F99];
	s0 =	simm.s32 @p0 $0x1  }
0x13: {  	[smem:$0x3FB4] =	sst s0;
	s0 =	simm.s32 @!p1 $0x0  }
0x14: {  	s2 =	sld [smem:$0x3F98];
	s0 =	simm.s32 @p1 $0x1  }
0x15: {  	[smem:$0x3FB5] =	sst s0;
	s0 =	simm.s32 @!p2 $0x0  }
0x16: {  	s3 =	sld [smem:$0x3FDB];
	s0 =	simm.s32 @p2 $0x1  }
0x17: {  	s4 =	simm.s32 $0x1BF5;
	[smem:$0x3FB7] =	sst s0  }
0x18: {  	s0 =	sld [smem:$0x3F9A];
	_ =	swait.ge [sflag:s4], $0x0  }
0x19: {  	s7 =	sld [smem:$0x3F9B]  }
0x1a: {  	s8 =	sadd.s32 $0xFFFFE003, lr  }
0x1b: {  	s9 =	sadd.s32 $0xFFFFFEF7, lr;
	s5 =	simm.s32 $0xFFFFFFFF;
	p2 =	slt.u32 s8, $0xFFFFF086  }
0x1c: {  	p1 =	slt.u32 s9, $0xF7A;
	s5 =	simm.s32 @!p2 $0x0  }
0x1d: {  	s5 =	simm.s32 @p1 $0x1;
	p0 =	seq.s32 s7, s2  }
0x1e: {  	s7 =	smul.u32 @!p0 $0xF7A, s2;
	p2 =	seq.s32 @!p0 s5, $0x0  }
0x1f: {  	s9 =	smul.u32 $0xF7A, s1;
	s8 =	simm.s32 @!p0 $0x1BF5;
	p2 =	por !p2, p0  }
0x20: {  	[sflag:s8] =	ssyncset.s32 @!p0 $0xFFFFF086;
	s6 =	sadd.s32 @!p0 s3, s7;
	s7 =	simm.s32 @!p0 $0x108  }
0x21: {  	s3 =	sadd.s32 s3, s9;
	s6 =	sadd.s32 @!p0 $0x88, s6;
	s7 =	simm.s32 @p2 $0x1082  }
0x22: {  	[simem:s7], [sflag:s8] =	dma.local @!p0 [hbm:s6], $0xF7A  }
0x23: {  	s9 =	sor.u32 $0xD0000000, s2;
	s6 =	simm.s32 $0x108;
	_ =	swait.ge @!p0 [sflag:s8], $0x0  }
0x24: {  	s3 =	sadd.s32 $0x88, s3;
	s6 =	simm.s32 @!p1 $0x1082;
	[sflag:s4] =	ssyncset.s32 $0xFFFFF086  }
0x25: {  	[simem:s6], [sflag:s4] =	dma.local [hbm:s3], $0xF7A  }
0x26: {  	[smem:$0x3F9B] =	sst s1;
	(tag) =	ssettag s2;
	_ =	strace s9  }
0x27: {  	s1 =	sld [smem:$0x3FAB]  }
0x28: {  	s2 =	sld [smem:$0x3FAC]  }
0x29: {  	s4 =	sld [smem:$0x3FAE]  }
0x2a: {  	p0 =	seq.s32 s5, $0x0;
	s5 =	sld [smem:$0x3FAF]  }
0x2b: {  	s6 =	sld [smem:$0x3FB0]  }
0x2c: {  	s7 =	sld [smem:$0x3FB1]  }
0x2d: {  	s3 =	simm.s32 $0x108;
	s8 =	sld [smem:$0x3FB2]  }
0x2e: {  	s3 =	simm.s32 @!p0 $0x1082;
	s9 =	sld [smem:$0x3FB3]  }
0x2f: {  	lr =	sadd.s32 s0, s3;
	s0 =	sld [smem:$0x3FAA]  }
0x30: {  	s3 =	sld [smem:$0x3FAD]  }
0x31: {  	[smem:$0x3FB6] =	sst s10  }
0x32: {  	s10 =	sld [smem:$0x3FB4];
	_ =	sdelay $0x3  }
0x33: {  	p0 =	seq.s32 s10, $0x1;
	s10 =	sld [smem:$0x3FB6];
	_ =	sdelay $0x3  }
0x34: {  	[smem:$0x3FB6] =	sst s10  }
0x35: {  	s10 =	sld [smem:$0x3FB5];
	_ =	sdelay $0x3  }
0x36: {  	p1 =	seq.s32 s10, $0x1;
	s10 =	sld [smem:$0x3FB6];
	_ =	sdelay $0x3  }
0x37: {  	[smem:$0x3FB6] =	sst s10  }
0x38: {  	s10 =	sld [smem:$0x3FB7]  }
0x39: {  	_ = 	snop;
	(pc) =	sbr.ind lr, $3  }
0x3a: {  	_ = 	snop  }
0x3b: {  	_ = 	snop  }
0x3c: {  	p2 =	seq.s32 s10, $0x1;
	s10 =	sld [smem:$0x3FB6]  }
0x3d: {  	_ =	shalt  }
0x3e: {  	_ =	shalt  }
0x3f: {  	_ =	shalt  }
0x40: {  	_ =	shalt  }
0x41: {  	_ =	shalt  }
0x42: {  	_ =	shalt  }
0x43: {  	_ =	shalt  }
0x44: {  	_ =	shalt  }
0x45: {  	_ =	shalt  }
0x46: {  	_ =	shalt  }
0x47: {  	_ =	shalt  }
0x48: {  	_ =	shalt  }
0x49: {  	_ =	shalt  }
0x4a: {  	_ =	shalt  }
0x4b: {  	_ =	shalt  }
0x4c: {  	_ =	shalt  }
0x4d: {  	_ =	shalt  }
0x4e: {  	_ =	shalt  }
0x4f: {  	_ =	shalt  }
0x50: {  	_ =	shalt  }
0x51: {  	_ =	shalt  }
0x52: {  	_ =	shalt  }
0x53: {  	_ =	shalt  }
0x54: {  	_ =	shalt  }
0x55: {  	_ =	shalt  }
0x56: {  	_ =	shalt  }
0x57: {  	_ =	shalt  }
0x58: {  	_ =	shalt  }
0x59: {  	_ =	shalt  }
0x5a: {  	_ =	shalt  }
0x5b: {  	_ =	shalt  }
0x5c: {  	_ =	shalt  }
0x5d: {  	_ =	shalt  }
0x5e: {  	_ =	shalt  }
0x5f: {  	_ =	shalt  }
0x60: {  	_ =	shalt  }
0x61: {  	_ =	shalt  }
0x62: {  	_ =	shalt  }
0x63: {  	_ =	shalt  }
0x64: {  	_ =	shalt  }
0x65: {  	_ =	shalt  }
0x66: {  	_ =	shalt  }
0x67: {  	_ =	shalt  }
0x68: {  	_ =	shalt  }
0x69: {  	_ =	shalt  }
0x6a: {  	_ =	shalt  }
0x6b: {  	_ =	shalt  }
0x6c: {  	_ =	shalt  }
0x6d: {  	_ =	shalt  }
0x6e: {  	_ =	shalt  }
0x6f: {  	_ =	shalt  }
0x70: {  	_ =	shalt  }
0x71: {  	_ =	shalt  }
0x72: {  	_ =	shalt  }
0x73: {  	_ =	shalt  }
0x74: {  	_ =	shalt  }
0x75: {  	_ =	shalt  }
0x76: {  	_ =	shalt  }
0x77: {  	_ =	shalt  }
0x78: {  	_ =	shalt  }
0x79: {  	_ =	shalt  }
0x7a: {  	_ =	shalt  }
0x7b: {  	_ =	shalt  }
0x7c: {  	_ =	shalt  }
0x7d: {  	_ =	shalt  }
0x7e: {  	_ =	shalt  }
0x7f: {  	_ =	shalt  }
0x80: {  	_ =	shalt  }
0x81: {  	_ =	shalt  }
0x82: {  	_ =	shalt  }
0x83: {  	_ =	shalt  }
0x84: {  	_ =	shalt  }
0x85: {  	_ =	shalt  }
0x86: {  	_ =	shalt  }
0x87: {  	_ =	shalt  }
.Lfunc_end0:
.L_simem_size_0:
called_computation_lowered:
.L_overlay_start_0:
0x88: {  	s2 =	sld [smem:$0x3FD9]  }
0x89: {  	s3 =	sld [smem:$0x3FFE];
	_ =	sdelay $0x1  }
0x8a: {  	s1 =	srdreg.scid  }
0x8b: {  	s0 =	sand.u32 $0x1, s1  }
0x8c: {  	s16 =	sshll.u32 s0, $0xA;
	s2 =	sadd.s32 s3, s2  }
0x8d: {  	s2 =	sadd.s32 s2, s16  }
0x8e: {  	[smem:$0x3FC2] =	sst s2  }
0x8f: {  	_ = 	snop  }
0x90: {  	(tm) =	ssettm $0x1  }
0x91: {  	s17 =	sld [smem:$0x3FFB];
	_ =	sdelay $0x3  }
0x92: {  	_ =	strace s17  }
0x93: {  	s2 =	sld [smem:$0x3FFC];
	_ =	sdelay $0x3  }
0x94: {  	_ =	strace s2  }
0x95: {  	s2 =	sld [smem:$0x3FFD];
	_ =	sdelay $0x3  }
0x96: {  	_ =	strace s2  }
0x97: {  	_ =	strace $0x8FFFFFFF  }
0x98: {  	s18 =	sld [smem:$0x3FDB];
	_ =	sdelay $0x1  }
0x99: {  	s19 =	simm.s32 $_scs_section_size  }
0x9a: {  	s4 =	simm.s32 $_size__tile_overlayer_lowered;
	s5 =	simm.s32 $_tile_overlayer_lowered  }
0x9b: {  	s22 =	simm.s32 $0x1BFF;
	s21 =	sshll.u32 s5, $0x1;
	s2 =	sadd.s32 s19, s18  }
0x9c: {  	s6 =	simm.s32 $0x0;
	s20 =	sshll.u32 s4, $0x1;
	s4 =	sadd.s32 s21, s2  }
0x9d: {  	[timem:s6], [sflag:s22] =	dma.local [hbm:s4], s20  }
0x9e: {  	_ =	swait.ge [sflag:s22], s20  }
0x9f: {  	s3 =	ssub.s32 $0x0, s20;
	[sflag:s22] =	ssyncset.done $0x0  }
0xa0: {  	[sflag:s22] =	ssyncadd.s32 s3;
	_ =	sdelay $0x1  }
0xa1: {  	s23 =	simm.s32 $0x1B8B  }
0xa2: {  	_ =	swait.ge [sflag:s23], $0x1  }
0xa3: {  	[sflag:s23] =	ssyncset.done $0x0  }
0xa4: {  	s25 =	simm.s32 $0x1B8E;
	s24 =	sld [smem:$0x3FFE];
	[sflag:s23] =	ssyncadd.s32 $0xFFFFFFFF  }
0xa5: {  	s26 =	simm.s32 $execute0_lowered;
	[smem:$0x3FD2] =	sst s25  }
0xa6: {  	s4 =	sshll.u32 s26, $0x1;
	_ =	strace $0x80000046;
	[dreg:$0x1] =	wrdreg $0xFFFFFFFF  }
0xa7: {  	s28 =	simm.s32 $_size_execute0_lowered;
	s2 =	sadd.s32 s2, s4;
	[dreg:$0x0] =	wrdreg $0x0  }
0xa8: {  	s4 =	sshll.u32 s28, $0x1;
	[dreg:$0x2] =	wrdreg s2  }
0xa9: {  	[dreg:$0x3] =	wrdreg s4  }
0xaa: {  	[dreg:$0x4] =	wrdreg $0xC0  }
0xab: {  	_ =	task [dreg:s6], $0x5FFFF  }
0xac: {  	[dreg:$0x1] =	wrdreg $0xFFFFFFFF  }
0xad: {  	[dreg:$0x0] =	wrdreg $0x60  }
0xae: {  	[dreg:$0x2] =	wrdreg s24  }
0xaf: {  	[dreg:$0x3] =	wrdreg $0x9  }
0xb0: {  	_ =	task.clear_ibuf [dreg:s6], $0x4FFFF;
	_ =	strace $0x90000046  }
0xb1: {  	s29 =	simm.s32 $0x9;
	_ =	strace $0x80000048  }
0xb2: {  	_ =	swait.ge [sflag:s29], $0x1  }
0xb3: {  	[sflag:s29] =	ssyncadd.s32 $0xFFFFFFFF  }
0xb4: {  	_ =	strace $0x90000048  }
0xb5: {  	_ =	sfence  }
0xb6: {  	s30 =	sld [smem:$0x0];
	_ =	sdelay $0x2  }
0xb7: {  	s31 =	sshll.u32 s1, $0xD;
	s1 =	sshrl.u32 s1, $0x2  }
0xb8: {  	s3 =	sand.u32 $0x4000, s31;
	s1 =	sadd.s32 s1, s30  }
0xb9: {  	s0 =	sor.u32 s3, s0;
	s1 =	sshll.u32 s1, $0x11  }
0xba: {  	s0 =	sor.u32 s1, s0  }
0xbb: {  	s0 =	sadd.s32 $0x8F2B, s0  }
0xbc: {  	[sflag:s0] =	ssyncadd.remote.s32 $0x1  }
0xbd: {  	_ =	sfence.sel $0xFFFF  }
0xbe: {  	[dreg:$0x0] =	wrdreg $0xFFFFFFFF;
	(pc) =	sbr.abs _section_cstart, $3  }
0xbf: {  	[dreg:$0x1] =	wrdreg $0xFFFFFFFF  }
0xc0: {  	_ =	task.clear_ibuf [dreg:s6], $0x2FFFF;
	_ =	strace $0x9FFFFFFF  }
0xc1: {  	(tm) =	ssettm $0x7FFFFFFF  }
tec
execute0_lowered:
.L_overlay_start_1:
0x0: {  	(tag) =	ssettag $0x1  }
0x1: {  	s0 =	srdreg.scid  }
0x2: {  	s3 =	sand.u32 $0x1, s0  }
0x3: {  	s4 =	rddreg [dreg:$0x0];
	s0 =	stileid.u32;
	s1 =	sshll.u32 s3, $0x4  }
0x4: {  	s2 =	simm.s32 $0x0;
	s8 =	simm.s32 $0x1;
	s1 =	sor.u32 s0, s1  }
0x5: {  	s9 =	simm.s32 $0x4F00;
	s10 =	simm.s32 $0x400;
	s5 =	sshrl.u32 s1, $0x3  }
0x6: {  	[smem:$0x7FF] =	sst s2;
	s7 =	sshll.u32 s0, $0x7;
	s6 =	smul.u32 $0x13C00, s5  }
0x7: {  	s3 =	ssub.s32 $0x2, s3;
	s7 =	sand.u32 $0x380, s7;
	s5 =	smul.u32 $0x14000, s5  }
0x8: {  	s31 =	sshrl.u32 s3, $0x1;
	s1 =	rddreg [dreg:$0x1];
	s6 =	sor.u32 s7, s6  }
0x9: {  	_ =	strace $0x80000047;
	s5 =	sor.u32 s7, s5;
	s6 =	sshrl.u32 s6, $0x3  }
0xa: {  	s7 =	simm.s32 $0x4F000;
	s5 =	sshrl.u32 s5, $0x3;
	s6 =	sadd.s32 s6, s4  }
0xb: {  	s4 =	sadd.s32 s5, s4;
	s5 =	ssub.s32 s3, s31;
	s3 =	sadd.s32 $0x1E00, s6  }
0xc: {  	v0 =	vimm.f32 $0.0e+00;
	v1 =	vimm.f32 $1.000000000e+00;
	s4 =	sadd.s32 $0x15A00, s4;
	s5 =	smax.u32 s5, $0x1;
	s6 =	simm.s32 $0x80  }
.LBB2_1:
0xd: {  	s11 =	simm.s32 $0x0  }
.LBB2_2:
0xe: {  	p0 =	sne.s32 s11, $0x9FC0  }
.Ltmp0:
0xf: {  	_ = 	snop;
	(pc) =	sbr.rel @p0 .LBB2_2-.Ltmp0, $3  }
0x10: {  	_ =	sdelay $0x1  }
0x11: {  	s12 =	sshra.s32 s11, $0x2  }
0x12: {  	s11 =	sadd.s32 $0x40, s11;
	[tilespmem:s12+$0x4F00] =	vst v0  }
0x13: {  	s11 =	simm.s32 $0x0  }
0x14: {  	s12 =	simm.s32 $0x80;
	s14 =	sadd.s32 $0x0, s3;
	s13 =	simm.s32 $0x100  }
.LBB2_4:
0x15: {  	[tilespmem:s11], [sflag:$0x1] =	stream.strided.gather [hbm4b:s14+s6], $0x100, s7, s6, $0x38;
	[tilespmem:$0x7700] =	vst v63  }
0x16: {  	s14 =	smov.u32 s12;
	s11 =	smov.u32 s13;
	p0 =	sne.s32 s12, $0x2700  }
.Ltmp1:
0x17: {  	s12 =	sadd.s32 $0x80, s12;
	(pc) =	sbr.rel @p0 .LBB2_4-.Ltmp1, $2  }
0x18: {  	_ =	sdelay $0x2  }
0x19: {  	s13 =	sadd.s32 $0x100, s13;
	s14 =	sadd.s32 s14, s3  }
0x1a: {  	[tilespmem:s11], [sflag:$0x1] =	stream.strided.gather [hbm4b:s14+s6], $0x100, s7, s6, $0x38;
	[tilespmem:$0x7700] =	vst v63  }
0x1b: {  	s31 =	simm.s32 $0x0;
	_ =	swait.ge [sflag:s8], $0x4F00  }
0x1c: {  	s12 =	sand.u32 $0x70, s31;
	s11 =	sand.u32 $0x7F00, s31;
	[sflag:s8] =	ssyncset.done $0x0  }
0x1d: {  	s12 =	sor.u32 s12, s11;
	[sflag:s8] =	ssyncadd.s32 $0xFFFFB100  }
0x1e: {  	v2 =	vld [tilespmem:s12+$0x80];
	_ =	sdelay $0x5  }
0x1f: {  	s13 =	simm.s32 $0x10;
	s11 =	simm.s32 $0x20  }
0x20: {  	s13 =	sand.u32 $0x70, s13;
	s14 =	sand.u32 $0x7F00, s11;
	s12 =	simm.s32 $0x20  }
.LBB2_6:
0x21: {  	p0 =	sne.s32 s12, $0x2750;
	s13 =	sor.u32 s13, s14;
	[tilespmem:v2+s9+$0x0] =	vst.idx.add.f32.msk $0xffff, v1  }
0x22: {  	v2 =	vld [tilespmem:s13+$0x80];
	_ =	sdelay $0x2  }
.Ltmp2:
0x23: {  	(pc) =	sbr.rel @p0 .LBB2_6-.Ltmp2, $3  }
0x24: {  	_ =	sdelay $0x1  }
0x25: {  	s11 =	sadd.s32 $0x20, s11  }
0x26: {  	s13 =	sand.u32 $0x70, s12;
	s14 =	sand.u32 $0x7F00, s11;
	s12 =	sadd.s32 $0x10, s12  }
0x27: {  	_ =	sdelay $0x3  }
0x28: {  	s11 =	sor.u32 s13, s14;
	[tilespmem:v2+s9+$0x0] =	vst.idx.add.f32.msk $0xffff, v1  }
0x29: {  	v2 =	vld [tilespmem:s11+$0x80];
	_ =	sdelay $0x5  }
0x2a: {  	s2 =	sadd.s32 $0x1, s2  }
0x2b: {  	p0 =	sne.s32 s2, s5  }
.Ltmp3:
0x2c: {  	[tilespmem:v2+s9+$0x0] =	vst.idx.add.f32.msk $0xffff, v1;
	(pc) =	sbr.rel @p0 .LBB2_1-.Ltmp3, $4  }
0x2d: {  	[hbm4b:s4+s6] =	stream.strided.scatter [tilespmem:s9], [sflag:$0x1], $0x2800, s10, s6, $0x38;
	[tilespmem:$0x7700] =	vst v63  }
0x2e: {  	_ =	swait.ge [sflag:s8], $0x2800  }
0x2f: {  	[sflag:s8] =	ssyncset.done $0x0  }
0x30: {  	[sflag:s8] =	ssyncadd.s32 $0xFFFFD800  }
0x31: {  	_ =	sfence.sel $0x180000  }
0x32: {  	[bflag:$0x0] =	sbarrier.arrive $0xFFFF  }
0x33: {  	p0 =	sne.s32 s0, $0x0;
	_ =	strace $0x90000047  }
0x34: {  	s0 =	sadd.s32 @!p0 $0x100000, s1;
	[bflag:$0x2] =	sbarrier.arrive $0xFFFF  }
0x35: {  	[sflag:s0] =	ssyncadd.tile.s32 @!p0 $0x1;
	_ =	shalt  }
.Lfunc_end2:
_tile_overlayer_lowered:
.L_overlay_start_2:
0x36: {  	(tag) =	ssettag $0x2  }
0x37: {  	s0 =	rddreg [dreg:$0x0];
	s2 =	stileid.u32  }
0x38: {  	s1 =	rddreg [dreg:$0x1];
	p0 =	sne.s32 s2, $0x0  }
0x39: {  	s3 =	rddreg [dreg:$0x2];
	[bflag:$0x3] =	sbarrier.arrive $0xFFFF;
	s2 =	simm.s32 @!p0 $0x1C01  }
0x3a: {  	[timem:s3], [sflag:s2] =	dma.local @!p0 [hbm:s0], s1  }
0x3b: {  	s0 =	simm.s32 @!p0 $0x1  }
0x3c: {  	_ =	swait.ge @!p0 [sflag:s0], s1  }
0x3d: {  	s1 =	ssub.s32 @!p0 $0x0, s1;
	[sflag:s0] =	ssyncset.done @!p0 $0x0  }
0x3e: {  	[sflag:s0] =	ssyncadd.s32 @!p0 s1  }
0x3f: {  	[bflag:$0x3] =	sbarrier.arrive $0xFFFF  }
0x40: {  	_ =	shalt  }

</sc_bundles>
